<compile_context>
chip_gen: v7x
topology: tpu7x:2x2x1
jax: 0.10.2.dev20260603
libtpu: 0.0.44.dev20260713+nightly
codegen_flags: <defaults>
</compile_context>

<pallas_src>
import functools

import jax
import jax.numpy as jnp
from jax import lax
from jax.experimental import pallas as pl
from jax.experimental.pallas import tpu as pltpu
from jax.experimental.pallas import tpu_sc as plsc

N = 10000
E = 320000
NPAD = 10240
D = 64
IN_CH_ = 128
NC, NS = 2, 16
NW = NC * NS
GROUP = 125
G = 80
NBUF = 8
RPS = NPAD // NS
EPS = 1e-5

_mesh = plsc.VectorSubcoreMesh(
    core_axis_name="c", subcore_axis_name="s", num_cores=NC, num_subcores=NS)
_sc_params = pltpu.CompilerParams(use_tc_tiling_on_sc=False)



@functools.partial(
    pl.kernel,
    out_type=jax.ShapeDtypeStruct((NC, NPAD, 4, 16), jnp.float32),
    mesh=_mesh,
    compiler_params=_sc_params,
    scratch_types=[
        pltpu.VMEM((G, GROUP), jnp.int32),
        pltpu.VMEM((GROUP, 16), jnp.float32),
        pltpu.VMEM((128, 16), jnp.float32),
        pltpu.VMEM_SHARED((NPAD, 16), jnp.float32),
    ],
)
def _deg_kernel(edge_hbm, ones_hbm, zeros_hbm, deg_hbm, didx_v, ones_v, zz_v,
                acc_sh):
    cid = lax.axis_index("c")
    sid = lax.axis_index("s")
    wid = sid * NC + cid
    pltpu.sync_copy(edge_hbm.at[1, wid], didx_v)
    pltpu.sync_copy(ones_hbm, ones_v)
    pltpu.sync_copy(zeros_hbm, zz_v)

    @pl.loop(0, RPS // 128)
    def _zero(k):
        pltpu.sync_copy(zz_v, acc_sh.at[pl.ds(sid * RPS + k * 128, 128)])

    plsc.subcore_barrier()

    @pl.loop(0, G)
    def _scat(g):
        pltpu.sync_copy(ones_v, acc_sh.at[didx_v.at[g]], add=True)

    plsc.subcore_barrier()

    @pl.loop(0, RPS // 128)
    def _out(k):
        row = sid * RPS + k * 128
        for j in range(4):
            pltpu.sync_copy(acc_sh.at[pl.ds(row, 128)],
                            deg_hbm.at[cid, pl.ds(row, 128), j])



@functools.partial(
    pl.kernel,
    out_type=jax.ShapeDtypeStruct((NC, NPAD, D), jnp.float32),
    mesh=_mesh,
    compiler_params=_sc_params,
    scratch_types=[
        pltpu.VMEM((G, GROUP), jnp.int32),
        pltpu.VMEM((G, GROUP), jnp.int32),
        pltpu.VMEM((NBUF, GROUP, D), jnp.float32),
        pltpu.VMEM((64, D), jnp.float32),
        pltpu.VMEM_SHARED((NPAD, D), jnp.float32),
        [pltpu.SemaphoreType.DMA] * NBUF,
    ],
)
def _conv_kernel(hs_hbm, edge_hbm, z_hbm, out_hbm,
                 sidx_v, didx_v, rows_v, zz_v, acc_sh, sems):
    cid = lax.axis_index("c")
    sid = lax.axis_index("s")
    wid = sid * NC + cid
    pltpu.sync_copy(edge_hbm.at[0, wid], sidx_v)
    pltpu.sync_copy(edge_hbm.at[1, wid], didx_v)
    pltpu.sync_copy(z_hbm, zz_v)

    @pl.loop(0, RPS // 64)
    def _zero(k):
        pltpu.sync_copy(zz_v, acc_sh.at[pl.ds(sid * RPS + k * 64, 64)])

    plsc.subcore_barrier()

    for b in range(NBUF):
        pltpu.async_copy(hs_hbm.at[sidx_v.at[b]], rows_v.at[b], sems[b])

    @pl.loop(0, G, step=NBUF)
    def _edges(g):
        for b in range(NBUF):
            pltpu.make_async_copy(
                hs_hbm.at[sidx_v.at[b]], rows_v.at[b], sems[b]).wait()
            pltpu.sync_copy(rows_v.at[b], acc_sh.at[didx_v.at[g + b]], add=True)

            @pl.when(g + b + NBUF < G)
            def _():
                pltpu.async_copy(
                    hs_hbm.at[sidx_v.at[g + b + NBUF]], rows_v.at[b], sems[b])

    plsc.subcore_barrier()

    @pl.loop(0, RPS // 128)
    def _out(k):
        row = sid * RPS + k * 128
        pltpu.sync_copy(acc_sh.at[pl.ds(row, 128)],
                        out_hbm.at[cid, pl.ds(row, 128)])



NP = N // 2
NPP = NPAD // 2


def _bn_relu_packed(t, g2, be2):
    mu1 = jnp.mean(t, axis=0, keepdims=True)
    m21 = jnp.mean(t * t, axis=0, keepdims=True)
    mu = (mu1[:, :D] + mu1[:, D:]) * 0.5
    m2 = (m21[:, :D] + m21[:, D:]) * 0.5
    mu = jnp.concatenate([mu, mu], axis=1)
    m2 = jnp.concatenate([m2, m2], axis=1)
    s = lax.rsqrt(m2 - mu * mu + EPS)
    a = s * g2
    return jnp.maximum(t * a + (be2 - mu * a), 0.0)


def _tc_m(x_ref, w_ref, h_ref):
    h_ref[...] = jnp.dot(x_ref[...], w_ref[...],
                         preferred_element_type=jnp.float32)


def _tc_a(h_ref, deg_ref, hs_ref, dinv_ref):
    degsum = deg_ref[0, :NP] + deg_ref[1, :NP] + 1.0
    dinv = lax.rsqrt(degsum)
    dinv_ref[...] = dinv
    hs_ref[...] = h_ref[...] * dinv


def _tc_b(s_ref, hs_ref, dinv_ref, g_ref, be_ref, w_ref, out_ref):
    dinv = dinv_ref[...]
    t = (s_ref[0, :NP] + s_ref[1, :NP] + hs_ref[...]) * dinv
    t = _bn_relu_packed(t, g_ref[...], be_ref[...])
    out_ref[...] = jnp.dot(t, w_ref[...],
                           preferred_element_type=jnp.float32) * dinv


def _tc_c(s_ref, hs_ref, dinv_ref, g_ref, be_ref,
          pw1_ref, pg_ref, pbe_ref, pw2_ref, pb2_ref, ones_ref, out_ref):
    dinv = dinv_ref[...]
    t = (s_ref[0, :NP] + s_ref[1, :NP] + hs_ref[...]) * dinv
    t = _bn_relu_packed(t, g_ref[...], be_ref[...])
    p = jnp.dot(t, pw1_ref[...], preferred_element_type=jnp.float32)
    p = _bn_relu_packed(p, pg_ref[...], pbe_ref[...])
    q = jnp.dot(p, pw2_ref[...], preferred_element_type=jnp.float32)
    q = q + pb2_ref[...]
    q2 = q * q
    ss = jnp.dot(q2, ones_ref[...], preferred_element_type=jnp.float32)
    out_ref[...] = q * lax.rsqrt(jnp.maximum(ss, 1e-24))


_f32 = jnp.float32
_tc_m_call = pl.pallas_call(
    _tc_m, out_shape=jax.ShapeDtypeStruct((NP, 2 * D), _f32))
_tc_a_call = pl.pallas_call(
    _tc_a, out_shape=(jax.ShapeDtypeStruct((NP, 2 * D), _f32),
                      jax.ShapeDtypeStruct((NP, 2 * D), _f32)))
_tc_b_call = pl.pallas_call(
    _tc_b, out_shape=jax.ShapeDtypeStruct((NP, 2 * D), _f32))
_tc_c_call = pl.pallas_call(
    _tc_c, out_shape=jax.ShapeDtypeStruct((NP, 2 * D), _f32))


def _blockdiag(w):
    z = jnp.zeros_like(w)
    return jnp.concatenate(
        [jnp.concatenate([w, z], axis=1), jnp.concatenate([z, w], axis=1)],
        axis=0)


def kernel(x, edge_index, W1, b1, g1, be1, W2, b2, g2, be2,
           Pw1, Pb1, Pg, Pbe, Pw2, Pb2):
    edge4 = edge_index.astype(jnp.int32).reshape(2, NW, G, GROUP)
    ones16 = jnp.ones((GROUP, 16), _f32)
    zeros16 = jnp.zeros((128, 16), _f32)
    zeros64 = jnp.zeros((64, D), _f32)
    dup = lambda v: jnp.concatenate([v, v]).reshape(1, 2 * D)
    g1r, be1r = dup(g1), dup(be1)
    g2r, be2r = dup(g2), dup(be2)
    pgr, pber, pb2r = dup(Pg), dup(Pbe), dup(Pb2)
    w1d = _blockdiag(W1)
    w2d = _blockdiag(W2)
    pw1d = _blockdiag(Pw1)
    pw2d = _blockdiag(Pw2)
    onesd = _blockdiag(jnp.ones((D, D), _f32))
    xp = x.reshape(NP, 2 * IN_CH_)

    deg = _deg_kernel(edge4, ones16, zeros16)
    h1 = _tc_m_call(xp, w1d)
    hs1, dinv_p = _tc_a_call(h1, deg.reshape(NC, NPP, 2 * D))
    s1 = _conv_kernel(hs1.reshape(N, D), edge4, zeros64)
    hs2 = _tc_b_call(s1.reshape(NC, NPP, 2 * D), hs1, dinv_p, g1r, be1r, w2d)
    s2 = _conv_kernel(hs2.reshape(N, D), edge4, zeros64)
    out = _tc_c_call(s2.reshape(NC, NPP, 2 * D), hs2, dinv_p,
                     g2r, be2r, pw1d, pgr, pber, pw2d, pb2r, onesd)
    return out.reshape(N, D)

# --- scband reference (transcript-rebuilt; emitter-appended) ---
"""Pipeline reference for scband-base-gcn-46042049413263 (READ-ONLY COPY).

The authoritative reference and input builder live on the scoring server;
editing this copy changes nothing except your own understanding.
"""

import jax, jax.numpy as jnp
import numpy as np

N_NODES = 10000
N_EDGES = 320000
IN_CH = 128
HID = 64
EMB = 64
EPS = 1e-5


def setup_inputs(seed: int = 0) -> dict:
    key = jax.random.key(seed)
    ks = jax.random.split(key, 16)
    x = jax.random.normal(ks[0], (N_NODES, IN_CH), dtype=jnp.float32)
    edge_index = jax.random.randint(ks[1], (2, N_EDGES), 0, N_NODES, dtype=jnp.int64)
    # GCNConv 1: in_channels -> hidden
    W1 = jax.random.normal(ks[2], (IN_CH, HID), dtype=jnp.float32) * (1.0 / np.sqrt(IN_CH))
    b1 = jnp.zeros((HID,), dtype=jnp.float32)
    g1 = jnp.ones((HID,), dtype=jnp.float32)
    be1 = jnp.zeros((HID,), dtype=jnp.float32)
    # GCNConv 2: hidden -> hidden
    W2 = jax.random.normal(ks[3], (HID, HID), dtype=jnp.float32) * (1.0 / np.sqrt(HID))
    b2 = jnp.zeros((HID,), dtype=jnp.float32)
    g2 = jnp.ones((HID,), dtype=jnp.float32)
    be2 = jnp.zeros((HID,), dtype=jnp.float32)
    # projector: Linear(hid,hid) -> BN -> ReLU -> Dropout -> Linear(hid,emb)
    Pw1 = jax.random.normal(ks[4], (HID, HID), dtype=jnp.float32) * (1.0 / np.sqrt(HID))
    Pb1 = jnp.zeros((HID,), dtype=jnp.float32)
    Pg = jnp.ones((HID,), dtype=jnp.float32)
    Pbe = jnp.zeros((HID,), dtype=jnp.float32)
    Pw2 = jax.random.normal(ks[5], (HID, EMB), dtype=jnp.float32) * (1.0 / np.sqrt(HID))
    Pb2 = jnp.zeros((EMB,), dtype=jnp.float32)
    return {
        'x': x, 'edge_index': edge_index,
        'W1': W1, 'b1': b1, 'g1': g1, 'be1': be1,
        'W2': W2, 'b2': b2, 'g2': g2, 'be2': be2,
        'Pw1': Pw1, 'Pb1': Pb1, 'Pg': Pg, 'Pbe': Pbe, 'Pw2': Pw2, 'Pb2': Pb2,
    }


def _gcn_conv(x, edge_index, W, b):
    # Faithful PyG GCNConv: add self-loops, symmetric normalization, scatter-add
    N = x.shape[0]
    loop = jnp.arange(N, dtype=edge_index.dtype)
    src = jnp.concatenate([edge_index[0], loop])
    dst = jnp.concatenate([edge_index[1], loop])
    deg = jnp.zeros((N,), dtype=x.dtype).at[dst].add(1.0)
    dinv = jnp.where(deg > 0, 1.0 / jnp.sqrt(deg), 0.0)
    norm = dinv[src] * dinv[dst]
    h = x @ W
    msg = h[src] * norm[:, None]
    out = jnp.zeros((N, W.shape[1]), dtype=x.dtype).at[dst].add(msg)
    return out + b


def _bn(x, gamma, beta):
    # BatchNorm1d (training-mode batch statistics, biased variance, eps=1e-5)
    mean = jnp.mean(x, axis=0)
    var = jnp.var(x, axis=0)
    xn = (x - mean) / jnp.sqrt(var + EPS)
    return xn * gamma + beta


def _l2norm(x):
    n = jnp.sqrt(jnp.sum(x * x, axis=1, keepdims=True))
    return x / jnp.maximum(n, 1e-12)


def reference(x, edge_index, W1, b1, g1, be1, W2, b2, g2, be2, Pw1, Pb1, Pg, Pbe, Pw2, Pb2):
    h = _gcn_conv(x, edge_index, W1, b1)
    h = _bn(h, g1, be1)
    h = jax.nn.relu(h)
    # dropout is identity at inference
    h = _gcn_conv(h, edge_index, W2, b2)
    h = _bn(h, g2, be2)
    h = jax.nn.relu(h)
    # projector
    p = h @ Pw1 + Pb1
    p = _bn(p, Pg, Pbe)
    p = jax.nn.relu(p)
    p = p @ Pw2 + Pb2
    embeddings = _l2norm(p)
    return embeddings

if __name__ == "__main__":
    import jax
    _d = setup_inputs()
    print(jax.jit(kernel)(*tuple(_d.values())))

</pallas_src>

<mosaic_0001>
#map = affine_map<(d0, d1) -> (0, 0)>
#map1 = affine_map<(d0, d1) -> (0, 0, 0, 0)>
#map2 = affine_map<(d0, d1) -> (0, 0, 0)>
module attributes {stable_mosaic.version = 14 : i64} {
  func.func @_conv_kernel(%arg0: i32, %arg1: i32, %arg2: memref<10000x64xf32, #tpu.memory_space<hbm>>, %arg3: memref<2x32x80x125xi32, #tpu.memory_space<hbm>>, %arg4: memref<64x64xf32, #tpu.memory_space<hbm>>, %arg5: memref<2x10240x64xf32, #tpu.memory_space<hbm>>, %arg6: memref<80x125xi32, #tpu.memory_space<vmem>>, %arg7: memref<80x125xi32, #tpu.memory_space<vmem>>, %arg8: memref<8x125x64xf32, #tpu.memory_space<vmem>>, %arg9: memref<64x64xf32, #tpu.memory_space<vmem>>, %arg10: memref<10240x64xf32, #tpu.memory_space<vmem_shared>>, %arg11: memref<!tpu.dma_semaphore, #tpu.memory_space<semaphore_mem>>, %arg12: memref<!tpu.dma_semaphore, #tpu.memory_space<semaphore_mem>>, %arg13: memref<!tpu.dma_semaphore, #tpu.memory_space<semaphore_mem>>, %arg14: memref<!tpu.dma_semaphore, #tpu.memory_space<semaphore_mem>>, %arg15: memref<!tpu.dma_semaphore, #tpu.memory_space<semaphore_mem>>, %arg16: memref<!tpu.dma_semaphore, #tpu.memory_space<semaphore_mem>>, %arg17: memref<!tpu.dma_semaphore, #tpu.memory_space<semaphore_mem>>, %arg18: memref<!tpu.dma_semaphore, #tpu.memory_space<semaphore_mem>>) attributes {dimension_semantics = [#tpu.dimension_semantics<core_parallel>, #tpu.dimension_semantics<subcore_parallel>], iteration_bounds = array<i64: 2, 16>, scalar_prefetch = 0 : i64, scratch_operands = 13 : i64, tpu.core_type = #tpu.core_type<sc_vector_subcore>, window_params = [{transform_indices = #map}, {transform_indices = #map1}, {transform_indices = #map}, {transform_indices = #map2}]} {
    %mul3A = arith.constant 2 : i32
    %mul3A_0 = arith.muli %arg1, %mul3A : i32
    %add3A = arith.addi %mul3A_0, %arg0 : i32
    %run_scoped3A = arith.constant 0 : i32
    "tpu.region"() ({
      %run_scoped3A_112 = tpu.sem_alloc : memref<!tpu.dma_semaphore, #tpu.memory_space<semaphore_mem>>
      %dma_start3A_113 = arith.constant 0 : i32
      %dma_start3A_114 = arith.constant 0 : i32
      %dma_start3A_115 = tpu.memref_slice %arg3[%run_scoped3A, %add3A, %dma_start3A_113, %dma_start3A_114] : memref<2x32x80x125xi32, #tpu.memory_space<hbm>> -> memref<1x1x80x125xi32, #tpu.memory_space<hbm>>
      %dma_start3A_116 = tpu.memref_squeeze %dma_start3A_115 : memref<1x1x80x125xi32, #tpu.memory_space<hbm>> -> memref<80x125xi32, #tpu.memory_space<hbm>>
      %dma_start3A_117 = arith.constant 0 : i32
      %dma_start3A_118 = arith.constant 0 : i32
      %dma_start3A_119 = tpu.memref_slice %arg3[%run_scoped3A, %add3A, %dma_start3A_117, %dma_start3A_118] : memref<2x32x80x125xi32, #tpu.memory_space<hbm>> -> memref<1x1x80x125xi32, #tpu.memory_space<hbm>>
      %dma_start3A_120 = tpu.memref_squeeze %dma_start3A_119 : memref<1x1x80x125xi32, #tpu.memory_space<hbm>> -> memref<80x125xi32, #tpu.memory_space<hbm>>
      tpu.enqueue_dma source(%dma_start3A_120 : memref<80x125xi32, #tpu.memory_space<hbm>>) target(%arg6 : memref<80x125xi32, #tpu.memory_space<vmem>>) target_semaphore(%run_scoped3A_112 : memref<!tpu.dma_semaphore, #tpu.memory_space<semaphore_mem>>)
      %dma_wait3A = arith.constant 0 : i32
      %dma_wait3A_121 = arith.constant 0 : i32
      %dma_wait3A_122 = tpu.memref_slice %arg3[%run_scoped3A, %add3A, %dma_wait3A, %dma_wait3A_121] : memref<2x32x80x125xi32, #tpu.memory_space<hbm>> -> memref<1x1x80x125xi32, #tpu.memory_space<hbm>>
      %dma_wait3A_123 = tpu.memref_squeeze %dma_wait3A_122 : memref<1x1x80x125xi32, #tpu.memory_space<hbm>> -> memref<80x125xi32, #tpu.memory_space<hbm>>
      %dma_wait3A_124 = arith.constant 0 : i32
      %dma_wait3A_125 = arith.constant 0 : i32
      %dma_wait3A_126 = tpu.memref_slice %arg3[%run_scoped3A, %add3A, %dma_wait3A_124, %dma_wait3A_125] : memref<2x32x80x125xi32, #tpu.memory_space<hbm>> -> memref<1x1x80x125xi32, #tpu.memory_space<hbm>>
      %dma_wait3A_127 = tpu.memref_squeeze %dma_wait3A_126 : memref<1x1x80x125xi32, #tpu.memory_space<hbm>> -> memref<80x125xi32, #tpu.memory_space<hbm>>
      tpu.wait_dma2 semaphore(%run_scoped3A_112 : memref<!tpu.dma_semaphore, #tpu.memory_space<semaphore_mem>>) src(%dma_wait3A_127 : memref<80x125xi32, #tpu.memory_space<hbm>>) dst(%arg6 : memref<80x125xi32, #tpu.memory_space<vmem>>)
      tpu.yield
    }) : () -> ()
    %run_scoped3A_1 = arith.constant 1 : i32
    "tpu.region"() ({
      %run_scoped3A_112 = tpu.sem_alloc : memref<!tpu.dma_semaphore, #tpu.memory_space<semaphore_mem>>
      %dma_start3A_113 = arith.constant 0 : i32
      %dma_start3A_114 = arith.constant 0 : i32
      %dma_start3A_115 = tpu.memref_slice %arg3[%run_scoped3A_1, %add3A, %dma_start3A_113, %dma_start3A_114] : memref<2x32x80x125xi32, #tpu.memory_space<hbm>> -> memref<1x1x80x125xi32, #tpu.memory_space<hbm>>
      %dma_start3A_116 = tpu.memref_squeeze %dma_start3A_115 : memref<1x1x80x125xi32, #tpu.memory_space<hbm>> -> memref<80x125xi32, #tpu.memory_space<hbm>>
      %dma_start3A_117 = arith.constant 0 : i32
      %dma_start3A_118 = arith.constant 0 : i32
      %dma_start3A_119 = tpu.memref_slice %arg3[%run_scoped3A_1, %add3A, %dma_start3A_117, %dma_start3A_118] : memref<2x32x80x125xi32, #tpu.memory_space<hbm>> -> memref<1x1x80x125xi32, #tpu.memory_space<hbm>>
      %dma_start3A_120 = tpu.memref_squeeze %dma_start3A_119 : memref<1x1x80x125xi32, #tpu.memory_space<hbm>> -> memref<80x125xi32, #tpu.memory_space<hbm>>
      tpu.enqueue_dma source(%dma_start3A_120 : memref<80x125xi32, #tpu.memory_space<hbm>>) target(%arg7 : memref<80x125xi32, #tpu.memory_space<vmem>>) target_semaphore(%run_scoped3A_112 : memref<!tpu.dma_semaphore, #tpu.memory_space<semaphore_mem>>)
      %dma_wait3A = arith.constant 0 : i32
      %dma_wait3A_121 = arith.constant 0 : i32
      %dma_wait3A_122 = tpu.memref_slice %arg3[%run_scoped3A_1, %add3A, %dma_wait3A, %dma_wait3A_121] : memref<2x32x80x125xi32, #tpu.memory_space<hbm>> -> memref<1x1x80x125xi32, #tpu.memory_space<hbm>>
      %dma_wait3A_123 = tpu.memref_squeeze %dma_wait3A_122 : memref<1x1x80x125xi32, #tpu.memory_space<hbm>> -> memref<80x125xi32, #tpu.memory_space<hbm>>
      %dma_wait3A_124 = arith.constant 0 : i32
      %dma_wait3A_125 = arith.constant 0 : i32
      %dma_wait3A_126 = tpu.memref_slice %arg3[%run_scoped3A_1, %add3A, %dma_wait3A_124, %dma_wait3A_125] : memref<2x32x80x125xi32, #tpu.memory_space<hbm>> -> memref<1x1x80x125xi32, #tpu.memory_space<hbm>>
      %dma_wait3A_127 = tpu.memref_squeeze %dma_wait3A_126 : memref<1x1x80x125xi32, #tpu.memory_space<hbm>> -> memref<80x125xi32, #tpu.memory_space<hbm>>
      tpu.wait_dma2 semaphore(%run_scoped3A_112 : memref<!tpu.dma_semaphore, #tpu.memory_space<semaphore_mem>>) src(%dma_wait3A_127 : memref<80x125xi32, #tpu.memory_space<hbm>>) dst(%arg7 : memref<80x125xi32, #tpu.memory_space<vmem>>)
      tpu.yield
    }) : () -> ()
    "tpu.region"() ({
      %run_scoped3A_112 = tpu.sem_alloc : memref<!tpu.dma_semaphore, #tpu.memory_space<semaphore_mem>>
      tpu.enqueue_dma source(%arg4 : memref<64x64xf32, #tpu.memory_space<hbm>>) target(%arg9 : memref<64x64xf32, #tpu.memory_space<vmem>>) target_semaphore(%run_scoped3A_112 : memref<!tpu.dma_semaphore, #tpu.memory_space<semaphore_mem>>)
      tpu.wait_dma2 semaphore(%run_scoped3A_112 : memref<!tpu.dma_semaphore, #tpu.memory_space<semaphore_mem>>) src(%arg4 : memref<64x64xf32, #tpu.memory_space<hbm>>) dst(%arg9 : memref<64x64xf32, #tpu.memory_space<vmem>>)
      tpu.yield
    }) : () -> ()
    %scan3A = arith.constant 0 : i32
    %scan3A_2 = arith.constant 10 : i32
    %scan3A_3 = arith.addi %scan3A, %scan3A_2 : i32
    %scan3A_4 = arith.constant 1 : i32
    scf.for %scan3A_112 = %scan3A to %scan3A_3 step %scan3A_4  : i32 {
      %mul3A_113 = arith.constant 1 : i32
      %mul3A_114 = arith.muli %scan3A_112, %mul3A_113 : i32
      %add3A_115 = arith.constant 0 : i32
      %add3A_116 = arith.addi %add3A_115, %mul3A_114 : i32
      %mul3A_117 = arith.constant 640 : i32
      %mul3A_118 = arith.muli %arg1, %mul3A_117 : i32
      %mul3A_119 = arith.constant 64 : i32
      %mul3A_120 = arith.muli %add3A_116, %mul3A_119 : i32
      %add3A_121 = arith.addi %mul3A_118, %mul3A_120 : i32
      "tpu.region"() ({
        %run_scoped3A_122 = tpu.sem_alloc : memref<!tpu.dma_semaphore, #tpu.memory_space<semaphore_mem>>
        %dma_start3A_123 = arith.constant 0 : i32
        %dma_start3A_124 = tpu.memref_slice %arg10[%add3A_121, %dma_start3A_123] : memref<10240x64xf32, #tpu.memory_space<vmem_shared>> -> memref<64x64xf32, #tpu.memory_space<vmem_shared>>
        %dma_start3A_125 = arith.constant 0 : i32
        %dma_start3A_126 = tpu.memref_slice %arg10[%add3A_121, %dma_start3A_125] : memref<10240x64xf32, #tpu.memory_space<vmem_shared>> -> memref<64x64xf32, #tpu.memory_space<vmem_shared>>
        tpu.enqueue_dma source(%arg9 : memref<64x64xf32, #tpu.memory_space<vmem>>) target(%dma_start3A_126 : memref<64x64xf32, #tpu.memory_space<vmem_shared>>) target_semaphore(%run_scoped3A_122 : memref<!tpu.dma_semaphore, #tpu.memory_space<semaphore_mem>>)
        %dma_wait3A = arith.constant 0 : i32
        %dma_wait3A_127 = tpu.memref_slice %arg10[%add3A_121, %dma_wait3A] : memref<10240x64xf32, #tpu.memory_space<vmem_shared>> -> memref<64x64xf32, #tpu.memory_space<vmem_shared>>
        %dma_wait3A_128 = arith.constant 0 : i32
        %dma_wait3A_129 = tpu.memref_slice %arg10[%add3A_121, %dma_wait3A_128] : memref<10240x64xf32, #tpu.memory_space<vmem_shared>> -> memref<64x64xf32, #tpu.memory_space<vmem_shared>>
        tpu.wait_dma2 semaphore(%run_scoped3A_122 : memref<!tpu.dma_semaphore, #tpu.memory_space<semaphore_mem>>) src(%arg9 : memref<64x64xf32, #tpu.memory_space<vmem>>) dst(%dma_wait3A_129 : memref<64x64xf32, #tpu.memory_space<vmem_shared>>)
        tpu.yield
      }) : () -> ()
    }
    %scan3A_5 = arith.constant 10 : i32
    %barrier3A = arith.constant 0 : index
    tpu.barrier barrier_id(%barrier3A)
    %dma_start3A = arith.constant 0 : i32
    %dma_start3A_6 = arith.constant 0 : i32
    %dma_start3A_7 = arith.constant 0 : i32
    %dma_start3A_8 = arith.constant 0 : i32
    %dma_start3A_9 = tpu.memref_slice %arg8[%dma_start3A_6, %dma_start3A_7, %dma_start3A_8] : memref<8x125x64xf32, #tpu.memory_space<vmem>> -> memref<1x125x64xf32, #tpu.memory_space<vmem>>
    %dma_start3A_10 = tpu.memref_squeeze %dma_start3A_9 : memref<1x125x64xf32, #tpu.memory_space<vmem>> -> memref<125x64xf32, #tpu.memory_space<vmem>>
    %dma_start3A_11 = arith.constant 0 : i32
    %dma_start3A_12 = tpu.memref_slice %arg6[%dma_start3A, %dma_start3A_11] : memref<80x125xi32, #tpu.memory_space<vmem>> -> memref<1x125xi32, #tpu.memory_space<vmem>>
    %dma_start3A_13 = tpu.memref_squeeze %dma_start3A_12 : memref<1x125xi32, #tpu.memory_space<vmem>> -> memref<125xi32, #tpu.memory_space<vmem>>
    %dma_start3A_14 = arith.constant 0 : i32
    %dma_start3A_15 = arith.constant 0 : i32
    %dma_start3A_16 = tpu.memref_slice %arg2[%dma_start3A_14, %dma_start3A_15] : memref<10000x64xf32, #tpu.memory_space<hbm>> -> memref<10000x64xf32, #tpu.memory_space<hbm>>
    tpu.enqueue_indirect_dma source(%dma_start3A_16 : memref<10000x64xf32, #tpu.memory_space<hbm>>) target(%dma_start3A_10 : memref<125x64xf32, #tpu.memory_space<vmem>>) offsets(%dma_start3A_13 : memref<125xi32, #tpu.memory_space<vmem>>) semaphore(%arg11 : memref<!tpu.dma_semaphore, #tpu.memory_space<semaphore_mem>>)
    %dma_start3A_17 = arith.constant 1 : i32
    %dma_start3A_18 = arith.constant 1 : i32
    %dma_start3A_19 = arith.constant 0 : i32
    %dma_start3A_20 = arith.constant 0 : i32
    %dma_start3A_21 = tpu.memref_slice %arg8[%dma_start3A_18, %dma_start3A_19, %dma_start3A_20] : memref<8x125x64xf32, #tpu.memory_space<vmem>> -> memref<1x125x64xf32, #tpu.memory_space<vmem>>
    %dma_start3A_22 = tpu.memref_squeeze %dma_start3A_21 : memref<1x125x64xf32, #tpu.memory_space<vmem>> -> memref<125x64xf32, #tpu.memory_space<vmem>>
    %dma_start3A_23 = arith.constant 0 : i32
    %dma_start3A_24 = tpu.memref_slice %arg6[%dma_start3A_17, %dma_start3A_23] : memref<80x125xi32, #tpu.memory_space<vmem>> -> memref<1x125xi32, #tpu.memory_space<vmem>>
    %dma_start3A_25 = tpu.memref_squeeze %dma_start3A_24 : memref<1x125xi32, #tpu.memory_space<vmem>> -> memref<125xi32, #tpu.memory_space<vmem>>
    %dma_start3A_26 = arith.constant 0 : i32
    %dma_start3A_27 = arith.constant 0 : i32
    %dma_start3A_28 = tpu.memref_slice %arg2[%dma_start3A_26, %dma_start3A_27] : memref<10000x64xf32, #tpu.memory_space<hbm>> -> memref<10000x64xf32, #tpu.memory_space<hbm>>
    tpu.enqueue_indirect_dma source(%dma_start3A_28 : memref<10000x64xf32, #tpu.memory_space<hbm>>) target(%dma_start3A_22 : memref<125x64xf32, #tpu.memory_space<vmem>>) offsets(%dma_start3A_25 : memref<125xi32, #tpu.memory_space<vmem>>) semaphore(%arg12 : memref<!tpu.dma_semaphore, #tpu.memory_space<semaphore_mem>>)
    %dma_start3A_29 = arith.constant 2 : i32
    %dma_start3A_30 = arith.constant 2 : i32
    %dma_start3A_31 = arith.constant 0 : i32
    %dma_start3A_32 = arith.constant 0 : i32
    %dma_start3A_33 = tpu.memref_slice %arg8[%dma_start3A_30, %dma_start3A_31, %dma_start3A_32] : memref<8x125x64xf32, #tpu.memory_space<vmem>> -> memref<1x125x64xf32, #tpu.memory_space<vmem>>
    %dma_start3A_34 = tpu.memref_squeeze %dma_start3A_33 : memref<1x125x64xf32, #tpu.memory_space<vmem>> -> memref<125x64xf32, #tpu.memory_space<vmem>>
    %dma_start3A_35 = arith.constant 0 : i32
    %dma_start3A_36 = tpu.memref_slice %arg6[%dma_start3A_29, %dma_start3A_35] : memref<80x125xi32, #tpu.memory_space<vmem>> -> memref<1x125xi32, #tpu.memory_space<vmem>>
    %dma_start3A_37 = tpu.memref_squeeze %dma_start3A_36 : memref<1x125xi32, #tpu.memory_space<vmem>> -> memref<125xi32, #tpu.memory_space<vmem>>
    %dma_start3A_38 = arith.constant 0 : i32
    %dma_start3A_39 = arith.constant 0 : i32
    %dma_start3A_40 = tpu.memref_slice %arg2[%dma_start3A_38, %dma_start3A_39] : memref<10000x64xf32, #tpu.memory_space<hbm>> -> memref<10000x64xf32, #tpu.memory_space<hbm>>
    tpu.enqueue_indirect_dma source(%dma_start3A_40 : memref<10000x64xf32, #tpu.memory_space<hbm>>) target(%dma_start3A_34 : memref<125x64xf32, #tpu.memory_space<vmem>>) offsets(%dma_start3A_37 : memref<125xi32, #tpu.memory_space<vmem>>) semaphore(%arg13 : memref<!tpu.dma_semaphore, #tpu.memory_space<semaphore_mem>>)
    %dma_start3A_41 = arith.constant 3 : i32
    %dma_start3A_42 = arith.constant 3 : i32
    %dma_start3A_43 = arith.constant 0 : i32
    %dma_start3A_44 = arith.constant 0 : i32
    %dma_start3A_45 = tpu.memref_slice %arg8[%dma_start3A_42, %dma_start3A_43, %dma_start3A_44] : memref<8x125x64xf32, #tpu.memory_space<vmem>> -> memref<1x125x64xf32, #tpu.memory_space<vmem>>
    %dma_start3A_46 = tpu.memref_squeeze %dma_start3A_45 : memref<1x125x64xf32, #tpu.memory_space<vmem>> -> memref<125x64xf32, #tpu.memory_space<vmem>>
    %dma_start3A_47 = arith.constant 0 : i32
    %dma_start3A_48 = tpu.memref_slice %arg6[%dma_start3A_41, %dma_start3A_47] : memref<80x125xi32, #tpu.memory_space<vmem>> -> memref<1x125xi32, #tpu.memory_space<vmem>>
    %dma_start3A_49 = tpu.memref_squeeze %dma_start3A_48 : memref<1x125xi32, #tpu.memory_space<vmem>> -> memref<125xi32, #tpu.memory_space<vmem>>
    %dma_start3A_50 = arith.constant 0 : i32
    %dma_start3A_51 = arith.constant 0 : i32
    %dma_start3A_52 = tpu.memref_slice %arg2[%dma_start3A_50, %dma_start3A_51] : memref<10000x64xf32, #tpu.memory_space<hbm>> -> memref<10000x64xf32, #tpu.memory_space<hbm>>
    tpu.enqueue_indirect_dma source(%dma_start3A_52 : memref<10000x64xf32, #tpu.memory_space<hbm>>) target(%dma_start3A_46 : memref<125x64xf32, #tpu.memory_space<vmem>>) offsets(%dma_start3A_49 : memref<125xi32, #tpu.memory_space<vmem>>) semaphore(%arg14 : memref<!tpu.dma_semaphore, #tpu.memory_space<semaphore_mem>>)
    %dma_start3A_53 = arith.constant 4 : i32
    %dma_start3A_54 = arith.constant 4 : i32
    %dma_start3A_55 = arith.constant 0 : i32
    %dma_start3A_56 = arith.constant 0 : i32
    %dma_start3A_57 = tpu.memref_slice %arg8[%dma_start3A_54, %dma_start3A_55, %dma_start3A_56] : memref<8x125x64xf32, #tpu.memory_space<vmem>> -> memref<1x125x64xf32, #tpu.memory_space<vmem>>
    %dma_start3A_58 = tpu.memref_squeeze %dma_start3A_57 : memref<1x125x64xf32, #tpu.memory_space<vmem>> -> memref<125x64xf32, #tpu.memory_space<vmem>>
    %dma_start3A_59 = arith.constant 0 : i32
    %dma_start3A_60 = tpu.memref_slice %arg6[%dma_start3A_53, %dma_start3A_59] : memref<80x125xi32, #tpu.memory_space<vmem>> -> memref<1x125xi32, #tpu.memory_space<vmem>>
    %dma_start3A_61 = tpu.memref_squeeze %dma_start3A_60 : memref<1x125xi32, #tpu.memory_space<vmem>> -> memref<125xi32, #tpu.memory_space<vmem>>
    %dma_start3A_62 = arith.constant 0 : i32
    %dma_start3A_63 = arith.constant 0 : i32
    %dma_start3A_64 = tpu.memref_slice %arg2[%dma_start3A_62, %dma_start3A_63] : memref<10000x64xf32, #tpu.memory_space<hbm>> -> memref<10000x64xf32, #tpu.memory_space<hbm>>
    tpu.enqueue_indirect_dma source(%dma_start3A_64 : memref<10000x64xf32, #tpu.memory_space<hbm>>) target(%dma_start3A_58 : memref<125x64xf32, #tpu.memory_space<vmem>>) offsets(%dma_start3A_61 : memref<125xi32, #tpu.memory_space<vmem>>) semaphore(%arg15 : memref<!tpu.dma_semaphore, #tpu.memory_space<semaphore_mem>>)
    %dma_start3A_65 = arith.constant 5 : i32
    %dma_start3A_66 = arith.constant 5 : i32
    %dma_start3A_67 = arith.constant 0 : i32
    %dma_start3A_68 = arith.constant 0 : i32
    %dma_start3A_69 = tpu.memref_slice %arg8[%dma_start3A_66, %dma_start3A_67, %dma_start3A_68] : memref<8x125x64xf32, #tpu.memory_space<vmem>> -> memref<1x125x64xf32, #tpu.memory_space<vmem>>
    %dma_start3A_70 = tpu.memref_squeeze %dma_start3A_69 : memref<1x125x64xf32, #tpu.memory_space<vmem>> -> memref<125x64xf32, #tpu.memory_space<vmem>>
    %dma_start3A_71 = arith.constant 0 : i32
    %dma_start3A_72 = tpu.memref_slice %arg6[%dma_start3A_65, %dma_start3A_71] : memref<80x125xi32, #tpu.memory_space<vmem>> -> memref<1x125xi32, #tpu.memory_space<vmem>>
    %dma_start3A_73 = tpu.memref_squeeze %dma_start3A_72 : memref<1x125xi32, #tpu.memory_space<vmem>> -> memref<125xi32, #tpu.memory_space<vmem>>
    %dma_start3A_74 = arith.constant 0 : i32
    %dma_start3A_75 = arith.constant 0 : i32
    %dma_start3A_76 = tpu.memref_slice %arg2[%dma_start3A_74, %dma_start3A_75] : memref<10000x64xf32, #tpu.memory_space<hbm>> -> memref<10000x64xf32, #tpu.memory_space<hbm>>
    tpu.enqueue_indirect_dma source(%dma_start3A_76 : memref<10000x64xf32, #tpu.memory_space<hbm>>) target(%dma_start3A_70 : memref<125x64xf32, #tpu.memory_space<vmem>>) offsets(%dma_start3A_73 : memref<125xi32, #tpu.memory_space<vmem>>) semaphore(%arg16 : memref<!tpu.dma_semaphore, #tpu.memory_space<semaphore_mem>>)
    %dma_start3A_77 = arith.constant 6 : i32
    %dma_start3A_78 = arith.constant 6 : i32
    %dma_start3A_79 = arith.constant 0 : i32
    %dma_start3A_80 = arith.constant 0 : i32
    %dma_start3A_81 = tpu.memref_slice %arg8[%dma_start3A_78, %dma_start3A_79, %dma_start3A_80] : memref<8x125x64xf32, #tpu.memory_space<vmem>> -> memref<1x125x64xf32, #tpu.memory_space<vmem>>
    %dma_start3A_82 = tpu.memref_squeeze %dma_start3A_81 : memref<1x125x64xf32, #tpu.memory_space<vmem>> -> memref<125x64xf32, #tpu.memory_space<vmem>>
    %dma_start3A_83 = arith.constant 0 : i32
    %dma_start3A_84 = tpu.memref_slice %arg6[%dma_start3A_77, %dma_start3A_83] : memref<80x125xi32, #tpu.memory_space<vmem>> -> memref<1x125xi32, #tpu.memory_space<vmem>>
    %dma_start3A_85 = tpu.memref_squeeze %dma_start3A_84 : memref<1x125xi32, #tpu.memory_space<vmem>> -> memref<125xi32, #tpu.memory_space<vmem>>
    %dma_start3A_86 = arith.constant 0 : i32
    %dma_start3A_87 = arith.constant 0 : i32
    %dma_start3A_88 = tpu.memref_slice %arg2[%dma_start3A_86, %dma_start3A_87] : memref<10000x64xf32, #tpu.memory_space<hbm>> -> memref<10000x64xf32, #tpu.memory_space<hbm>>
    tpu.enqueue_indirect_dma source(%dma_start3A_88 : memref<10000x64xf32, #tpu.memory_space<hbm>>) target(%dma_start3A_82 : memref<125x64xf32, #tpu.memory_space<vmem>>) offsets(%dma_start3A_85 : memref<125xi32, #tpu.memory_space<vmem>>) semaphore(%arg17 : memref<!tpu.dma_semaphore, #tpu.memory_space<semaphore_mem>>)
    %dma_start3A_89 = arith.constant 7 : i32
    %dma_start3A_90 = arith.constant 7 : i32
    %dma_start3A_91 = arith.constant 0 : i32
    %dma_start3A_92 = arith.constant 0 : i32
    %dma_start3A_93 = tpu.memref_slice %arg8[%dma_start3A_90, %dma_start3A_91, %dma_start3A_92] : memref<8x125x64xf32, #tpu.memory_space<vmem>> -> memref<1x125x64xf32, #tpu.memory_space<vmem>>
    %dma_start3A_94 = tpu.memref_squeeze %dma_start3A_93 : memref<1x125x64xf32, #tpu.memory_space<vmem>> -> memref<125x64xf32, #tpu.memory_space<vmem>>
    %dma_start3A_95 = arith.constant 0 : i32
    %dma_start3A_96 = tpu.memref_slice %arg6[%dma_start3A_89, %dma_start3A_95] : memref<80x125xi32, #tpu.memory_space<vmem>> -> memref<1x125xi32, #tpu.memory_space<vmem>>
    %dma_start3A_97 = tpu.memref_squeeze %dma_start3A_96 : memref<1x125xi32, #tpu.memory_space<vmem>> -> memref<125xi32, #tpu.memory_space<vmem>>
    %dma_start3A_98 = arith.constant 0 : i32
    %dma_start3A_99 = arith.constant 0 : i32
    %dma_start3A_100 = tpu.memref_slice %arg2[%dma_start3A_98, %dma_start3A_99] : memref<10000x64xf32, #tpu.memory_space<hbm>> -> memref<10000x64xf32, #tpu.memory_space<hbm>>
    tpu.enqueue_indirect_dma source(%dma_start3A_100 : memref<10000x64xf32, #tpu.memory_space<hbm>>) target(%dma_start3A_94 : memref<125x64xf32, #tpu.memory_space<vmem>>) offsets(%dma_start3A_97 : memref<125xi32, #tpu.memory_space<vmem>>) semaphore(%arg18 : memref<!tpu.dma_semaphore, #tpu.memory_space<semaphore_mem>>)
    %scan3A_101 = arith.constant 0 : i32
    %scan3A_102 = arith.constant 10 : i32
    %scan3A_103 = arith.addi %scan3A_101, %scan3A_102 : i32
    %scan3A_104 = arith.constant 1 : i32
    scf.for %scan3A_112 = %scan3A_101 to %scan3A_103 step %scan3A_104  : i32 {
      %mul3A_113 = arith.constant 8 : i32
      %mul3A_114 = arith.muli %scan3A_112, %mul3A_113 : i32
      %add3A_115 = arith.constant 0 : i32
      %add3A_116 = arith.addi %add3A_115, %mul3A_114 : i32
      %dma_wait3A = arith.constant 0 : i32
      %dma_wait3A_117 = arith.constant 0 : i32
      %dma_wait3A_118 = arith.constant 0 : i32
      %dma_wait3A_119 = arith.constant 0 : i32
      %dma_wait3A_120 = tpu.memref_slice %arg8[%dma_wait3A_117, %dma_wait3A_118, %dma_wait3A_119] : memref<8x125x64xf32, #tpu.memory_space<vmem>> -> memref<1x125x64xf32, #tpu.memory_space<vmem>>
      %dma_wait3A_121 = tpu.memref_squeeze %dma_wait3A_120 : memref<1x125x64xf32, #tpu.memory_space<vmem>> -> memref<125x64xf32, #tpu.memory_space<vmem>>
      %dma_wait3A_122 = arith.constant 0 : i32
      %dma_wait3A_123 = tpu.memref_slice %arg6[%dma_wait3A, %dma_wait3A_122] : memref<80x125xi32, #tpu.memory_space<vmem>> -> memref<1x125xi32, #tpu.memory_space<vmem>>
      %dma_wait3A_124 = tpu.memref_squeeze %dma_wait3A_123 : memref<1x125xi32, #tpu.memory_space<vmem>> -> memref<125xi32, #tpu.memory_space<vmem>>
      %dma_wait3A_125 = arith.constant 0 : i32
      %dma_wait3A_126 = arith.constant 0 : i32
      %dma_wait3A_127 = tpu.memref_slice %arg2[%dma_wait3A_125, %dma_wait3A_126] : memref<10000x64xf32, #tpu.memory_space<hbm>> -> memref<10000x64xf32, #tpu.memory_space<hbm>>
      tpu.wait_indirect_dma semaphore(%arg11 : memref<!tpu.dma_semaphore, #tpu.memory_space<semaphore_mem>>) src(%dma_wait3A_127 : memref<10000x64xf32, #tpu.memory_space<hbm>>) dst(%dma_wait3A_121 : memref<125x64xf32, #tpu.memory_space<vmem>>)
      %add3A_128 = arith.constant 0 : i32
      %add3A_129 = arith.addi %add3A_116, %add3A_128 : i32
      %run_scoped3A_130 = arith.constant 0 : i32
      "tpu.region"() ({
        %run_scoped3A_305 = tpu.sem_alloc : memref<!tpu.dma_semaphore, #tpu.memory_space<semaphore_mem>>
        %dma_start3A_306 = arith.constant 0 : i32
        %dma_start3A_307 = arith.constant 0 : i32
        %dma_start3A_308 = tpu.memref_slice %arg8[%run_scoped3A_130, %dma_start3A_306, %dma_start3A_307] : memref<8x125x64xf32, #tpu.memory_space<vmem>> -> memref<1x125x64xf32, #tpu.memory_space<vmem>>
        %dma_start3A_309 = tpu.memref_squeeze %dma_start3A_308 : memref<1x125x64xf32, #tpu.memory_space<vmem>> -> memref<125x64xf32, #tpu.memory_space<vmem>>
        %dma_start3A_310 = arith.constant 0 : i32
        %dma_start3A_311 = tpu.memref_slice %arg7[%add3A_129, %dma_start3A_310] : memref<80x125xi32, #tpu.memory_space<vmem>> -> memref<1x125xi32, #tpu.memory_space<vmem>>
        %dma_start3A_312 = tpu.memref_squeeze %dma_start3A_311 : memref<1x125xi32, #tpu.memory_space<vmem>> -> memref<125xi32, #tpu.memory_space<vmem>>
        %dma_start3A_313 = arith.constant 0 : i32
        %dma_start3A_314 = arith.constant 0 : i32
        %dma_start3A_315 = tpu.memref_slice %arg10[%dma_start3A_313, %dma_start3A_314] : memref<10240x64xf32, #tpu.memory_space<vmem_shared>> -> memref<10240x64xf32, #tpu.memory_space<vmem_shared>>
        tpu.enqueue_indirect_dma source(%dma_start3A_309 : memref<125x64xf32, #tpu.memory_space<vmem>>) target(%dma_start3A_315 : memref<10240x64xf32, #tpu.memory_space<vmem_shared>>) offsets(%dma_start3A_312 : memref<125xi32, #tpu.memory_space<vmem>>) semaphore(%run_scoped3A_305 : memref<!tpu.dma_semaphore, #tpu.memory_space<semaphore_mem>>) {add = true}
        %dma_wait3A_316 = arith.constant 0 : i32
        %dma_wait3A_317 = arith.constant 0 : i32
        %dma_wait3A_318 = tpu.memref_slice %arg8[%run_scoped3A_130, %dma_wait3A_316, %dma_wait3A_317] : memref<8x125x64xf32, #tpu.memory_space<vmem>> -> memref<1x125x64xf32, #tpu.memory_space<vmem>>
        %dma_wait3A_319 = tpu.memref_squeeze %dma_wait3A_318 : memref<1x125x64xf32, #tpu.memory_space<vmem>> -> memref<125x64xf32, #tpu.memory_space<vmem>>
        %dma_wait3A_320 = arith.constant 0 : i32
        %dma_wait3A_321 = tpu.memref_slice %arg7[%add3A_129, %dma_wait3A_320] : memref<80x125xi32, #tpu.memory_space<vmem>> -> memref<1x125xi32, #tpu.memory_space<vmem>>
        %dma_wait3A_322 = tpu.memref_squeeze %dma_wait3A_321 : memref<1x125xi32, #tpu.memory_space<vmem>> -> memref<125xi32, #tpu.memory_space<vmem>>
        %dma_wait3A_323 = arith.constant 0 : i32
        %dma_wait3A_324 = arith.constant 0 : i32
        %dma_wait3A_325 = tpu.memref_slice %arg10[%dma_wait3A_323, %dma_wait3A_324] : memref<10240x64xf32, #tpu.memory_space<vmem_shared>> -> memref<10240x64xf32, #tpu.memory_space<vmem_shared>>
        tpu.wait_indirect_dma semaphore(%run_scoped3A_305 : memref<!tpu.dma_semaphore, #tpu.memory_space<semaphore_mem>>) src(%dma_wait3A_319 : memref<125x64xf32, #tpu.memory_space<vmem>>) dst(%dma_wait3A_325 : memref<10240x64xf32, #tpu.memory_space<vmem_shared>>)
        tpu.yield
      }) : () -> ()
      %add3A_131 = arith.constant 0 : i32
      %add3A_132 = arith.addi %add3A_116, %add3A_131 : i32
      %add3A_133 = arith.constant 8 : i32
      %add3A_134 = arith.addi %add3A_132, %add3A_133 : i32
      %lt3A = arith.constant 80 : i32
      %lt3A_135 = arith.cmpi slt, %add3A_134, %lt3A : i32
      %convert_element_type3A = arith.extui %lt3A_135 : i1 to i32
      %cond3A = arith.constant 0 : i32
      %cond3A_136 = arith.cmpi ne, %convert_element_type3A, %cond3A : i32
      scf.if %cond3A_136 {
        %add3A_305 = arith.constant 0 : i32
        %add3A_306 = arith.addi %add3A_116, %add3A_305 : i32
        %add3A_307 = arith.constant 8 : i32
        %add3A_308 = arith.addi %add3A_306, %add3A_307 : i32
        %dma_start3A_309 = arith.constant 0 : i32
        %dma_start3A_310 = arith.constant 0 : i32
        %dma_start3A_311 = arith.constant 0 : i32
        %dma_start3A_312 = tpu.memref_slice %arg8[%dma_start3A_309, %dma_start3A_310, %dma_start3A_311] : memref<8x125x64xf32, #tpu.memory_space<vmem>> -> memref<1x125x64xf32, #tpu.memory_space<vmem>>
        %dma_start3A_313 = tpu.memref_squeeze %dma_start3A_312 : memref<1x125x64xf32, #tpu.memory_space<vmem>> -> memref<125x64xf32, #tpu.memory_space<vmem>>
        %dma_start3A_314 = arith.constant 0 : i32
        %dma_start3A_315 = tpu.memref_slice %arg6[%add3A_308, %dma_start3A_314] : memref<80x125xi32, #tpu.memory_space<vmem>> -> memref<1x125xi32, #tpu.memory_space<vmem>>
        %dma_start3A_316 = tpu.memref_squeeze %dma_start3A_315 : memref<1x125xi32, #tpu.memory_space<vmem>> -> memref<125xi32, #tpu.memory_space<vmem>>
        %dma_start3A_317 = arith.constant 0 : i32
        %dma_start3A_318 = arith.constant 0 : i32
        %dma_start3A_319 = tpu.memref_slice %arg2[%dma_start3A_317, %dma_start3A_318] : memref<10000x64xf32, #tpu.memory_space<hbm>> -> memref<10000x64xf32, #tpu.memory_space<hbm>>
        tpu.enqueue_indirect_dma source(%dma_start3A_319 : memref<10000x64xf32, #tpu.memory_space<hbm>>) target(%dma_start3A_313 : memref<125x64xf32, #tpu.memory_space<vmem>>) offsets(%dma_start3A_316 : memref<125xi32, #tpu.memory_space<vmem>>) semaphore(%arg11 : memref<!tpu.dma_semaphore, #tpu.memory_space<semaphore_mem>>)
      } else {
      }
      %dma_wait3A_137 = arith.constant 1 : i32
      %dma_wait3A_138 = arith.constant 1 : i32
      %dma_wait3A_139 = arith.constant 0 : i32
      %dma_wait3A_140 = arith.constant 0 : i32
      %dma_wait3A_141 = tpu.memref_slice %arg8[%dma_wait3A_138, %dma_wait3A_139, %dma_wait3A_140] : memref<8x125x64xf32, #tpu.memory_space<vmem>> -> memref<1x125x64xf32, #tpu.memory_space<vmem>>
      %dma_wait3A_142 = tpu.memref_squeeze %dma_wait3A_141 : memref<1x125x64xf32, #tpu.memory_space<vmem>> -> memref<125x64xf32, #tpu.memory_space<vmem>>
      %dma_wait3A_143 = arith.constant 0 : i32
      %dma_wait3A_144 = tpu.memref_slice %arg6[%dma_wait3A_137, %dma_wait3A_143] : memref<80x125xi32, #tpu.memory_space<vmem>> -> memref<1x125xi32, #tpu.memory_space<vmem>>
      %dma_wait3A_145 = tpu.memref_squeeze %dma_wait3A_144 : memref<1x125xi32, #tpu.memory_space<vmem>> -> memref<125xi32, #tpu.memory_space<vmem>>
      %dma_wait3A_146 = arith.constant 0 : i32
      %dma_wait3A_147 = arith.constant 0 : i32
      %dma_wait3A_148 = tpu.memref_slice %arg2[%dma_wait3A_146, %dma_wait3A_147] : memref<10000x64xf32, #tpu.memory_space<hbm>> -> memref<10000x64xf32, #tpu.memory_space<hbm>>
      tpu.wait_indirect_dma semaphore(%arg12 : memref<!tpu.dma_semaphore, #tpu.memory_space<semaphore_mem>>) src(%dma_wait3A_148 : memref<10000x64xf32, #tpu.memory_space<hbm>>) dst(%dma_wait3A_142 : memref<125x64xf32, #tpu.memory_space<vmem>>)
      %add3A_149 = arith.constant 1 : i32
      %add3A_150 = arith.addi %add3A_116, %add3A_149 : i32
      %run_scoped3A_151 = arith.constant 1 : i32
      "tpu.region"() ({
        %run_scoped3A_305 = tpu.sem_alloc : memref<!tpu.dma_semaphore, #tpu.memory_space<semaphore_mem>>
        %dma_start3A_306 = arith.constant 0 : i32
        %dma_start3A_307 = arith.constant 0 : i32
        %dma_start3A_308 = tpu.memref_slice %arg8[%run_scoped3A_151, %dma_start3A_306, %dma_start3A_307] : memref<8x125x64xf32, #tpu.memory_space<vmem>> -> memref<1x125x64xf32, #tpu.memory_space<vmem>>
        %dma_start3A_309 = tpu.memref_squeeze %dma_start3A_308 : memref<1x125x64xf32, #tpu.memory_space<vmem>> -> memref<125x64xf32, #tpu.memory_space<vmem>>
        %dma_start3A_310 = arith.constant 0 : i32
        %dma_start3A_311 = tpu.memref_slice %arg7[%add3A_150, %dma_start3A_310] : memref<80x125xi32, #tpu.memory_space<vmem>> -> memref<1x125xi32, #tpu.memory_space<vmem>>
        %dma_start3A_312 = tpu.memref_squeeze %dma_start3A_311 : memref<1x125xi32, #tpu.memory_space<vmem>> -> memref<125xi32, #tpu.memory_space<vmem>>
        %dma_start3A_313 = arith.constant 0 : i32
        %dma_start3A_314 = arith.constant 0 : i32
        %dma_start3A_315 = tpu.memref_slice %arg10[%dma_start3A_313, %dma_start3A_314] : memref<10240x64xf32, #tpu.memory_space<vmem_shared>> -> memref<10240x64xf32, #tpu.memory_space<vmem_shared>>
        tpu.enqueue_indirect_dma source(%dma_start3A_309 : memref<125x64xf32, #tpu.memory_space<vmem>>) target(%dma_start3A_315 : memref<10240x64xf32, #tpu.memory_space<vmem_shared>>) offsets(%dma_start3A_312 : memref<125xi32, #tpu.memory_space<vmem>>) semaphore(%run_scoped3A_305 : memref<!tpu.dma_semaphore, #tpu.memory_space<semaphore_mem>>) {add = true}
        %dma_wait3A_316 = arith.constant 0 : i32
        %dma_wait3A_317 = arith.constant 0 : i32
        %dma_wait3A_318 = tpu.memref_slice %arg8[%run_scoped3A_151, %dma_wait3A_316, %dma_wait3A_317] : memref<8x125x64xf32, #tpu.memory_space<vmem>> -> memref<1x125x64xf32, #tpu.memory_space<vmem>>
        %dma_wait3A_319 = tpu.memref_squeeze %dma_wait3A_318 : memref<1x125x64xf32, #tpu.memory_space<vmem>> -> memref<125x64xf32, #tpu.memory_space<vmem>>
        %dma_wait3A_320 = arith.constant 0 : i32
        %dma_wait3A_321 = tpu.memref_slice %arg7[%add3A_150, %dma_wait3A_320] : memref<80x125xi32, #tpu.memory_space<vmem>> -> memref<1x125xi32, #tpu.memory_space<vmem>>
        %dma_wait3A_322 = tpu.memref_squeeze %dma_wait3A_321 : memref<1x125xi32, #tpu.memory_space<vmem>> -> memref<125xi32, #tpu.memory_space<vmem>>
        %dma_wait3A_323 = arith.constant 0 : i32
        %dma_wait3A_324 = arith.constant 0 : i32
        %dma_wait3A_325 = tpu.memref_slice %arg10[%dma_wait3A_323, %dma_wait3A_324] : memref<10240x64xf32, #tpu.memory_space<vmem_shared>> -> memref<10240x64xf32, #tpu.memory_space<vmem_shared>>
        tpu.wait_indirect_dma semaphore(%run_scoped3A_305 : memref<!tpu.dma_semaphore, #tpu.memory_space<semaphore_mem>>) src(%dma_wait3A_319 : memref<125x64xf32, #tpu.memory_space<vmem>>) dst(%dma_wait3A_325 : memref<10240x64xf32, #tpu.memory_space<vmem_shared>>)
        tpu.yield
      }) : () -> ()
      %add3A_152 = arith.constant 1 : i32
      %add3A_153 = arith.addi %add3A_116, %add3A_152 : i32
      %add3A_154 = arith.constant 8 : i32
      %add3A_155 = arith.addi %add3A_153, %add3A_154 : i32
      %lt3A_156 = arith.constant 80 : i32
      %lt3A_157 = arith.cmpi slt, %add3A_155, %lt3A_156 : i32
      %convert_element_type3A_158 = arith.extui %lt3A_157 : i1 to i32
      %cond3A_159 = arith.constant 0 : i32
      %cond3A_160 = arith.cmpi ne, %convert_element_type3A_158, %cond3A_159 : i32
      scf.if %cond3A_160 {
        %add3A_305 = arith.constant 1 : i32
        %add3A_306 = arith.addi %add3A_116, %add3A_305 : i32
        %add3A_307 = arith.constant 8 : i32
        %add3A_308 = arith.addi %add3A_306, %add3A_307 : i32
        %dma_start3A_309 = arith.constant 1 : i32
        %dma_start3A_310 = arith.constant 0 : i32
        %dma_start3A_311 = arith.constant 0 : i32
        %dma_start3A_312 = tpu.memref_slice %arg8[%dma_start3A_309, %dma_start3A_310, %dma_start3A_311] : memref<8x125x64xf32, #tpu.memory_space<vmem>> -> memref<1x125x64xf32, #tpu.memory_space<vmem>>
        %dma_start3A_313 = tpu.memref_squeeze %dma_start3A_312 : memref<1x125x64xf32, #tpu.memory_space<vmem>> -> memref<125x64xf32, #tpu.memory_space<vmem>>
        %dma_start3A_314 = arith.constant 0 : i32
        %dma_start3A_315 = tpu.memref_slice %arg6[%add3A_308, %dma_start3A_314] : memref<80x125xi32, #tpu.memory_space<vmem>> -> memref<1x125xi32, #tpu.memory_space<vmem>>
        %dma_start3A_316 = tpu.memref_squeeze %dma_start3A_315 : memref<1x125xi32, #tpu.memory_space<vmem>> -> memref<125xi32, #tpu.memory_space<vmem>>
        %dma_start3A_317 = arith.constant 0 : i32
        %dma_start3A_318 = arith.constant 0 : i32
        %dma_start3A_319 = tpu.memref_slice %arg2[%dma_start3A_317, %dma_start3A_318] : memref<10000x64xf32, #tpu.memory_space<hbm>> -> memref<10000x64xf32, #tpu.memory_space<hbm>>
        tpu.enqueue_indirect_dma source(%dma_start3A_319 : memref<10000x64xf32, #tpu.memory_space<hbm>>) target(%dma_start3A_313 : memref<125x64xf32, #tpu.memory_space<vmem>>) offsets(%dma_start3A_316 : memref<125xi32, #tpu.memory_space<vmem>>) semaphore(%arg12 : memref<!tpu.dma_semaphore, #tpu.memory_space<semaphore_mem>>)
      } else {
      }
      %dma_wait3A_161 = arith.constant 2 : i32
      %dma_wait3A_162 = arith.constant 2 : i32
      %dma_wait3A_163 = arith.constant 0 : i32
      %dma_wait3A_164 = arith.constant 0 : i32
      %dma_wait3A_165 = tpu.memref_slice %arg8[%dma_wait3A_162, %dma_wait3A_163, %dma_wait3A_164] : memref<8x125x64xf32, #tpu.memory_space<vmem>> -> memref<1x125x64xf32, #tpu.memory_space<vmem>>
      %dma_wait3A_166 = tpu.memref_squeeze %dma_wait3A_165 : memref<1x125x64xf32, #tpu.memory_space<vmem>> -> memref<125x64xf32, #tpu.memory_space<vmem>>
      %dma_wait3A_167 = arith.constant 0 : i32
      %dma_wait3A_168 = tpu.memref_slice %arg6[%dma_wait3A_161, %dma_wait3A_167] : memref<80x125xi32, #tpu.memory_space<vmem>> -> memref<1x125xi32, #tpu.memory_space<vmem>>
      %dma_wait3A_169 = tpu.memref_squeeze %dma_wait3A_168 : memref<1x125xi32, #tpu.memory_space<vmem>> -> memref<125xi32, #tpu.memory_space<vmem>>
      %dma_wait3A_170 = arith.constant 0 : i32
      %dma_wait3A_171 = arith.constant 0 : i32
      %dma_wait3A_172 = tpu.memref_slice %arg2[%dma_wait3A_170, %dma_wait3A_171] : memref<10000x64xf32, #tpu.memory_space<hbm>> -> memref<10000x64xf32, #tpu.memory_space<hbm>>
      tpu.wait_indirect_dma semaphore(%arg13 : memref<!tpu.dma_semaphore, #tpu.memory_space<semaphore_mem>>) src(%dma_wait3A_172 : memref<10000x64xf32, #tpu.memory_space<hbm>>) dst(%dma_wait3A_166 : memref<125x64xf32, #tpu.memory_space<vmem>>)
      %add3A_173 = arith.constant 2 : i32
      %add3A_174 = arith.addi %add3A_116, %add3A_173 : i32
      %run_scoped3A_175 = arith.constant 2 : i32
      "tpu.region"() ({
        %run_scoped3A_305 = tpu.sem_alloc : memref<!tpu.dma_semaphore, #tpu.memory_space<semaphore_mem>>
        %dma_start3A_306 = arith.constant 0 : i32
        %dma_start3A_307 = arith.constant 0 : i32
        %dma_start3A_308 = tpu.memref_slice %arg8[%run_scoped3A_175, %dma_start3A_306, %dma_start3A_307] : memref<8x125x64xf32, #tpu.memory_space<vmem>> -> memref<1x125x64xf32, #tpu.memory_space<vmem>>
        %dma_start3A_309 = tpu.memref_squeeze %dma_start3A_308 : memref<1x125x64xf32, #tpu.memory_space<vmem>> -> memref<125x64xf32, #tpu.memory_space<vmem>>
        %dma_start3A_310 = arith.constant 0 : i32
        %dma_start3A_311 = tpu.memref_slice %arg7[%add3A_174, %dma_start3A_310] : memref<80x125xi32, #tpu.memory_space<vmem>> -> memref<1x125xi32, #tpu.memory_space<vmem>>
        %dma_start3A_312 = tpu.memref_squeeze %dma_start3A_311 : memref<1x125xi32, #tpu.memory_space<vmem>> -> memref<125xi32, #tpu.memory_space<vmem>>
        %dma_start3A_313 = arith.constant 0 : i32
        %dma_start3A_314 = arith.constant 0 : i32
        %dma_start3A_315 = tpu.memref_slice %arg10[%dma_start3A_313, %dma_start3A_314] : memref<10240x64xf32, #tpu.memory_space<vmem_shared>> -> memref<10240x64xf32, #tpu.memory_space<vmem_shared>>
        tpu.enqueue_indirect_dma source(%dma_start3A_309 : memref<125x64xf32, #tpu.memory_space<vmem>>) target(%dma_start3A_315 : memref<10240x64xf32, #tpu.memory_space<vmem_shared>>) offsets(%dma_start3A_312 : memref<125xi32, #tpu.memory_space<vmem>>) semaphore(%run_scoped3A_305 : memref<!tpu.dma_semaphore, #tpu.memory_space<semaphore_mem>>) {add = true}
        %dma_wait3A_316 = arith.constant 0 : i32
        %dma_wait3A_317 = arith.constant 0 : i32
        %dma_wait3A_318 = tpu.memref_slice %arg8[%run_scoped3A_175, %dma_wait3A_316, %dma_wait3A_317] : memref<8x125x64xf32, #tpu.memory_space<vmem>> -> memref<1x125x64xf32, #tpu.memory_space<vmem>>
        %dma_wait3A_319 = tpu.memref_squeeze %dma_wait3A_318 : memref<1x125x64xf32, #tpu.memory_space<vmem>> -> memref<125x64xf32, #tpu.memory_space<vmem>>
        %dma_wait3A_320 = arith.constant 0 : i32
        %dma_wait3A_321 = tpu.memref_slice %arg7[%add3A_174, %dma_wait3A_320] : memref<80x125xi32, #tpu.memory_space<vmem>> -> memref<1x125xi32, #tpu.memory_space<vmem>>
        %dma_wait3A_322 = tpu.memref_squeeze %dma_wait3A_321 : memref<1x125xi32, #tpu.memory_space<vmem>> -> memref<125xi32, #tpu.memory_space<vmem>>
        %dma_wait3A_323 = arith.constant 0 : i32
        %dma_wait3A_324 = arith.constant 0 : i32
        %dma_wait3A_325 = tpu.memref_slice %arg10[%dma_wait3A_323, %dma_wait3A_324] : memref<10240x64xf32, #tpu.memory_space<vmem_shared>> -> memref<10240x64xf32, #tpu.memory_space<vmem_shared>>
        tpu.wait_indirect_dma semaphore(%run_scoped3A_305 : memref<!tpu.dma_semaphore, #tpu.memory_space<semaphore_mem>>) src(%dma_wait3A_319 : memref<125x64xf32, #tpu.memory_space<vmem>>) dst(%dma_wait3A_325 : memref<10240x64xf32, #tpu.memory_space<vmem_shared>>)
        tpu.yield
      }) : () -> ()
      %add3A_176 = arith.constant 2 : i32
      %add3A_177 = arith.addi %add3A_116, %add3A_176 : i32
      %add3A_178 = arith.constant 8 : i32
      %add3A_179 = arith.addi %add3A_177, %add3A_178 : i32
      %lt3A_180 = arith.constant 80 : i32
      %lt3A_181 = arith.cmpi slt, %add3A_179, %lt3A_180 : i32
      %convert_element_type3A_182 = arith.extui %lt3A_181 : i1 to i32
      %cond3A_183 = arith.constant 0 : i32
      %cond3A_184 = arith.cmpi ne, %convert_element_type3A_182, %cond3A_183 : i32
      scf.if %cond3A_184 {
        %add3A_305 = arith.constant 2 : i32
        %add3A_306 = arith.addi %add3A_116, %add3A_305 : i32
        %add3A_307 = arith.constant 8 : i32
        %add3A_308 = arith.addi %add3A_306, %add3A_307 : i32
        %dma_start3A_309 = arith.constant 2 : i32
        %dma_start3A_310 = arith.constant 0 : i32
        %dma_start3A_311 = arith.constant 0 : i32
        %dma_start3A_312 = tpu.memref_slice %arg8[%dma_start3A_309, %dma_start3A_310, %dma_start3A_311] : memref<8x125x64xf32, #tpu.memory_space<vmem>> -> memref<1x125x64xf32, #tpu.memory_space<vmem>>
        %dma_start3A_313 = tpu.memref_squeeze %dma_start3A_312 : memref<1x125x64xf32, #tpu.memory_space<vmem>> -> memref<125x64xf32, #tpu.memory_space<vmem>>
        %dma_start3A_314 = arith.constant 0 : i32
        %dma_start3A_315 = tpu.memref_slice %arg6[%add3A_308, %dma_start3A_314] : memref<80x125xi32, #tpu.memory_space<vmem>> -> memref<1x125xi32, #tpu.memory_space<vmem>>
        %dma_start3A_316 = tpu.memref_squeeze %dma_start3A_315 : memref<1x125xi32, #tpu.memory_space<vmem>> -> memref<125xi32, #tpu.memory_space<vmem>>
        %dma_start3A_317 = arith.constant 0 : i32
        %dma_start3A_318 = arith.constant 0 : i32
        %dma_start3A_319 = tpu.memref_slice %arg2[%dma_start3A_317, %dma_start3A_318] : memref<10000x64xf32, #tpu.memory_space<hbm>> -> memref<10000x64xf32, #tpu.memory_space<hbm>>
        tpu.enqueue_indirect_dma source(%dma_start3A_319 : memref<10000x64xf32, #tpu.memory_space<hbm>>) target(%dma_start3A_313 : memref<125x64xf32, #tpu.memory_space<vmem>>) offsets(%dma_start3A_316 : memref<125xi32, #tpu.memory_space<vmem>>) semaphore(%arg13 : memref<!tpu.dma_semaphore, #tpu.memory_space<semaphore_mem>>)
      } else {
      }
      %dma_wait3A_185 = arith.constant 3 : i32
      %dma_wait3A_186 = arith.constant 3 : i32
      %dma_wait3A_187 = arith.constant 0 : i32
      %dma_wait3A_188 = arith.constant 0 : i32
      %dma_wait3A_189 = tpu.memref_slice %arg8[%dma_wait3A_186, %dma_wait3A_187, %dma_wait3A_188] : memref<8x125x64xf32, #tpu.memory_space<vmem>> -> memref<1x125x64xf32, #tpu.memory_space<vmem>>
      %dma_wait3A_190 = tpu.memref_squeeze %dma_wait3A_189 : memref<1x125x64xf32, #tpu.memory_space<vmem>> -> memref<125x64xf32, #tpu.memory_space<vmem>>
      %dma_wait3A_191 = arith.constant 0 : i32
      %dma_wait3A_192 = tpu.memref_slice %arg6[%dma_wait3A_185, %dma_wait3A_191] : memref<80x125xi32, #tpu.memory_space<vmem>> -> memref<1x125xi32, #tpu.memory_space<vmem>>
      %dma_wait3A_193 = tpu.memref_squeeze %dma_wait3A_192 : memref<1x125xi32, #tpu.memory_space<vmem>> -> memref<125xi32, #tpu.memory_space<vmem>>
      %dma_wait3A_194 = arith.constant 0 : i32
      %dma_wait3A_195 = arith.constant 0 : i32
      %dma_wait3A_196 = tpu.memref_slice %arg2[%dma_wait3A_194, %dma_wait3A_195] : memref<10000x64xf32, #tpu.memory_space<hbm>> -> memref<10000x64xf32, #tpu.memory_space<hbm>>
      tpu.wait_indirect_dma semaphore(%arg14 : memref<!tpu.dma_semaphore, #tpu.memory_space<semaphore_mem>>) src(%dma_wait3A_196 : memref<10000x64xf32, #tpu.memory_space<hbm>>) dst(%dma_wait3A_190 : memref<125x64xf32, #tpu.memory_space<vmem>>)
      %add3A_197 = arith.constant 3 : i32
      %add3A_198 = arith.addi %add3A_116, %add3A_197 : i32
      %run_scoped3A_199 = arith.constant 3 : i32
      "tpu.region"() ({
        %run_scoped3A_305 = tpu.sem_alloc : memref<!tpu.dma_semaphore, #tpu.memory_space<semaphore_mem>>
        %dma_start3A_306 = arith.constant 0 : i32
        %dma_start3A_307 = arith.constant 0 : i32
        %dma_start3A_308 = tpu.memref_slice %arg8[%run_scoped3A_199, %dma_start3A_306, %dma_start3A_307] : memref<8x125x64xf32, #tpu.memory_space<vmem>> -> memref<1x125x64xf32, #tpu.memory_space<vmem>>
        %dma_start3A_309 = tpu.memref_squeeze %dma_start3A_308 : memref<1x125x64xf32, #tpu.memory_space<vmem>> -> memref<125x64xf32, #tpu.memory_space<vmem>>
        %dma_start3A_310 = arith.constant 0 : i32
        %dma_start3A_311 = tpu.memref_slice %arg7[%add3A_198, %dma_start3A_310] : memref<80x125xi32, #tpu.memory_space<vmem>> -> memref<1x125xi32, #tpu.memory_space<vmem>>
        %dma_start3A_312 = tpu.memref_squeeze %dma_start3A_311 : memref<1x125xi32, #tpu.memory_space<vmem>> -> memref<125xi32, #tpu.memory_space<vmem>>
        %dma_start3A_313 = arith.constant 0 : i32
        %dma_start3A_314 = arith.constant 0 : i32
        %dma_start3A_315 = tpu.memref_slice %arg10[%dma_start3A_313, %dma_start3A_314] : memref<10240x64xf32, #tpu.memory_space<vmem_shared>> -> memref<10240x64xf32, #tpu.memory_space<vmem_shared>>
        tpu.enqueue_indirect_dma source(%dma_start3A_309 : memref<125x64xf32, #tpu.memory_space<vmem>>) target(%dma_start3A_315 : memref<10240x64xf32, #tpu.memory_space<vmem_shared>>) offsets(%dma_start3A_312 : memref<125xi32, #tpu.memory_space<vmem>>) semaphore(%run_scoped3A_305 : memref<!tpu.dma_semaphore, #tpu.memory_space<semaphore_mem>>) {add = true}
        %dma_wait3A_316 = arith.constant 0 : i32
        %dma_wait3A_317 = arith.constant 0 : i32
        %dma_wait3A_318 = tpu.memref_slice %arg8[%run_scoped3A_199, %dma_wait3A_316, %dma_wait3A_317] : memref<8x125x64xf32, #tpu.memory_space<vmem>> -> memref<1x125x64xf32, #tpu.memory_space<vmem>>
        %dma_wait3A_319 = tpu.memref_squeeze %dma_wait3A_318 : memref<1x125x64xf32, #tpu.memory_space<vmem>> -> memref<125x64xf32, #tpu.memory_space<vmem>>
        %dma_wait3A_320 = arith.constant 0 : i32
        %dma_wait3A_321 = tpu.memref_slice %arg7[%add3A_198, %dma_wait3A_320] : memref<80x125xi32, #tpu.memory_space<vmem>> -> memref<1x125xi32, #tpu.memory_space<vmem>>
        %dma_wait3A_322 = tpu.memref_squeeze %dma_wait3A_321 : memref<1x125xi32, #tpu.memory_space<vmem>> -> memref<125xi32, #tpu.memory_space<vmem>>
        %dma_wait3A_323 = arith.constant 0 : i32
        %dma_wait3A_324 = arith.constant 0 : i32
        %dma_wait3A_325 = tpu.memref_slice %arg10[%dma_wait3A_323, %dma_wait3A_324] : memref<10240x64xf32, #tpu.memory_space<vmem_shared>> -> memref<10240x64xf32, #tpu.memory_space<vmem_shared>>
        tpu.wait_indirect_dma semaphore(%run_scoped3A_305 : memref<!tpu.dma_semaphore, #tpu.memory_space<semaphore_mem>>) src(%dma_wait3A_319 : memref<125x64xf32, #tpu.memory_space<vmem>>) dst(%dma_wait3A_325 : memref<10240x64xf32, #tpu.memory_space<vmem_shared>>)
        tpu.yield
      }) : () -> ()
      %add3A_200 = arith.constant 3 : i32
      %add3A_201 = arith.addi %add3A_116, %add3A_200 : i32
      %add3A_202 = arith.constant 8 : i32
      %add3A_203 = arith.addi %add3A_201, %add3A_202 : i32
      %lt3A_204 = arith.constant 80 : i32
      %lt3A_205 = arith.cmpi slt, %add3A_203, %lt3A_204 : i32
      %convert_element_type3A_206 = arith.extui %lt3A_205 : i1 to i32
      %cond3A_207 = arith.constant 0 : i32
      %cond3A_208 = arith.cmpi ne, %convert_element_type3A_206, %cond3A_207 : i32
      scf.if %cond3A_208 {
        %add3A_305 = arith.constant 3 : i32
        %add3A_306 = arith.addi %add3A_116, %add3A_305 : i32
        %add3A_307 = arith.constant 8 : i32
        %add3A_308 = arith.addi %add3A_306, %add3A_307 : i32
        %dma_start3A_309 = arith.constant 3 : i32
        %dma_start3A_310 = arith.constant 0 : i32
        %dma_start3A_311 = arith.constant 0 : i32
        %dma_start3A_312 = tpu.memref_slice %arg8[%dma_start3A_309, %dma_start3A_310, %dma_start3A_311] : memref<8x125x64xf32, #tpu.memory_space<vmem>> -> memref<1x125x64xf32, #tpu.memory_space<vmem>>
        %dma_start3A_313 = tpu.memref_squeeze %dma_start3A_312 : memref<1x125x64xf32, #tpu.memory_space<vmem>> -> memref<125x64xf32, #tpu.memory_space<vmem>>
        %dma_start3A_314 = arith.constant 0 : i32
        %dma_start3A_315 = tpu.memref_slice %arg6[%add3A_308, %dma_start3A_314] : memref<80x125xi32, #tpu.memory_space<vmem>> -> memref<1x125xi32, #tpu.memory_space<vmem>>
        %dma_start3A_316 = tpu.memref_squeeze %dma_start3A_315 : memref<1x125xi32, #tpu.memory_space<vmem>> -> memref<125xi32, #tpu.memory_space<vmem>>
        %dma_start3A_317 = arith.constant 0 : i32
        %dma_start3A_318 = arith.constant 0 : i32
        %dma_start3A_319 = tpu.memref_slice %arg2[%dma_start3A_317, %dma_start3A_318] : memref<10000x64xf32, #tpu.memory_space<hbm>> -> memref<10000x64xf32, #tpu.memory_space<hbm>>
        tpu.enqueue_indirect_dma source(%dma_start3A_319 : memref<10000x64xf32, #tpu.memory_space<hbm>>) target(%dma_start3A_313 : memref<125x64xf32, #tpu.memory_space<vmem>>) offsets(%dma_start3A_316 : memref<125xi32, #tpu.memory_space<vmem>>) semaphore(%arg14 : memref<!tpu.dma_semaphore, #tpu.memory_space<semaphore_mem>>)
      } else {
      }
      %dma_wait3A_209 = arith.constant 4 : i32
      %dma_wait3A_210 = arith.constant 4 : i32
      %dma_wait3A_211 = arith.constant 0 : i32
      %dma_wait3A_212 = arith.constant 0 : i32
      %dma_wait3A_213 = tpu.memref_slice %arg8[%dma_wait3A_210, %dma_wait3A_211, %dma_wait3A_212] : memref<8x125x64xf32, #tpu.memory_space<vmem>> -> memref<1x125x64xf32, #tpu.memory_space<vmem>>
      %dma_wait3A_214 = tpu.memref_squeeze %dma_wait3A_213 : memref<1x125x64xf32, #tpu.memory_space<vmem>> -> memref<125x64xf32, #tpu.memory_space<vmem>>
      %dma_wait3A_215 = arith.constant 0 : i32
      %dma_wait3A_216 = tpu.memref_slice %arg6[%dma_wait3A_209, %dma_wait3A_215] : memref<80x125xi32, #tpu.memory_space<vmem>> -> memref<1x125xi32, #tpu.memory_space<vmem>>
      %dma_wait3A_217 = tpu.memref_squeeze %dma_wait3A_216 : memref<1x125xi32, #tpu.memory_space<vmem>> -> memref<125xi32, #tpu.memory_space<vmem>>
      %dma_wait3A_218 = arith.constant 0 : i32
      %dma_wait3A_219 = arith.constant 0 : i32
      %dma_wait3A_220 = tpu.memref_slice %arg2[%dma_wait3A_218, %dma_wait3A_219] : memref<10000x64xf32, #tpu.memory_space<hbm>> -> memref<10000x64xf32, #tpu.memory_space<hbm>>
      tpu.wait_indirect_dma semaphore(%arg15 : memref<!tpu.dma_semaphore, #tpu.memory_space<semaphore_mem>>) src(%dma_wait3A_220 : memref<10000x64xf32, #tpu.memory_space<hbm>>) dst(%dma_wait3A_214 : memref<125x64xf32, #tpu.memory_space<vmem>>)
      %add3A_221 = arith.constant 4 : i32
      %add3A_222 = arith.addi %add3A_116, %add3A_221 : i32
      %run_scoped3A_223 = arith.constant 4 : i32
      "tpu.region"() ({
        %run_scoped3A_305 = tpu.sem_alloc : memref<!tpu.dma_semaphore, #tpu.memory_space<semaphore_mem>>
        %dma_start3A_306 = arith.constant 0 : i32
        %dma_start3A_307 = arith.constant 0 : i32
        %dma_start3A_308 = tpu.memref_slice %arg8[%run_scoped3A_223, %dma_start3A_306, %dma_start3A_307] : memref<8x125x64xf32, #tpu.memory_space<vmem>> -> memref<1x125x64xf32, #tpu.memory_space<vmem>>
        %dma_start3A_309 = tpu.memref_squeeze %dma_start3A_308 : memref<1x125x64xf32, #tpu.memory_space<vmem>> -> memref<125x64xf32, #tpu.memory_space<vmem>>
        %dma_start3A_310 = arith.constant 0 : i32
        %dma_start3A_311 = tpu.memref_slice %arg7[%add3A_222, %dma_start3A_310] : memref<80x125xi32, #tpu.memory_space<vmem>> -> memref<1x125xi32, #tpu.memory_space<vmem>>
        %dma_start3A_312 = tpu.memref_squeeze %dma_start3A_311 : memref<1x125xi32, #tpu.memory_space<vmem>> -> memref<125xi32, #tpu.memory_space<vmem>>
        %dma_start3A_313 = arith.constant 0 : i32
        %dma_start3A_314 = arith.constant 0 : i32
        %dma_start3A_315 = tpu.memref_slice %arg10[%dma_start3A_313, %dma_start3A_314] : memref<10240x64xf32, #tpu.memory_space<vmem_shared>> -> memref<10240x64xf32, #tpu.memory_space<vmem_shared>>
        tpu.enqueue_indirect_dma source(%dma_start3A_309 : memref<125x64xf32, #tpu.memory_space<vmem>>) target(%dma_start3A_315 : memref<10240x64xf32, #tpu.memory_space<vmem_shared>>) offsets(%dma_start3A_312 : memref<125xi32, #tpu.memory_space<vmem>>) semaphore(%run_scoped3A_305 : memref<!tpu.dma_semaphore, #tpu.memory_space<semaphore_mem>>) {add = true}
        %dma_wait3A_316 = arith.constant 0 : i32
        %dma_wait3A_317 = arith.constant 0 : i32
        %dma_wait3A_318 = tpu.memref_slice %arg8[%run_scoped3A_223, %dma_wait3A_316, %dma_wait3A_317] : memref<8x125x64xf32, #tpu.memory_space<vmem>> -> memref<1x125x64xf32, #tpu.memory_space<vmem>>
        %dma_wait3A_319 = tpu.memref_squeeze %dma_wait3A_318 : memref<1x125x64xf32, #tpu.memory_space<vmem>> -> memref<125x64xf32, #tpu.memory_space<vmem>>
        %dma_wait3A_320 = arith.constant 0 : i32
        %dma_wait3A_321 = tpu.memref_slice %arg7[%add3A_222, %dma_wait3A_320] : memref<80x125xi32, #tpu.memory_space<vmem>> -> memref<1x125xi32, #tpu.memory_space<vmem>>
        %dma_wait3A_322 = tpu.memref_squeeze %dma_wait3A_321 : memref<1x125xi32, #tpu.memory_space<vmem>> -> memref<125xi32, #tpu.memory_space<vmem>>
        %dma_wait3A_323 = arith.constant 0 : i32
        %dma_wait3A_324 = arith.constant 0 : i32
        %dma_wait3A_325 = tpu.memref_slice %arg10[%dma_wait3A_323, %dma_wait3A_324] : memref<10240x64xf32, #tpu.memory_space<vmem_shared>> -> memref<10240x64xf32, #tpu.memory_space<vmem_shared>>
        tpu.wait_indirect_dma semaphore(%run_scoped3A_305 : memref<!tpu.dma_semaphore, #tpu.memory_space<semaphore_mem>>) src(%dma_wait3A_319 : memref<125x64xf32, #tpu.memory_space<vmem>>) dst(%dma_wait3A_325 : memref<10240x64xf32, #tpu.memory_space<vmem_shared>>)
        tpu.yield
      }) : () -> ()
      %add3A_224 = arith.constant 4 : i32
      %add3A_225 = arith.addi %add3A_116, %add3A_224 : i32
      %add3A_226 = arith.constant 8 : i32
      %add3A_227 = arith.addi %add3A_225, %add3A_226 : i32
      %lt3A_228 = arith.constant 80 : i32
      %lt3A_229 = arith.cmpi slt, %add3A_227, %lt3A_228 : i32
      %convert_element_type3A_230 = arith.extui %lt3A_229 : i1 to i32
      %cond3A_231 = arith.constant 0 : i32
      %cond3A_232 = arith.cmpi ne, %convert_element_type3A_230, %cond3A_231 : i32
      scf.if %cond3A_232 {
        %add3A_305 = arith.constant 4 : i32
        %add3A_306 = arith.addi %add3A_116, %add3A_305 : i32
        %add3A_307 = arith.constant 8 : i32
        %add3A_308 = arith.addi %add3A_306, %add3A_307 : i32
        %dma_start3A_309 = arith.constant 4 : i32
        %dma_start3A_310 = arith.constant 0 : i32
        %dma_start3A_311 = arith.constant 0 : i32
        %dma_start3A_312 = tpu.memref_slice %arg8[%dma_start3A_309, %dma_start3A_310, %dma_start3A_311] : memref<8x125x64xf32, #tpu.memory_space<vmem>> -> memref<1x125x64xf32, #tpu.memory_space<vmem>>
        %dma_start3A_313 = tpu.memref_squeeze %dma_start3A_312 : memref<1x125x64xf32, #tpu.memory_space<vmem>> -> memref<125x64xf32, #tpu.memory_space<vmem>>
        %dma_start3A_314 = arith.constant 0 : i32
        %dma_start3A_315 = tpu.memref_slice %arg6[%add3A_308, %dma_start3A_314] : memref<80x125xi32, #tpu.memory_space<vmem>> -> memref<1x125xi32, #tpu.memory_space<vmem>>
        %dma_start3A_316 = tpu.memref_squeeze %dma_start3A_315 : memref<1x125xi32, #tpu.memory_space<vmem>> -> memref<125xi32, #tpu.memory_space<vmem>>
        %dma_start3A_317 = arith.constant 0 : i32
        %dma_start3A_318 = arith.constant 0 : i32
        %dma_start3A_319 = tpu.memref_slice %arg2[%dma_start3A_317, %dma_start3A_318] : memref<10000x64xf32, #tpu.memory_space<hbm>> -> memref<10000x64xf32, #tpu.memory_space<hbm>>
        tpu.enqueue_indirect_dma source(%dma_start3A_319 : memref<10000x64xf32, #tpu.memory_space<hbm>>) target(%dma_start3A_313 : memref<125x64xf32, #tpu.memory_space<vmem>>) offsets(%dma_start3A_316 : memref<125xi32, #tpu.memory_space<vmem>>) semaphore(%arg15 : memref<!tpu.dma_semaphore, #tpu.memory_space<semaphore_mem>>)
      } else {
      }
      %dma_wait3A_233 = arith.constant 5 : i32
      %dma_wait3A_234 = arith.constant 5 : i32
      %dma_wait3A_235 = arith.constant 0 : i32
      %dma_wait3A_236 = arith.constant 0 : i32
      %dma_wait3A_237 = tpu.memref_slice %arg8[%dma_wait3A_234, %dma_wait3A_235, %dma_wait3A_236] : memref<8x125x64xf32, #tpu.memory_space<vmem>> -> memref<1x125x64xf32, #tpu.memory_space<vmem>>
      %dma_wait3A_238 = tpu.memref_squeeze %dma_wait3A_237 : memref<1x125x64xf32, #tpu.memory_space<vmem>> -> memref<125x64xf32, #tpu.memory_space<vmem>>
      %dma_wait3A_239 = arith.constant 0 : i32
      %dma_wait3A_240 = tpu.memref_slice %arg6[%dma_wait3A_233, %dma_wait3A_239] : memref<80x125xi32, #tpu.memory_space<vmem>> -> memref<1x125xi32, #tpu.memory_space<vmem>>
      %dma_wait3A_241 = tpu.memref_squeeze %dma_wait3A_240 : memref<1x125xi32, #tpu.memory_space<vmem>> -> memref<125xi32, #tpu.memory_space<vmem>>
      %dma_wait3A_242 = arith.constant 0 : i32
      %dma_wait3A_243 = arith.constant 0 : i32
      %dma_wait3A_244 = tpu.memref_slice %arg2[%dma_wait3A_242, %dma_wait3A_243] : memref<10000x64xf32, #tpu.memory_space<hbm>> -> memref<10000x64xf32, #tpu.memory_space<hbm>>
      tpu.wait_indirect_dma semaphore(%arg16 : memref<!tpu.dma_semaphore, #tpu.memory_space<semaphore_mem>>) src(%dma_wait3A_244 : memref<10000x64xf32, #tpu.memory_space<hbm>>) dst(%dma_wait3A_238 : memref<125x64xf32, #tpu.memory_space<vmem>>)
      %add3A_245 = arith.constant 5 : i32
      %add3A_246 = arith.addi %add3A_116, %add3A_245 : i32
      %run_scoped3A_247 = arith.constant 5 : i32
      "tpu.region"() ({
        %run_scoped3A_305 = tpu.sem_alloc : memref<!tpu.dma_semaphore, #tpu.memory_space<semaphore_mem>>
        %dma_start3A_306 = arith.constant 0 : i32
        %dma_start3A_307 = arith.constant 0 : i32
        %dma_start3A_308 = tpu.memref_slice %arg8[%run_scoped3A_247, %dma_start3A_306, %dma_start3A_307] : memref<8x125x64xf32, #tpu.memory_space<vmem>> -> memref<1x125x64xf32, #tpu.memory_space<vmem>>
        %dma_start3A_309 = tpu.memref_squeeze %dma_start3A_308 : memref<1x125x64xf32, #tpu.memory_space<vmem>> -> memref<125x64xf32, #tpu.memory_space<vmem>>
        %dma_start3A_310 = arith.constant 0 : i32
        %dma_start3A_311 = tpu.memref_slice %arg7[%add3A_246, %dma_start3A_310] : memref<80x125xi32, #tpu.memory_space<vmem>> -> memref<1x125xi32, #tpu.memory_space<vmem>>
        %dma_start3A_312 = tpu.memref_squeeze %dma_start3A_311 : memref<1x125xi32, #tpu.memory_space<vmem>> -> memref<125xi32, #tpu.memory_space<vmem>>
        %dma_start3A_313 = arith.constant 0 : i32
        %dma_start3A_314 = arith.constant 0 : i32
        %dma_start3A_315 = tpu.memref_slice %arg10[%dma_start3A_313, %dma_start3A_314] : memref<10240x64xf32, #tpu.memory_space<vmem_shared>> -> memref<10240x64xf32, #tpu.memory_space<vmem_shared>>
        tpu.enqueue_indirect_dma source(%dma_start3A_309 : memref<125x64xf32, #tpu.memory_space<vmem>>) target(%dma_start3A_315 : memref<10240x64xf32, #tpu.memory_space<vmem_shared>>) offsets(%dma_start3A_312 : memref<125xi32, #tpu.memory_space<vmem>>) semaphore(%run_scoped3A_305 : memref<!tpu.dma_semaphore, #tpu.memory_space<semaphore_mem>>) {add = true}
        %dma_wait3A_316 = arith.constant 0 : i32
        %dma_wait3A_317 = arith.constant 0 : i32
        %dma_wait3A_318 = tpu.memref_slice %arg8[%run_scoped3A_247, %dma_wait3A_316, %dma_wait3A_317] : memref<8x125x64xf32, #tpu.memory_space<vmem>> -> memref<1x125x64xf32, #tpu.memory_space<vmem>>
        %dma_wait3A_319 = tpu.memref_squeeze %dma_wait3A_318 : memref<1x125x64xf32, #tpu.memory_space<vmem>> -> memref<125x64xf32, #tpu.memory_space<vmem>>
        %dma_wait3A_320 = arith.constant 0 : i32
        %dma_wait3A_321 = tpu.memref_slice %arg7[%add3A_246, %dma_wait3A_320] : memref<80x125xi32, #tpu.memory_space<vmem>> -> memref<1x125xi32, #tpu.memory_space<vmem>>
        %dma_wait3A_322 = tpu.memref_squeeze %dma_wait3A_321 : memref<1x125xi32, #tpu.memory_space<vmem>> -> memref<125xi32, #tpu.memory_space<vmem>>
        %dma_wait3A_323 = arith.constant 0 : i32
        %dma_wait3A_324 = arith.constant 0 : i32
        %dma_wait3A_325 = tpu.memref_slice %arg10[%dma_wait3A_323, %dma_wait3A_324] : memref<10240x64xf32, #tpu.memory_space<vmem_shared>> -> memref<10240x64xf32, #tpu.memory_space<vmem_shared>>
        tpu.wait_indirect_dma semaphore(%run_scoped3A_305 : memref<!tpu.dma_semaphore, #tpu.memory_space<semaphore_mem>>) src(%dma_wait3A_319 : memref<125x64xf32, #tpu.memory_space<vmem>>) dst(%dma_wait3A_325 : memref<10240x64xf32, #tpu.memory_space<vmem_shared>>)
        tpu.yield
      }) : () -> ()
      %add3A_248 = arith.constant 5 : i32
      %add3A_249 = arith.addi %add3A_116, %add3A_248 : i32
      %add3A_250 = arith.constant 8 : i32
      %add3A_251 = arith.addi %add3A_249, %add3A_250 : i32
      %lt3A_252 = arith.constant 80 : i32
      %lt3A_253 = arith.cmpi slt, %add3A_251, %lt3A_252 : i32
      %convert_element_type3A_254 = arith.extui %lt3A_253 : i1 to i32
      %cond3A_255 = arith.constant 0 : i32
      %cond3A_256 = arith.cmpi ne, %convert_element_type3A_254, %cond3A_255 : i32
      scf.if %cond3A_256 {
        %add3A_305 = arith.constant 5 : i32
        %add3A_306 = arith.addi %add3A_116, %add3A_305 : i32
        %add3A_307 = arith.constant 8 : i32
        %add3A_308 = arith.addi %add3A_306, %add3A_307 : i32
        %dma_start3A_309 = arith.constant 5 : i32
        %dma_start3A_310 = arith.constant 0 : i32
        %dma_start3A_311 = arith.constant 0 : i32
        %dma_start3A_312 = tpu.memref_slice %arg8[%dma_start3A_309, %dma_start3A_310, %dma_start3A_311] : memref<8x125x64xf32, #tpu.memory_space<vmem>> -> memref<1x125x64xf32, #tpu.memory_space<vmem>>
        %dma_start3A_313 = tpu.memref_squeeze %dma_start3A_312 : memref<1x125x64xf32, #tpu.memory_space<vmem>> -> memref<125x64xf32, #tpu.memory_space<vmem>>
        %dma_start3A_314 = arith.constant 0 : i32
        %dma_start3A_315 = tpu.memref_slice %arg6[%add3A_308, %dma_start3A_314] : memref<80x125xi32, #tpu.memory_space<vmem>> -> memref<1x125xi32, #tpu.memory_space<vmem>>
        %dma_start3A_316 = tpu.memref_squeeze %dma_start3A_315 : memref<1x125xi32, #tpu.memory_space<vmem>> -> memref<125xi32, #tpu.memory_space<vmem>>
        %dma_start3A_317 = arith.constant 0 : i32
        %dma_start3A_318 = arith.constant 0 : i32
        %dma_start3A_319 = tpu.memref_slice %arg2[%dma_start3A_317, %dma_start3A_318] : memref<10000x64xf32, #tpu.memory_space<hbm>> -> memref<10000x64xf32, #tpu.memory_space<hbm>>
        tpu.enqueue_indirect_dma source(%dma_start3A_319 : memref<10000x64xf32, #tpu.memory_space<hbm>>) target(%dma_start3A_313 : memref<125x64xf32, #tpu.memory_space<vmem>>) offsets(%dma_start3A_316 : memref<125xi32, #tpu.memory_space<vmem>>) semaphore(%arg16 : memref<!tpu.dma_semaphore, #tpu.memory_space<semaphore_mem>>)
      } else {
      }
      %dma_wait3A_257 = arith.constant 6 : i32
      %dma_wait3A_258 = arith.constant 6 : i32
      %dma_wait3A_259 = arith.constant 0 : i32
      %dma_wait3A_260 = arith.constant 0 : i32
      %dma_wait3A_261 = tpu.memref_slice %arg8[%dma_wait3A_258, %dma_wait3A_259, %dma_wait3A_260] : memref<8x125x64xf32, #tpu.memory_space<vmem>> -> memref<1x125x64xf32, #tpu.memory_space<vmem>>
      %dma_wait3A_262 = tpu.memref_squeeze %dma_wait3A_261 : memref<1x125x64xf32, #tpu.memory_space<vmem>> -> memref<125x64xf32, #tpu.memory_space<vmem>>
      %dma_wait3A_263 = arith.constant 0 : i32
      %dma_wait3A_264 = tpu.memref_slice %arg6[%dma_wait3A_257, %dma_wait3A_263] : memref<80x125xi32, #tpu.memory_space<vmem>> -> memref<1x125xi32, #tpu.memory_space<vmem>>
      %dma_wait3A_265 = tpu.memref_squeeze %dma_wait3A_264 : memref<1x125xi32, #tpu.memory_space<vmem>> -> memref<125xi32, #tpu.memory_space<vmem>>
      %dma_wait3A_266 = arith.constant 0 : i32
      %dma_wait3A_267 = arith.constant 0 : i32
      %dma_wait3A_268 = tpu.memref_slice %arg2[%dma_wait3A_266, %dma_wait3A_267] : memref<10000x64xf32, #tpu.memory_space<hbm>> -> memref<10000x64xf32, #tpu.memory_space<hbm>>
      tpu.wait_indirect_dma semaphore(%arg17 : memref<!tpu.dma_semaphore, #tpu.memory_space<semaphore_mem>>) src(%dma_wait3A_268 : memref<10000x64xf32, #tpu.memory_space<hbm>>) dst(%dma_wait3A_262 : memref<125x64xf32, #tpu.memory_space<vmem>>)
      %add3A_269 = arith.constant 6 : i32
      %add3A_270 = arith.addi %add3A_116, %add3A_269 : i32
      %run_scoped3A_271 = arith.constant 6 : i32
      "tpu.region"() ({
        %run_scoped3A_305 = tpu.sem_alloc : memref<!tpu.dma_semaphore, #tpu.memory_space<semaphore_mem>>
        %dma_start3A_306 = arith.constant 0 : i32
        %dma_start3A_307 = arith.constant 0 : i32
        %dma_start3A_308 = tpu.memref_slice %arg8[%run_scoped3A_271, %dma_start3A_306, %dma_start3A_307] : memref<8x125x64xf32, #tpu.memory_space<vmem>> -> memref<1x125x64xf32, #tpu.memory_space<vmem>>
        %dma_start3A_309 = tpu.memref_squeeze %dma_start3A_308 : memref<1x125x64xf32, #tpu.memory_space<vmem>> -> memref<125x64xf32, #tpu.memory_space<vmem>>
        %dma_start3A_310 = arith.constant 0 : i32
        %dma_start3A_311 = tpu.memref_slice %arg7[%add3A_270, %dma_start3A_310] : memref<80x125xi32, #tpu.memory_space<vmem>> -> memref<1x125xi32, #tpu.memory_space<vmem>>
        %dma_start3A_312 = tpu.memref_squeeze %dma_start3A_311 : memref<1x125xi32, #tpu.memory_space<vmem>> -> memref<125xi32, #tpu.memory_space<vmem>>
        %dma_start3A_313 = arith.constant 0 : i32
        %dma_start3A_314 = arith.constant 0 : i32
        %dma_start3A_315 = tpu.memref_slice %arg10[%dma_start3A_313, %dma_start3A_314] : memref<10240x64xf32, #tpu.memory_space<vmem_shared>> -> memref<10240x64xf32, #tpu.memory_space<vmem_shared>>
        tpu.enqueue_indirect_dma source(%dma_start3A_309 : memref<125x64xf32, #tpu.memory_space<vmem>>) target(%dma_start3A_315 : memref<10240x64xf32, #tpu.memory_space<vmem_shared>>) offsets(%dma_start3A_312 : memref<125xi32, #tpu.memory_space<vmem>>) semaphore(%run_scoped3A_305 : memref<!tpu.dma_semaphore, #tpu.memory_space<semaphore_mem>>) {add = true}
        %dma_wait3A_316 = arith.constant 0 : i32
        %dma_wait3A_317 = arith.constant 0 : i32
        %dma_wait3A_318 = tpu.memref_slice %arg8[%run_scoped3A_271, %dma_wait3A_316, %dma_wait3A_317] : memref<8x125x64xf32, #tpu.memory_space<vmem>> -> memref<1x125x64xf32, #tpu.memory_space<vmem>>
        %dma_wait3A_319 = tpu.memref_squeeze %dma_wait3A_318 : memref<1x125x64xf32, #tpu.memory_space<vmem>> -> memref<125x64xf32, #tpu.memory_space<vmem>>
        %dma_wait3A_320 = arith.constant 0 : i32
        %dma_wait3A_321 = tpu.memref_slice %arg7[%add3A_270, %dma_wait3A_320] : memref<80x125xi32, #tpu.memory_space<vmem>> -> memref<1x125xi32, #tpu.memory_space<vmem>>
        %dma_wait3A_322 = tpu.memref_squeeze %dma_wait3A_321 : memref<1x125xi32, #tpu.memory_space<vmem>> -> memref<125xi32, #tpu.memory_space<vmem>>
        %dma_wait3A_323 = arith.constant 0 : i32
        %dma_wait3A_324 = arith.constant 0 : i32
        %dma_wait3A_325 = tpu.memref_slice %arg10[%dma_wait3A_323, %dma_wait3A_324] : memref<10240x64xf32, #tpu.memory_space<vmem_shared>> -> memref<10240x64xf32, #tpu.memory_space<vmem_shared>>
        tpu.wait_indirect_dma semaphore(%run_scoped3A_305 : memref<!tpu.dma_semaphore, #tpu.memory_space<semaphore_mem>>) src(%dma_wait3A_319 : memref<125x64xf32, #tpu.memory_space<vmem>>) dst(%dma_wait3A_325 : memref<10240x64xf32, #tpu.memory_space<vmem_shared>>)
        tpu.yield
      }) : () -> ()
      %add3A_272 = arith.constant 6 : i32
      %add3A_273 = arith.addi %add3A_116, %add3A_272 : i32
      %add3A_274 = arith.constant 8 : i32
      %add3A_275 = arith.addi %add3A_273, %add3A_274 : i32
      %lt3A_276 = arith.constant 80 : i32
      %lt3A_277 = arith.cmpi slt, %add3A_275, %lt3A_276 : i32
      %convert_element_type3A_278 = arith.extui %lt3A_277 : i1 to i32
      %cond3A_279 = arith.constant 0 : i32
      %cond3A_280 = arith.cmpi ne, %convert_element_type3A_278, %cond3A_279 : i32
      scf.if %cond3A_280 {
        %add3A_305 = arith.constant 6 : i32
        %add3A_306 = arith.addi %add3A_116, %add3A_305 : i32
        %add3A_307 = arith.constant 8 : i32
        %add3A_308 = arith.addi %add3A_306, %add3A_307 : i32
        %dma_start3A_309 = arith.constant 6 : i32
        %dma_start3A_310 = arith.constant 0 : i32
        %dma_start3A_311 = arith.constant 0 : i32
        %dma_start3A_312 = tpu.memref_slice %arg8[%dma_start3A_309, %dma_start3A_310, %dma_start3A_311] : memref<8x125x64xf32, #tpu.memory_space<vmem>> -> memref<1x125x64xf32, #tpu.memory_space<vmem>>
        %dma_start3A_313 = tpu.memref_squeeze %dma_start3A_312 : memref<1x125x64xf32, #tpu.memory_space<vmem>> -> memref<125x64xf32, #tpu.memory_space<vmem>>
        %dma_start3A_314 = arith.constant 0 : i32
        %dma_start3A_315 = tpu.memref_slice %arg6[%add3A_308, %dma_start3A_314] : memref<80x125xi32, #tpu.memory_space<vmem>> -> memref<1x125xi32, #tpu.memory_space<vmem>>
        %dma_start3A_316 = tpu.memref_squeeze %dma_start3A_315 : memref<1x125xi32, #tpu.memory_space<vmem>> -> memref<125xi32, #tpu.memory_space<vmem>>
        %dma_start3A_317 = arith.constant 0 : i32
        %dma_start3A_318 = arith.constant 0 : i32
        %dma_start3A_319 = tpu.memref_slice %arg2[%dma_start3A_317, %dma_start3A_318] : memref<10000x64xf32, #tpu.memory_space<hbm>> -> memref<10000x64xf32, #tpu.memory_space<hbm>>
        tpu.enqueue_indirect_dma source(%dma_start3A_319 : memref<10000x64xf32, #tpu.memory_space<hbm>>) target(%dma_start3A_313 : memref<125x64xf32, #tpu.memory_space<vmem>>) offsets(%dma_start3A_316 : memref<125xi32, #tpu.memory_space<vmem>>) semaphore(%arg17 : memref<!tpu.dma_semaphore, #tpu.memory_space<semaphore_mem>>)
      } else {
      }
      %dma_wait3A_281 = arith.constant 7 : i32
      %dma_wait3A_282 = arith.constant 7 : i32
      %dma_wait3A_283 = arith.constant 0 : i32
      %dma_wait3A_284 = arith.constant 0 : i32
      %dma_wait3A_285 = tpu.memref_slice %arg8[%dma_wait3A_282, %dma_wait3A_283, %dma_wait3A_284] : memref<8x125x64xf32, #tpu.memory_space<vmem>> -> memref<1x125x64xf32, #tpu.memory_space<vmem>>
      %dma_wait3A_286 = tpu.memref_squeeze %dma_wait3A_285 : memref<1x125x64xf32, #tpu.memory_space<vmem>> -> memref<125x64xf32, #tpu.memory_space<vmem>>
      %dma_wait3A_287 = arith.constant 0 : i32
      %dma_wait3A_288 = tpu.memref_slice %arg6[%dma_wait3A_281, %dma_wait3A_287] : memref<80x125xi32, #tpu.memory_space<vmem>> -> memref<1x125xi32, #tpu.memory_space<vmem>>
      %dma_wait3A_289 = tpu.memref_squeeze %dma_wait3A_288 : memref<1x125xi32, #tpu.memory_space<vmem>> -> memref<125xi32, #tpu.memory_space<vmem>>
      %dma_wait3A_290 = arith.constant 0 : i32
      %dma_wait3A_291 = arith.constant 0 : i32
      %dma_wait3A_292 = tpu.memref_slice %arg2[%dma_wait3A_290, %dma_wait3A_291] : memref<10000x64xf32, #tpu.memory_space<hbm>> -> memref<10000x64xf32, #tpu.memory_space<hbm>>
      tpu.wait_indirect_dma semaphore(%arg18 : memref<!tpu.dma_semaphore, #tpu.memory_space<semaphore_mem>>) src(%dma_wait3A_292 : memref<10000x64xf32, #tpu.memory_space<hbm>>) dst(%dma_wait3A_286 : memref<125x64xf32, #tpu.memory_space<vmem>>)
      %add3A_293 = arith.constant 7 : i32
      %add3A_294 = arith.addi %add3A_116, %add3A_293 : i32
      %run_scoped3A_295 = arith.constant 7 : i32
      "tpu.region"() ({
        %run_scoped3A_305 = tpu.sem_alloc : memref<!tpu.dma_semaphore, #tpu.memory_space<semaphore_mem>>
        %dma_start3A_306 = arith.constant 0 : i32
        %dma_start3A_307 = arith.constant 0 : i32
        %dma_start3A_308 = tpu.memref_slice %arg8[%run_scoped3A_295, %dma_start3A_306, %dma_start3A_307] : memref<8x125x64xf32, #tpu.memory_space<vmem>> -> memref<1x125x64xf32, #tpu.memory_space<vmem>>
        %dma_start3A_309 = tpu.memref_squeeze %dma_start3A_308 : memref<1x125x64xf32, #tpu.memory_space<vmem>> -> memref<125x64xf32, #tpu.memory_space<vmem>>
        %dma_start3A_310 = arith.constant 0 : i32
        %dma_start3A_311 = tpu.memref_slice %arg7[%add3A_294, %dma_start3A_310] : memref<80x125xi32, #tpu.memory_space<vmem>> -> memref<1x125xi32, #tpu.memory_space<vmem>>
        %dma_start3A_312 = tpu.memref_squeeze %dma_start3A_311 : memref<1x125xi32, #tpu.memory_space<vmem>> -> memref<125xi32, #tpu.memory_space<vmem>>
        %dma_start3A_313 = arith.constant 0 : i32
        %dma_start3A_314 = arith.constant 0 : i32
        %dma_start3A_315 = tpu.memref_slice %arg10[%dma_start3A_313, %dma_start3A_314] : memref<10240x64xf32, #tpu.memory_space<vmem_shared>> -> memref<10240x64xf32, #tpu.memory_space<vmem_shared>>
        tpu.enqueue_indirect_dma source(%dma_start3A_309 : memref<125x64xf32, #tpu.memory_space<vmem>>) target(%dma_start3A_315 : memref<10240x64xf32, #tpu.memory_space<vmem_shared>>) offsets(%dma_start3A_312 : memref<125xi32, #tpu.memory_space<vmem>>) semaphore(%run_scoped3A_305 : memref<!tpu.dma_semaphore, #tpu.memory_space<semaphore_mem>>) {add = true}
        %dma_wait3A_316 = arith.constant 0 : i32
        %dma_wait3A_317 = arith.constant 0 : i32
        %dma_wait3A_318 = tpu.memref_slice %arg8[%run_scoped3A_295, %dma_wait3A_316, %dma_wait3A_317] : memref<8x125x64xf32, #tpu.memory_space<vmem>> -> memref<1x125x64xf32, #tpu.memory_space<vmem>>
        %dma_wait3A_319 = tpu.memref_squeeze %dma_wait3A_318 : memref<1x125x64xf32, #tpu.memory_space<vmem>> -> memref<125x64xf32, #tpu.memory_space<vmem>>
        %dma_wait3A_320 = arith.constant 0 : i32
        %dma_wait3A_321 = tpu.memref_slice %arg7[%add3A_294, %dma_wait3A_320] : memref<80x125xi32, #tpu.memory_space<vmem>> -> memref<1x125xi32, #tpu.memory_space<vmem>>
        %dma_wait3A_322 = tpu.memref_squeeze %dma_wait3A_321 : memref<1x125xi32, #tpu.memory_space<vmem>> -> memref<125xi32, #tpu.memory_space<vmem>>
        %dma_wait3A_323 = arith.constant 0 : i32
        %dma_wait3A_324 = arith.constant 0 : i32
        %dma_wait3A_325 = tpu.memref_slice %arg10[%dma_wait3A_323, %dma_wait3A_324] : memref<10240x64xf32, #tpu.memory_space<vmem_shared>> -> memref<10240x64xf32, #tpu.memory_space<vmem_shared>>
        tpu.wait_indirect_dma semaphore(%run_scoped3A_305 : memref<!tpu.dma_semaphore, #tpu.memory_space<semaphore_mem>>) src(%dma_wait3A_319 : memref<125x64xf32, #tpu.memory_space<vmem>>) dst(%dma_wait3A_325 : memref<10240x64xf32, #tpu.memory_space<vmem_shared>>)
        tpu.yield
      }) : () -> ()
      %add3A_296 = arith.constant 7 : i32
      %add3A_297 = arith.addi %add3A_116, %add3A_296 : i32
      %add3A_298 = arith.constant 8 : i32
      %add3A_299 = arith.addi %add3A_297, %add3A_298 : i32
      %lt3A_300 = arith.constant 80 : i32
      %lt3A_301 = arith.cmpi slt, %add3A_299, %lt3A_300 : i32
      %convert_element_type3A_302 = arith.extui %lt3A_301 : i1 to i32
      %cond3A_303 = arith.constant 0 : i32
      %cond3A_304 = arith.cmpi ne, %convert_element_type3A_302, %cond3A_303 : i32
      scf.if %cond3A_304 {
        %add3A_305 = arith.constant 7 : i32
        %add3A_306 = arith.addi %add3A_116, %add3A_305 : i32
        %add3A_307 = arith.constant 8 : i32
        %add3A_308 = arith.addi %add3A_306, %add3A_307 : i32
        %dma_start3A_309 = arith.constant 7 : i32
        %dma_start3A_310 = arith.constant 0 : i32
        %dma_start3A_311 = arith.constant 0 : i32
        %dma_start3A_312 = tpu.memref_slice %arg8[%dma_start3A_309, %dma_start3A_310, %dma_start3A_311] : memref<8x125x64xf32, #tpu.memory_space<vmem>> -> memref<1x125x64xf32, #tpu.memory_space<vmem>>
        %dma_start3A_313 = tpu.memref_squeeze %dma_start3A_312 : memref<1x125x64xf32, #tpu.memory_space<vmem>> -> memref<125x64xf32, #tpu.memory_space<vmem>>
        %dma_start3A_314 = arith.constant 0 : i32
        %dma_start3A_315 = tpu.memref_slice %arg6[%add3A_308, %dma_start3A_314] : memref<80x125xi32, #tpu.memory_space<vmem>> -> memref<1x125xi32, #tpu.memory_space<vmem>>
        %dma_start3A_316 = tpu.memref_squeeze %dma_start3A_315 : memref<1x125xi32, #tpu.memory_space<vmem>> -> memref<125xi32, #tpu.memory_space<vmem>>
        %dma_start3A_317 = arith.constant 0 : i32
        %dma_start3A_318 = arith.constant 0 : i32
        %dma_start3A_319 = tpu.memref_slice %arg2[%dma_start3A_317, %dma_start3A_318] : memref<10000x64xf32, #tpu.memory_space<hbm>> -> memref<10000x64xf32, #tpu.memory_space<hbm>>
        tpu.enqueue_indirect_dma source(%dma_start3A_319 : memref<10000x64xf32, #tpu.memory_space<hbm>>) target(%dma_start3A_313 : memref<125x64xf32, #tpu.memory_space<vmem>>) offsets(%dma_start3A_316 : memref<125xi32, #tpu.memory_space<vmem>>) semaphore(%arg18 : memref<!tpu.dma_semaphore, #tpu.memory_space<semaphore_mem>>)
      } else {
      }
    }
    %scan3A_105 = arith.constant 10 : i32
    %barrier3A_106 = arith.constant 0 : index
    tpu.barrier barrier_id(%barrier3A_106)
    %scan3A_107 = arith.constant 0 : i32
    %scan3A_108 = arith.constant 5 : i32
    %scan3A_109 = arith.addi %scan3A_107, %scan3A_108 : i32
    %scan3A_110 = arith.constant 1 : i32
    scf.for %scan3A_112 = %scan3A_107 to %scan3A_109 step %scan3A_110  : i32 {
      %mul3A_113 = arith.constant 1 : i32
      %mul3A_114 = arith.muli %scan3A_112, %mul3A_113 : i32
      %add3A_115 = arith.constant 0 : i32
      %add3A_116 = arith.addi %add3A_115, %mul3A_114 : i32
      %mul3A_117 = arith.constant 640 : i32
      %mul3A_118 = arith.muli %arg1, %mul3A_117 : i32
      %mul3A_119 = arith.constant 128 : i32
      %mul3A_120 = arith.muli %add3A_116, %mul3A_119 : i32
      %add3A_121 = arith.addi %mul3A_118, %mul3A_120 : i32
      "tpu.region"() ({
        %run_scoped3A_122 = tpu.sem_alloc : memref<!tpu.dma_semaphore, #tpu.memory_space<semaphore_mem>>
        %dma_start3A_123 = arith.constant 0 : i32
        %dma_start3A_124 = tpu.memref_slice %arg5[%arg0, %add3A_121, %dma_start3A_123] : memref<2x10240x64xf32, #tpu.memory_space<hbm>> -> memref<1x128x64xf32, #tpu.memory_space<hbm>>
        %dma_start3A_125 = tpu.memref_squeeze %dma_start3A_124 : memref<1x128x64xf32, #tpu.memory_space<hbm>> -> memref<128x64xf32, #tpu.memory_space<hbm>>
        %dma_start3A_126 = arith.constant 0 : i32
        %dma_start3A_127 = tpu.memref_slice %arg10[%add3A_121, %dma_start3A_126] : memref<10240x64xf32, #tpu.memory_space<vmem_shared>> -> memref<128x64xf32, #tpu.memory_space<vmem_shared>>
        tpu.enqueue_dma source(%dma_start3A_127 : memref<128x64xf32, #tpu.memory_space<vmem_shared>>) target(%dma_start3A_125 : memref<128x64xf32, #tpu.memory_space<hbm>>) target_semaphore(%run_scoped3A_122 : memref<!tpu.dma_semaphore, #tpu.memory_space<semaphore_mem>>)
        %dma_wait3A = arith.constant 0 : i32
        %dma_wait3A_128 = tpu.memref_slice %arg5[%arg0, %add3A_121, %dma_wait3A] : memref<2x10240x64xf32, #tpu.memory_space<hbm>> -> memref<1x128x64xf32, #tpu.memory_space<hbm>>
        %dma_wait3A_129 = tpu.memref_squeeze %dma_wait3A_128 : memref<1x128x64xf32, #tpu.memory_space<hbm>> -> memref<128x64xf32, #tpu.memory_space<hbm>>
        %dma_wait3A_130 = arith.constant 0 : i32
        %dma_wait3A_131 = tpu.memref_slice %arg10[%add3A_121, %dma_wait3A_130] : memref<10240x64xf32, #tpu.memory_space<vmem_shared>> -> memref<128x64xf32, #tpu.memory_space<vmem_shared>>
        tpu.wait_dma2 semaphore(%run_scoped3A_122 : memref<!tpu.dma_semaphore, #tpu.memory_space<semaphore_mem>>) src(%dma_wait3A_131 : memref<128x64xf32, #tpu.memory_space<vmem_shared>>) dst(%dma_wait3A_129 : memref<128x64xf32, #tpu.memory_space<hbm>>)
        tpu.yield
      }) : () -> ()
    }
    %scan3A_111 = arith.constant 5 : i32
    return
  }
}

#map = affine_map<(d0, d1) -> (0, 0, 0, 0)>
#map1 = affine_map<(d0, d1) -> (0, 0)>
module attributes {stable_mosaic.version = 14 : i64} {
  func.func @_deg_kernel(%arg0: i32, %arg1: i32, %arg2: memref<2x32x80x125xi32, #tpu.memory_space<hbm>>, %arg3: memref<125x16xf32, #tpu.memory_space<hbm>>, %arg4: memref<128x16xf32, #tpu.memory_space<hbm>>, %arg5: memref<2x10240x4x16xf32, #tpu.memory_space<hbm>>, %arg6: memref<80x125xi32, #tpu.memory_space<vmem>>, %arg7: memref<125x16xf32, #tpu.memory_space<vmem>>, %arg8: memref<128x16xf32, #tpu.memory_space<vmem>>, %arg9: memref<10240x16xf32, #tpu.memory_space<vmem_shared>>) attributes {dimension_semantics = [#tpu.dimension_semantics<core_parallel>, #tpu.dimension_semantics<subcore_parallel>], iteration_bounds = array<i64: 2, 16>, scalar_prefetch = 0 : i64, scratch_operands = 4 : i64, tpu.core_type = #tpu.core_type<sc_vector_subcore>, window_params = [{transform_indices = #map}, {transform_indices = #map1}, {transform_indices = #map1}, {transform_indices = #map}]} {
    %mul3A = arith.constant 2 : i32
    %mul3A_0 = arith.muli %arg1, %mul3A : i32
    %add3A = arith.addi %mul3A_0, %arg0 : i32
    %run_scoped3A = arith.constant 1 : i32
    "tpu.region"() ({
      %run_scoped3A_16 = tpu.sem_alloc : memref<!tpu.dma_semaphore, #tpu.memory_space<semaphore_mem>>
      %dma_start3A = arith.constant 0 : i32
      %dma_start3A_17 = arith.constant 0 : i32
      %dma_start3A_18 = tpu.memref_slice %arg2[%run_scoped3A, %add3A, %dma_start3A, %dma_start3A_17] : memref<2x32x80x125xi32, #tpu.memory_space<hbm>> -> memref<1x1x80x125xi32, #tpu.memory_space<hbm>>
      %dma_start3A_19 = tpu.memref_squeeze %dma_start3A_18 : memref<1x1x80x125xi32, #tpu.memory_space<hbm>> -> memref<80x125xi32, #tpu.memory_space<hbm>>
      %dma_start3A_20 = arith.constant 0 : i32
      %dma_start3A_21 = arith.constant 0 : i32
      %dma_start3A_22 = tpu.memref_slice %arg2[%run_scoped3A, %add3A, %dma_start3A_20, %dma_start3A_21] : memref<2x32x80x125xi32, #tpu.memory_space<hbm>> -> memref<1x1x80x125xi32, #tpu.memory_space<hbm>>
      %dma_start3A_23 = tpu.memref_squeeze %dma_start3A_22 : memref<1x1x80x125xi32, #tpu.memory_space<hbm>> -> memref<80x125xi32, #tpu.memory_space<hbm>>
      tpu.enqueue_dma source(%dma_start3A_23 : memref<80x125xi32, #tpu.memory_space<hbm>>) target(%arg6 : memref<80x125xi32, #tpu.memory_space<vmem>>) target_semaphore(%run_scoped3A_16 : memref<!tpu.dma_semaphore, #tpu.memory_space<semaphore_mem>>)
      %dma_wait3A = arith.constant 0 : i32
      %dma_wait3A_24 = arith.constant 0 : i32
      %dma_wait3A_25 = tpu.memref_slice %arg2[%run_scoped3A, %add3A, %dma_wait3A, %dma_wait3A_24] : memref<2x32x80x125xi32, #tpu.memory_space<hbm>> -> memref<1x1x80x125xi32, #tpu.memory_space<hbm>>
      %dma_wait3A_26 = tpu.memref_squeeze %dma_wait3A_25 : memref<1x1x80x125xi32, #tpu.memory_space<hbm>> -> memref<80x125xi32, #tpu.memory_space<hbm>>
      %dma_wait3A_27 = arith.constant 0 : i32
      %dma_wait3A_28 = arith.constant 0 : i32
      %dma_wait3A_29 = tpu.memref_slice %arg2[%run_scoped3A, %add3A, %dma_wait3A_27, %dma_wait3A_28] : memref<2x32x80x125xi32, #tpu.memory_space<hbm>> -> memref<1x1x80x125xi32, #tpu.memory_space<hbm>>
      %dma_wait3A_30 = tpu.memref_squeeze %dma_wait3A_29 : memref<1x1x80x125xi32, #tpu.memory_space<hbm>> -> memref<80x125xi32, #tpu.memory_space<hbm>>
      tpu.wait_dma2 semaphore(%run_scoped3A_16 : memref<!tpu.dma_semaphore, #tpu.memory_space<semaphore_mem>>) src(%dma_wait3A_30 : memref<80x125xi32, #tpu.memory_space<hbm>>) dst(%arg6 : memref<80x125xi32, #tpu.memory_space<vmem>>)
      tpu.yield
    }) : () -> ()
    "tpu.region"() ({
      %run_scoped3A_16 = tpu.sem_alloc : memref<!tpu.dma_semaphore, #tpu.memory_space<semaphore_mem>>
      tpu.enqueue_dma source(%arg3 : memref<125x16xf32, #tpu.memory_space<hbm>>) target(%arg7 : memref<125x16xf32, #tpu.memory_space<vmem>>) target_semaphore(%run_scoped3A_16 : memref<!tpu.dma_semaphore, #tpu.memory_space<semaphore_mem>>)
      tpu.wait_dma2 semaphore(%run_scoped3A_16 : memref<!tpu.dma_semaphore, #tpu.memory_space<semaphore_mem>>) src(%arg3 : memref<125x16xf32, #tpu.memory_space<hbm>>) dst(%arg7 : memref<125x16xf32, #tpu.memory_space<vmem>>)
      tpu.yield
    }) : () -> ()
    "tpu.region"() ({
      %run_scoped3A_16 = tpu.sem_alloc : memref<!tpu.dma_semaphore, #tpu.memory_space<semaphore_mem>>
      tpu.enqueue_dma source(%arg4 : memref<128x16xf32, #tpu.memory_space<hbm>>) target(%arg8 : memref<128x16xf32, #tpu.memory_space<vmem>>) target_semaphore(%run_scoped3A_16 : memref<!tpu.dma_semaphore, #tpu.memory_space<semaphore_mem>>)
      tpu.wait_dma2 semaphore(%run_scoped3A_16 : memref<!tpu.dma_semaphore, #tpu.memory_space<semaphore_mem>>) src(%arg4 : memref<128x16xf32, #tpu.memory_space<hbm>>) dst(%arg8 : memref<128x16xf32, #tpu.memory_space<vmem>>)
      tpu.yield
    }) : () -> ()
    %scan3A = arith.constant 0 : i32
    %scan3A_1 = arith.constant 5 : i32
    %scan3A_2 = arith.addi %scan3A, %scan3A_1 : i32
    %scan3A_3 = arith.constant 1 : i32
    scf.for %scan3A_16 = %scan3A to %scan3A_2 step %scan3A_3  : i32 {
      %mul3A_17 = arith.constant 1 : i32
      %mul3A_18 = arith.muli %scan3A_16, %mul3A_17 : i32
      %add3A_19 = arith.constant 0 : i32
      %add3A_20 = arith.addi %add3A_19, %mul3A_18 : i32
      %mul3A_21 = arith.constant 640 : i32
      %mul3A_22 = arith.muli %arg1, %mul3A_21 : i32
      %mul3A_23 = arith.constant 128 : i32
      %mul3A_24 = arith.muli %add3A_20, %mul3A_23 : i32
      %add3A_25 = arith.addi %mul3A_22, %mul3A_24 : i32
      "tpu.region"() ({
        %run_scoped3A_26 = tpu.sem_alloc : memref<!tpu.dma_semaphore, #tpu.memory_space<semaphore_mem>>
        %dma_start3A = arith.constant 0 : i32
        %dma_start3A_27 = tpu.memref_slice %arg9[%add3A_25, %dma_start3A] : memref<10240x16xf32, #tpu.memory_space<vmem_shared>> -> memref<128x16xf32, #tpu.memory_space<vmem_shared>>
        %dma_start3A_28 = arith.constant 0 : i32
        %dma_start3A_29 = tpu.memref_slice %arg9[%add3A_25, %dma_start3A_28] : memref<10240x16xf32, #tpu.memory_space<vmem_shared>> -> memref<128x16xf32, #tpu.memory_space<vmem_shared>>
        tpu.enqueue_dma source(%arg8 : memref<128x16xf32, #tpu.memory_space<vmem>>) target(%dma_start3A_29 : memref<128x16xf32, #tpu.memory_space<vmem_shared>>) target_semaphore(%run_scoped3A_26 : memref<!tpu.dma_semaphore, #tpu.memory_space<semaphore_mem>>)
        %dma_wait3A = arith.constant 0 : i32
        %dma_wait3A_30 = tpu.memref_slice %arg9[%add3A_25, %dma_wait3A] : memref<10240x16xf32, #tpu.memory_space<vmem_shared>> -> memref<128x16xf32, #tpu.memory_space<vmem_shared>>
        %dma_wait3A_31 = arith.constant 0 : i32
        %dma_wait3A_32 = tpu.memref_slice %arg9[%add3A_25, %dma_wait3A_31] : memref<10240x16xf32, #tpu.memory_space<vmem_shared>> -> memref<128x16xf32, #tpu.memory_space<vmem_shared>>
        tpu.wait_dma2 semaphore(%run_scoped3A_26 : memref<!tpu.dma_semaphore, #tpu.memory_space<semaphore_mem>>) src(%arg8 : memref<128x16xf32, #tpu.memory_space<vmem>>) dst(%dma_wait3A_32 : memref<128x16xf32, #tpu.memory_space<vmem_shared>>)
        tpu.yield
      }) : () -> ()
    }
    %scan3A_4 = arith.constant 5 : i32
    %barrier3A = arith.constant 0 : index
    tpu.barrier barrier_id(%barrier3A)
    %scan3A_5 = arith.constant 0 : i32
    %scan3A_6 = arith.constant 80 : i32
    %scan3A_7 = arith.addi %scan3A_5, %scan3A_6 : i32
    %scan3A_8 = arith.constant 1 : i32
    scf.for %scan3A_16 = %scan3A_5 to %scan3A_7 step %scan3A_8  : i32 {
      %mul3A_17 = arith.constant 1 : i32
      %mul3A_18 = arith.muli %scan3A_16, %mul3A_17 : i32
      %add3A_19 = arith.constant 0 : i32
      %add3A_20 = arith.addi %add3A_19, %mul3A_18 : i32
      "tpu.region"() ({
        %run_scoped3A_21 = tpu.sem_alloc : memref<!tpu.dma_semaphore, #tpu.memory_space<semaphore_mem>>
        %dma_start3A = arith.constant 0 : i32
        %dma_start3A_22 = tpu.memref_slice %arg6[%add3A_20, %dma_start3A] : memref<80x125xi32, #tpu.memory_space<vmem>> -> memref<1x125xi32, #tpu.memory_space<vmem>>
        %dma_start3A_23 = tpu.memref_squeeze %dma_start3A_22 : memref<1x125xi32, #tpu.memory_space<vmem>> -> memref<125xi32, #tpu.memory_space<vmem>>
        %dma_start3A_24 = arith.constant 0 : i32
        %dma_start3A_25 = arith.constant 0 : i32
        %dma_start3A_26 = tpu.memref_slice %arg9[%dma_start3A_24, %dma_start3A_25] : memref<10240x16xf32, #tpu.memory_space<vmem_shared>> -> memref<10240x16xf32, #tpu.memory_space<vmem_shared>>
        tpu.enqueue_indirect_dma source(%arg7 : memref<125x16xf32, #tpu.memory_space<vmem>>) target(%dma_start3A_26 : memref<10240x16xf32, #tpu.memory_space<vmem_shared>>) offsets(%dma_start3A_23 : memref<125xi32, #tpu.memory_space<vmem>>) semaphore(%run_scoped3A_21 : memref<!tpu.dma_semaphore, #tpu.memory_space<semaphore_mem>>) {add = true}
        %dma_wait3A = arith.constant 0 : i32
        %dma_wait3A_27 = tpu.memref_slice %arg6[%add3A_20, %dma_wait3A] : memref<80x125xi32, #tpu.memory_space<vmem>> -> memref<1x125xi32, #tpu.memory_space<vmem>>
        %dma_wait3A_28 = tpu.memref_squeeze %dma_wait3A_27 : memref<1x125xi32, #tpu.memory_space<vmem>> -> memref<125xi32, #tpu.memory_space<vmem>>
        %dma_wait3A_29 = arith.constant 0 : i32
        %dma_wait3A_30 = arith.constant 0 : i32
        %dma_wait3A_31 = tpu.memref_slice %arg9[%dma_wait3A_29, %dma_wait3A_30] : memref<10240x16xf32, #tpu.memory_space<vmem_shared>> -> memref<10240x16xf32, #tpu.memory_space<vmem_shared>>
        tpu.wait_indirect_dma semaphore(%run_scoped3A_21 : memref<!tpu.dma_semaphore, #tpu.memory_space<semaphore_mem>>) src(%arg7 : memref<125x16xf32, #tpu.memory_space<vmem>>) dst(%dma_wait3A_31 : memref<10240x16xf32, #tpu.memory_space<vmem_shared>>)
        tpu.yield
      }) : () -> ()
    }
    %scan3A_9 = arith.constant 80 : i32
    %barrier3A_10 = arith.constant 0 : index
    tpu.barrier barrier_id(%barrier3A_10)
    %scan3A_11 = arith.constant 0 : i32
    %scan3A_12 = arith.constant 5 : i32
    %scan3A_13 = arith.addi %scan3A_11, %scan3A_12 : i32
    %scan3A_14 = arith.constant 1 : i32
    scf.for %scan3A_16 = %scan3A_11 to %scan3A_13 step %scan3A_14  : i32 {
      %mul3A_17 = arith.constant 1 : i32
      %mul3A_18 = arith.muli %scan3A_16, %mul3A_17 : i32
      %add3A_19 = arith.constant 0 : i32
      %add3A_20 = arith.addi %add3A_19, %mul3A_18 : i32
      %mul3A_21 = arith.constant 640 : i32
      %mul3A_22 = arith.muli %arg1, %mul3A_21 : i32
      %mul3A_23 = arith.constant 128 : i32
      %mul3A_24 = arith.muli %add3A_20, %mul3A_23 : i32
      %add3A_25 = arith.addi %mul3A_22, %mul3A_24 : i32
      %run_scoped3A_26 = arith.constant 0 : i32
      "tpu.region"() ({
        %run_scoped3A_30 = tpu.sem_alloc : memref<!tpu.dma_semaphore, #tpu.memory_space<semaphore_mem>>
        %dma_start3A = arith.constant 0 : i32
        %dma_start3A_31 = tpu.memref_slice %arg5[%arg0, %add3A_25, %run_scoped3A_26, %dma_start3A] : memref<2x10240x4x16xf32, #tpu.memory_space<hbm>> -> memref<1x128x1x16xf32, #tpu.memory_space<hbm>>
        %dma_start3A_32 = tpu.memref_squeeze %dma_start3A_31 : memref<1x128x1x16xf32, #tpu.memory_space<hbm>> -> memref<128x16xf32, #tpu.memory_space<hbm>>
        %dma_start3A_33 = arith.constant 0 : i32
        %dma_start3A_34 = tpu.memref_slice %arg9[%add3A_25, %dma_start3A_33] : memref<10240x16xf32, #tpu.memory_space<vmem_shared>> -> memref<128x16xf32, #tpu.memory_space<vmem_shared>>
        tpu.enqueue_dma source(%dma_start3A_34 : memref<128x16xf32, #tpu.memory_space<vmem_shared>>) target(%dma_start3A_32 : memref<128x16xf32, #tpu.memory_space<hbm>>) target_semaphore(%run_scoped3A_30 : memref<!tpu.dma_semaphore, #tpu.memory_space<semaphore_mem>>)
        %dma_wait3A = arith.constant 0 : i32
        %dma_wait3A_35 = tpu.memref_slice %arg5[%arg0, %add3A_25, %run_scoped3A_26, %dma_wait3A] : memref<2x10240x4x16xf32, #tpu.memory_space<hbm>> -> memref<1x128x1x16xf32, #tpu.memory_space<hbm>>
        %dma_wait3A_36 = tpu.memref_squeeze %dma_wait3A_35 : memref<1x128x1x16xf32, #tpu.memory_space<hbm>> -> memref<128x16xf32, #tpu.memory_space<hbm>>
        %dma_wait3A_37 = arith.constant 0 : i32
        %dma_wait3A_38 = tpu.memref_slice %arg9[%add3A_25, %dma_wait3A_37] : memref<10240x16xf32, #tpu.memory_space<vmem_shared>> -> memref<128x16xf32, #tpu.memory_space<vmem_shared>>
        tpu.wait_dma2 semaphore(%run_scoped3A_30 : memref<!tpu.dma_semaphore, #tpu.memory_space<semaphore_mem>>) src(%dma_wait3A_38 : memref<128x16xf32, #tpu.memory_space<vmem_shared>>) dst(%dma_wait3A_36 : memref<128x16xf32, #tpu.memory_space<hbm>>)
        tpu.yield
      }) : () -> ()
      %run_scoped3A_27 = arith.constant 1 : i32
      "tpu.region"() ({
        %run_scoped3A_30 = tpu.sem_alloc : memref<!tpu.dma_semaphore, #tpu.memory_space<semaphore_mem>>
        %dma_start3A = arith.constant 0 : i32
        %dma_start3A_31 = tpu.memref_slice %arg5[%arg0, %add3A_25, %run_scoped3A_27, %dma_start3A] : memref<2x10240x4x16xf32, #tpu.memory_space<hbm>> -> memref<1x128x1x16xf32, #tpu.memory_space<hbm>>
        %dma_start3A_32 = tpu.memref_squeeze %dma_start3A_31 : memref<1x128x1x16xf32, #tpu.memory_space<hbm>> -> memref<128x16xf32, #tpu.memory_space<hbm>>
        %dma_start3A_33 = arith.constant 0 : i32
        %dma_start3A_34 = tpu.memref_slice %arg9[%add3A_25, %dma_start3A_33] : memref<10240x16xf32, #tpu.memory_space<vmem_shared>> -> memref<128x16xf32, #tpu.memory_space<vmem_shared>>
        tpu.enqueue_dma source(%dma_start3A_34 : memref<128x16xf32, #tpu.memory_space<vmem_shared>>) target(%dma_start3A_32 : memref<128x16xf32, #tpu.memory_space<hbm>>) target_semaphore(%run_scoped3A_30 : memref<!tpu.dma_semaphore, #tpu.memory_space<semaphore_mem>>)
        %dma_wait3A = arith.constant 0 : i32
        %dma_wait3A_35 = tpu.memref_slice %arg5[%arg0, %add3A_25, %run_scoped3A_27, %dma_wait3A] : memref<2x10240x4x16xf32, #tpu.memory_space<hbm>> -> memref<1x128x1x16xf32, #tpu.memory_space<hbm>>
        %dma_wait3A_36 = tpu.memref_squeeze %dma_wait3A_35 : memref<1x128x1x16xf32, #tpu.memory_space<hbm>> -> memref<128x16xf32, #tpu.memory_space<hbm>>
        %dma_wait3A_37 = arith.constant 0 : i32
        %dma_wait3A_38 = tpu.memref_slice %arg9[%add3A_25, %dma_wait3A_37] : memref<10240x16xf32, #tpu.memory_space<vmem_shared>> -> memref<128x16xf32, #tpu.memory_space<vmem_shared>>
        tpu.wait_dma2 semaphore(%run_scoped3A_30 : memref<!tpu.dma_semaphore, #tpu.memory_space<semaphore_mem>>) src(%dma_wait3A_38 : memref<128x16xf32, #tpu.memory_space<vmem_shared>>) dst(%dma_wait3A_36 : memref<128x16xf32, #tpu.memory_space<hbm>>)
        tpu.yield
      }) : () -> ()
      %run_scoped3A_28 = arith.constant 2 : i32
      "tpu.region"() ({
        %run_scoped3A_30 = tpu.sem_alloc : memref<!tpu.dma_semaphore, #tpu.memory_space<semaphore_mem>>
        %dma_start3A = arith.constant 0 : i32
        %dma_start3A_31 = tpu.memref_slice %arg5[%arg0, %add3A_25, %run_scoped3A_28, %dma_start3A] : memref<2x10240x4x16xf32, #tpu.memory_space<hbm>> -> memref<1x128x1x16xf32, #tpu.memory_space<hbm>>
        %dma_start3A_32 = tpu.memref_squeeze %dma_start3A_31 : memref<1x128x1x16xf32, #tpu.memory_space<hbm>> -> memref<128x16xf32, #tpu.memory_space<hbm>>
        %dma_start3A_33 = arith.constant 0 : i32
        %dma_start3A_34 = tpu.memref_slice %arg9[%add3A_25, %dma_start3A_33] : memref<10240x16xf32, #tpu.memory_space<vmem_shared>> -> memref<128x16xf32, #tpu.memory_space<vmem_shared>>
        tpu.enqueue_dma source(%dma_start3A_34 : memref<128x16xf32, #tpu.memory_space<vmem_shared>>) target(%dma_start3A_32 : memref<128x16xf32, #tpu.memory_space<hbm>>) target_semaphore(%run_scoped3A_30 : memref<!tpu.dma_semaphore, #tpu.memory_space<semaphore_mem>>)
        %dma_wait3A = arith.constant 0 : i32
        %dma_wait3A_35 = tpu.memref_slice %arg5[%arg0, %add3A_25, %run_scoped3A_28, %dma_wait3A] : memref<2x10240x4x16xf32, #tpu.memory_space<hbm>> -> memref<1x128x1x16xf32, #tpu.memory_space<hbm>>
        %dma_wait3A_36 = tpu.memref_squeeze %dma_wait3A_35 : memref<1x128x1x16xf32, #tpu.memory_space<hbm>> -> memref<128x16xf32, #tpu.memory_space<hbm>>
        %dma_wait3A_37 = arith.constant 0 : i32
        %dma_wait3A_38 = tpu.memref_slice %arg9[%add3A_25, %dma_wait3A_37] : memref<10240x16xf32, #tpu.memory_space<vmem_shared>> -> memref<128x16xf32, #tpu.memory_space<vmem_shared>>
        tpu.wait_dma2 semaphore(%run_scoped3A_30 : memref<!tpu.dma_semaphore, #tpu.memory_space<semaphore_mem>>) src(%dma_wait3A_38 : memref<128x16xf32, #tpu.memory_space<vmem_shared>>) dst(%dma_wait3A_36 : memref<128x16xf32, #tpu.memory_space<hbm>>)
        tpu.yield
      }) : () -> ()
      %run_scoped3A_29 = arith.constant 3 : i32
      "tpu.region"() ({
        %run_scoped3A_30 = tpu.sem_alloc : memref<!tpu.dma_semaphore, #tpu.memory_space<semaphore_mem>>
        %dma_start3A = arith.constant 0 : i32
        %dma_start3A_31 = tpu.memref_slice %arg5[%arg0, %add3A_25, %run_scoped3A_29, %dma_start3A] : memref<2x10240x4x16xf32, #tpu.memory_space<hbm>> -> memref<1x128x1x16xf32, #tpu.memory_space<hbm>>
        %dma_start3A_32 = tpu.memref_squeeze %dma_start3A_31 : memref<1x128x1x16xf32, #tpu.memory_space<hbm>> -> memref<128x16xf32, #tpu.memory_space<hbm>>
        %dma_start3A_33 = arith.constant 0 : i32
        %dma_start3A_34 = tpu.memref_slice %arg9[%add3A_25, %dma_start3A_33] : memref<10240x16xf32, #tpu.memory_space<vmem_shared>> -> memref<128x16xf32, #tpu.memory_space<vmem_shared>>
        tpu.enqueue_dma source(%dma_start3A_34 : memref<128x16xf32, #tpu.memory_space<vmem_shared>>) target(%dma_start3A_32 : memref<128x16xf32, #tpu.memory_space<hbm>>) target_semaphore(%run_scoped3A_30 : memref<!tpu.dma_semaphore, #tpu.memory_space<semaphore_mem>>)
        %dma_wait3A = arith.constant 0 : i32
        %dma_wait3A_35 = tpu.memref_slice %arg5[%arg0, %add3A_25, %run_scoped3A_29, %dma_wait3A] : memref<2x10240x4x16xf32, #tpu.memory_space<hbm>> -> memref<1x128x1x16xf32, #tpu.memory_space<hbm>>
        %dma_wait3A_36 = tpu.memref_squeeze %dma_wait3A_35 : memref<1x128x1x16xf32, #tpu.memory_space<hbm>> -> memref<128x16xf32, #tpu.memory_space<hbm>>
        %dma_wait3A_37 = arith.constant 0 : i32
        %dma_wait3A_38 = tpu.memref_slice %arg9[%add3A_25, %dma_wait3A_37] : memref<10240x16xf32, #tpu.memory_space<vmem_shared>> -> memref<128x16xf32, #tpu.memory_space<vmem_shared>>
        tpu.wait_dma2 semaphore(%run_scoped3A_30 : memref<!tpu.dma_semaphore, #tpu.memory_space<semaphore_mem>>) src(%dma_wait3A_38 : memref<128x16xf32, #tpu.memory_space<vmem_shared>>) dst(%dma_wait3A_36 : memref<128x16xf32, #tpu.memory_space<hbm>>)
        tpu.yield
      }) : () -> ()
    }
    %scan3A_15 = arith.constant 5 : i32
    return
  }
}

#map = affine_map<(d0, d1) -> (0, 0)>
#map1 = affine_map<(d0, d1) -> (0, 0, 0, 0)>
#map2 = affine_map<(d0, d1) -> (0, 0, 0)>
module attributes {stable_mosaic.version = 14 : i64} {
  func.func @_conv_kernel(%arg0: i32, %arg1: i32, %arg2: memref<10000x64xf32, #tpu.memory_space<hbm>>, %arg3: memref<2x32x80x125xi32, #tpu.memory_space<hbm>>, %arg4: memref<64x64xf32, #tpu.memory_space<hbm>>, %arg5: memref<2x10240x64xf32, #tpu.memory_space<hbm>>, %arg6: memref<80x125xi32, #tpu.memory_space<vmem>>, %arg7: memref<80x125xi32, #tpu.memory_space<vmem>>, %arg8: memref<8x125x64xf32, #tpu.memory_space<vmem>>, %arg9: memref<64x64xf32, #tpu.memory_space<vmem>>, %arg10: memref<10240x64xf32, #tpu.memory_space<vmem_shared>>, %arg11: memref<!tpu.dma_semaphore, #tpu.memory_space<semaphore_mem>>, %arg12: memref<!tpu.dma_semaphore, #tpu.memory_space<semaphore_mem>>, %arg13: memref<!tpu.dma_semaphore, #tpu.memory_space<semaphore_mem>>, %arg14: memref<!tpu.dma_semaphore, #tpu.memory_space<semaphore_mem>>, %arg15: memref<!tpu.dma_semaphore, #tpu.memory_space<semaphore_mem>>, %arg16: memref<!tpu.dma_semaphore, #tpu.memory_space<semaphore_mem>>, %arg17: memref<!tpu.dma_semaphore, #tpu.memory_space<semaphore_mem>>, %arg18: memref<!tpu.dma_semaphore, #tpu.memory_space<semaphore_mem>>) attributes {dimension_semantics = [#tpu.dimension_semantics<core_parallel>, #tpu.dimension_semantics<subcore_parallel>], iteration_bounds = array<i64: 2, 16>, scalar_prefetch = 0 : i64, scratch_operands = 13 : i64, tpu.core_type = #tpu.core_type<sc_vector_subcore>, window_params = [{transform_indices = #map}, {transform_indices = #map1}, {transform_indices = #map}, {transform_indices = #map2}]} {
    %mul3A = arith.constant 2 : i32
    %mul3A_0 = arith.muli %arg1, %mul3A : i32
    %add3A = arith.addi %mul3A_0, %arg0 : i32
    %run_scoped3A = arith.constant 0 : i32
    "tpu.region"() ({
      %run_scoped3A_112 = tpu.sem_alloc : memref<!tpu.dma_semaphore, #tpu.memory_space<semaphore_mem>>
      %dma_start3A_113 = arith.constant 0 : i32
      %dma_start3A_114 = arith.constant 0 : i32
      %dma_start3A_115 = tpu.memref_slice %arg3[%run_scoped3A, %add3A, %dma_start3A_113, %dma_start3A_114] : memref<2x32x80x125xi32, #tpu.memory_space<hbm>> -> memref<1x1x80x125xi32, #tpu.memory_space<hbm>>
      %dma_start3A_116 = tpu.memref_squeeze %dma_start3A_115 : memref<1x1x80x125xi32, #tpu.memory_space<hbm>> -> memref<80x125xi32, #tpu.memory_space<hbm>>
      %dma_start3A_117 = arith.constant 0 : i32
      %dma_start3A_118 = arith.constant 0 : i32
      %dma_start3A_119 = tpu.memref_slice %arg3[%run_scoped3A, %add3A, %dma_start3A_117, %dma_start3A_118] : memref<2x32x80x125xi32, #tpu.memory_space<hbm>> -> memref<1x1x80x125xi32, #tpu.memory_space<hbm>>
      %dma_start3A_120 = tpu.memref_squeeze %dma_start3A_119 : memref<1x1x80x125xi32, #tpu.memory_space<hbm>> -> memref<80x125xi32, #tpu.memory_space<hbm>>
      tpu.enqueue_dma source(%dma_start3A_120 : memref<80x125xi32, #tpu.memory_space<hbm>>) target(%arg6 : memref<80x125xi32, #tpu.memory_space<vmem>>) target_semaphore(%run_scoped3A_112 : memref<!tpu.dma_semaphore, #tpu.memory_space<semaphore_mem>>)
      %dma_wait3A = arith.constant 0 : i32
      %dma_wait3A_121 = arith.constant 0 : i32
      %dma_wait3A_122 = tpu.memref_slice %arg3[%run_scoped3A, %add3A, %dma_wait3A, %dma_wait3A_121] : memref<2x32x80x125xi32, #tpu.memory_space<hbm>> -> memref<1x1x80x125xi32, #tpu.memory_space<hbm>>
      %dma_wait3A_123 = tpu.memref_squeeze %dma_wait3A_122 : memref<1x1x80x125xi32, #tpu.memory_space<hbm>> -> memref<80x125xi32, #tpu.memory_space<hbm>>
      %dma_wait3A_124 = arith.constant 0 : i32
      %dma_wait3A_125 = arith.constant 0 : i32
      %dma_wait3A_126 = tpu.memref_slice %arg3[%run_scoped3A, %add3A, %dma_wait3A_124, %dma_wait3A_125] : memref<2x32x80x125xi32, #tpu.memory_space<hbm>> -> memref<1x1x80x125xi32, #tpu.memory_space<hbm>>
      %dma_wait3A_127 = tpu.memref_squeeze %dma_wait3A_126 : memref<1x1x80x125xi32, #tpu.memory_space<hbm>> -> memref<80x125xi32, #tpu.memory_space<hbm>>
      tpu.wait_dma2 semaphore(%run_scoped3A_112 : memref<!tpu.dma_semaphore, #tpu.memory_space<semaphore_mem>>) src(%dma_wait3A_127 : memref<80x125xi32, #tpu.memory_space<hbm>>) dst(%arg6 : memref<80x125xi32, #tpu.memory_space<vmem>>)
      tpu.yield
    }) : () -> ()
    %run_scoped3A_1 = arith.constant 1 : i32
    "tpu.region"() ({
      %run_scoped3A_112 = tpu.sem_alloc : memref<!tpu.dma_semaphore, #tpu.memory_space<semaphore_mem>>
      %dma_start3A_113 = arith.constant 0 : i32
      %dma_start3A_114 = arith.constant 0 : i32
      %dma_start3A_115 = tpu.memref_slice %arg3[%run_scoped3A_1, %add3A, %dma_start3A_113, %dma_start3A_114] : memref<2x32x80x125xi32, #tpu.memory_space<hbm>> -> memref<1x1x80x125xi32, #tpu.memory_space<hbm>>
      %dma_start3A_116 = tpu.memref_squeeze %dma_start3A_115 : memref<1x1x80x125xi32, #tpu.memory_space<hbm>> -> memref<80x125xi32, #tpu.memory_space<hbm>>
      %dma_start3A_117 = arith.constant 0 : i32
      %dma_start3A_118 = arith.constant 0 : i32
      %dma_start3A_119 = tpu.memref_slice %arg3[%run_scoped3A_1, %add3A, %dma_start3A_117, %dma_start3A_118] : memref<2x32x80x125xi32, #tpu.memory_space<hbm>> -> memref<1x1x80x125xi32, #tpu.memory_space<hbm>>
      %dma_start3A_120 = tpu.memref_squeeze %dma_start3A_119 : memref<1x1x80x125xi32, #tpu.memory_space<hbm>> -> memref<80x125xi32, #tpu.memory_space<hbm>>
      tpu.enqueue_dma source(%dma_start3A_120 : memref<80x125xi32, #tpu.memory_space<hbm>>) target(%arg7 : memref<80x125xi32, #tpu.memory_space<vmem>>) target_semaphore(%run_scoped3A_112 : memref<!tpu.dma_semaphore, #tpu.memory_space<semaphore_mem>>)
      %dma_wait3A = arith.constant 0 : i32
      %dma_wait3A_121 = arith.constant 0 : i32
      %dma_wait3A_122 = tpu.memref_slice %arg3[%run_scoped3A_1, %add3A, %dma_wait3A, %dma_wait3A_121] : memref<2x32x80x125xi32, #tpu.memory_space<hbm>> -> memref<1x1x80x125xi32, #tpu.memory_space<hbm>>
      %dma_wait3A_123 = tpu.memref_squeeze %dma_wait3A_122 : memref<1x1x80x125xi32, #tpu.memory_space<hbm>> -> memref<80x125xi32, #tpu.memory_space<hbm>>
      %dma_wait3A_124 = arith.constant 0 : i32
      %dma_wait3A_125 = arith.constant 0 : i32
      %dma_wait3A_126 = tpu.memref_slice %arg3[%run_scoped3A_1, %add3A, %dma_wait3A_124, %dma_wait3A_125] : memref<2x32x80x125xi32, #tpu.memory_space<hbm>> -> memref<1x1x80x125xi32, #tpu.memory_space<hbm>>
      %dma_wait3A_127 = tpu.memref_squeeze %dma_wait3A_126 : memref<1x1x80x125xi32, #tpu.memory_space<hbm>> -> memref<80x125xi32, #tpu.memory_space<hbm>>
      tpu.wait_dma2 semaphore(%run_scoped3A_112 : memref<!tpu.dma_semaphore, #tpu.memory_space<semaphore_mem>>) src(%dma_wait3A_127 : memref<80x125xi32, #tpu.memory_space<hbm>>) dst(%arg7 : memref<80x125xi32, #tpu.memory_space<vmem>>)
      tpu.yield
    }) : () -> ()
    "tpu.region"() ({
      %run_scoped3A_112 = tpu.sem_alloc : memref<!tpu.dma_semaphore, #tpu.memory_space<semaphore_mem>>
      tpu.enqueue_dma source(%arg4 : memref<64x64xf32, #tpu.memory_space<hbm>>) target(%arg9 : memref<64x64xf32, #tpu.memory_space<vmem>>) target_semaphore(%run_scoped3A_112 : memref<!tpu.dma_semaphore, #tpu.memory_space<semaphore_mem>>)
      tpu.wait_dma2 semaphore(%run_scoped3A_112 : memref<!tpu.dma_semaphore, #tpu.memory_space<semaphore_mem>>) src(%arg4 : memref<64x64xf32, #tpu.memory_space<hbm>>) dst(%arg9 : memref<64x64xf32, #tpu.memory_space<vmem>>)
      tpu.yield
    }) : () -> ()
    %scan3A = arith.constant 0 : i32
    %scan3A_2 = arith.constant 10 : i32
    %scan3A_3 = arith.addi %scan3A, %scan3A_2 : i32
    %scan3A_4 = arith.constant 1 : i32
    scf.for %scan3A_112 = %scan3A to %scan3A_3 step %scan3A_4  : i32 {
      %mul3A_113 = arith.constant 1 : i32
      %mul3A_114 = arith.muli %scan3A_112, %mul3A_113 : i32
      %add3A_115 = arith.constant 0 : i32
      %add3A_116 = arith.addi %add3A_115, %mul3A_114 : i32
      %mul3A_117 = arith.constant 640 : i32
      %mul3A_118 = arith.muli %arg1, %mul3A_117 : i32
      %mul3A_119 = arith.constant 64 : i32
      %mul3A_120 = arith.muli %add3A_116, %mul3A_119 : i32
      %add3A_121 = arith.addi %mul3A_118, %mul3A_120 : i32
      "tpu.region"() ({
        %run_scoped3A_122 = tpu.sem_alloc : memref<!tpu.dma_semaphore, #tpu.memory_space<semaphore_mem>>
        %dma_start3A_123 = arith.constant 0 : i32
        %dma_start3A_124 = tpu.memref_slice %arg10[%add3A_121, %dma_start3A_123] : memref<10240x64xf32, #tpu.memory_space<vmem_shared>> -> memref<64x64xf32, #tpu.memory_space<vmem_shared>>
        %dma_start3A_125 = arith.constant 0 : i32
        %dma_start3A_126 = tpu.memref_slice %arg10[%add3A_121, %dma_start3A_125] : memref<10240x64xf32, #tpu.memory_space<vmem_shared>> -> memref<64x64xf32, #tpu.memory_space<vmem_shared>>
        tpu.enqueue_dma source(%arg9 : memref<64x64xf32, #tpu.memory_space<vmem>>) target(%dma_start3A_126 : memref<64x64xf32, #tpu.memory_space<vmem_shared>>) target_semaphore(%run_scoped3A_122 : memref<!tpu.dma_semaphore, #tpu.memory_space<semaphore_mem>>)
        %dma_wait3A = arith.constant 0 : i32
        %dma_wait3A_127 = tpu.memref_slice %arg10[%add3A_121, %dma_wait3A] : memref<10240x64xf32, #tpu.memory_space<vmem_shared>> -> memref<64x64xf32, #tpu.memory_space<vmem_shared>>
        %dma_wait3A_128 = arith.constant 0 : i32
        %dma_wait3A_129 = tpu.memref_slice %arg10[%add3A_121, %dma_wait3A_128] : memref<10240x64xf32, #tpu.memory_space<vmem_shared>> -> memref<64x64xf32, #tpu.memory_space<vmem_shared>>
        tpu.wait_dma2 semaphore(%run_scoped3A_122 : memref<!tpu.dma_semaphore, #tpu.memory_space<semaphore_mem>>) src(%arg9 : memref<64x64xf32, #tpu.memory_space<vmem>>) dst(%dma_wait3A_129 : memref<64x64xf32, #tpu.memory_space<vmem_shared>>)
        tpu.yield
      }) : () -> ()
    }
    %scan3A_5 = arith.constant 10 : i32
    %barrier3A = arith.constant 0 : index
    tpu.barrier barrier_id(%barrier3A)
    %dma_start3A = arith.constant 0 : i32
    %dma_start3A_6 = arith.constant 0 : i32
    %dma_start3A_7 = arith.constant 0 : i32
    %dma_start3A_8 = arith.constant 0 : i32
    %dma_start3A_9 = tpu.memref_slice %arg8[%dma_start3A_6, %dma_start3A_7, %dma_start3A_8] : memref<8x125x64xf32, #tpu.memory_space<vmem>> -> memref<1x125x64xf32, #tpu.memory_space<vmem>>
    %dma_start3A_10 = tpu.memref_squeeze %dma_start3A_9 : memref<1x125x64xf32, #tpu.memory_space<vmem>> -> memref<125x64xf32, #tpu.memory_space<vmem>>
    %dma_start3A_11 = arith.constant 0 : i32
    %dma_start3A_12 = tpu.memref_slice %arg6[%dma_start3A, %dma_start3A_11] : memref<80x125xi32, #tpu.memory_space<vmem>> -> memref<1x125xi32, #tpu.memory_space<vmem>>
    %dma_start3A_13 = tpu.memref_squeeze %dma_start3A_12 : memref<1x125xi32, #tpu.memory_space<vmem>> -> memref<125xi32, #tpu.memory_space<vmem>>
    %dma_start3A_14 = arith.constant 0 : i32
    %dma_start3A_15 = arith.constant 0 : i32
    %dma_start3A_16 = tpu.memref_slice %arg2[%dma_start3A_14, %dma_start3A_15] : memref<10000x64xf32, #tpu.memory_space<hbm>> -> memref<10000x64xf32, #tpu.memory_space<hbm>>
    tpu.enqueue_indirect_dma source(%dma_start3A_16 : memref<10000x64xf32, #tpu.memory_space<hbm>>) target(%dma_start3A_10 : memref<125x64xf32, #tpu.memory_space<vmem>>) offsets(%dma_start3A_13 : memref<125xi32, #tpu.memory_space<vmem>>) semaphore(%arg11 : memref<!tpu.dma_semaphore, #tpu.memory_space<semaphore_mem>>)
    %dma_start3A_17 = arith.constant 1 : i32
    %dma_start3A_18 = arith.constant 1 : i32
    %dma_start3A_19 = arith.constant 0 : i32
    %dma_start3A_20 = arith.constant 0 : i32
    %dma_start3A_21 = tpu.memref_slice %arg8[%dma_start3A_18, %dma_start3A_19, %dma_start3A_20] : memref<8x125x64xf32, #tpu.memory_space<vmem>> -> memref<1x125x64xf32, #tpu.memory_space<vmem>>
    %dma_start3A_22 = tpu.memref_squeeze %dma_start3A_21 : memref<1x125x64xf32, #tpu.memory_space<vmem>> -> memref<125x64xf32, #tpu.memory_space<vmem>>
    %dma_start3A_23 = arith.constant 0 : i32
    %dma_start3A_24 = tpu.memref_slice %arg6[%dma_start3A_17, %dma_start3A_23] : memref<80x125xi32, #tpu.memory_space<vmem>> -> memref<1x125xi32, #tpu.memory_space<vmem>>
    %dma_start3A_25 = tpu.memref_squeeze %dma_start3A_24 : memref<1x125xi32, #tpu.memory_space<vmem>> -> memref<125xi32, #tpu.memory_space<vmem>>
    %dma_start3A_26 = arith.constant 0 : i32
    %dma_start3A_27 = arith.constant 0 : i32
    %dma_start3A_28 = tpu.memref_slice %arg2[%dma_start3A_26, %dma_start3A_27] : memref<10000x64xf32, #tpu.memory_space<hbm>> -> memref<10000x64xf32, #tpu.memory_space<hbm>>
    tpu.enqueue_indirect_dma source(%dma_start3A_28 : memref<10000x64xf32, #tpu.memory_space<hbm>>) target(%dma_start3A_22 : memref<125x64xf32, #tpu.memory_space<vmem>>) offsets(%dma_start3A_25 : memref<125xi32, #tpu.memory_space<vmem>>) semaphore(%arg12 : memref<!tpu.dma_semaphore, #tpu.memory_space<semaphore_mem>>)
    %dma_start3A_29 = arith.constant 2 : i32
    %dma_start3A_30 = arith.constant 2 : i32
    %dma_start3A_31 = arith.constant 0 : i32
    %dma_start3A_32 = arith.constant 0 : i32
    %dma_start3A_33 = tpu.memref_slice %arg8[%dma_start3A_30, %dma_start3A_31, %dma_start3A_32] : memref<8x125x64xf32, #tpu.memory_space<vmem>> -> memref<1x125x64xf32, #tpu.memory_space<vmem>>
    %dma_start3A_34 = tpu.memref_squeeze %dma_start3A_33 : memref<1x125x64xf32, #tpu.memory_space<vmem>> -> memref<125x64xf32, #tpu.memory_space<vmem>>
    %dma_start3A_35 = arith.constant 0 : i32
    %dma_start3A_36 = tpu.memref_slice %arg6[%dma_start3A_29, %dma_start3A_35] : memref<80x125xi32, #tpu.memory_space<vmem>> -> memref<1x125xi32, #tpu.memory_space<vmem>>
    %dma_start3A_37 = tpu.memref_squeeze %dma_start3A_36 : memref<1x125xi32, #tpu.memory_space<vmem>> -> memref<125xi32, #tpu.memory_space<vmem>>
    %dma_start3A_38 = arith.constant 0 : i32
    %dma_start3A_39 = arith.constant 0 : i32
    %dma_start3A_40 = tpu.memref_slice %arg2[%dma_start3A_38, %dma_start3A_39] : memref<10000x64xf32, #tpu.memory_space<hbm>> -> memref<10000x64xf32, #tpu.memory_space<hbm>>
    tpu.enqueue_indirect_dma source(%dma_start3A_40 : memref<10000x64xf32, #tpu.memory_space<hbm>>) target(%dma_start3A_34 : memref<125x64xf32, #tpu.memory_space<vmem>>) offsets(%dma_start3A_37 : memref<125xi32, #tpu.memory_space<vmem>>) semaphore(%arg13 : memref<!tpu.dma_semaphore, #tpu.memory_space<semaphore_mem>>)
    %dma_start3A_41 = arith.constant 3 : i32
    %dma_start3A_42 = arith.constant 3 : i32
    %dma_start3A_43 = arith.constant 0 : i32
    %dma_start3A_44 = arith.constant 0 : i32
    %dma_start3A_45 = tpu.memref_slice %arg8[%dma_start3A_42, %dma_start3A_43, %dma_start3A_44] : memref<8x125x64xf32, #tpu.memory_space<vmem>> -> memref<1x125x64xf32, #tpu.memory_space<vmem>>
    %dma_start3A_46 = tpu.memref_squeeze %dma_start3A_45 : memref<1x125x64xf32, #tpu.memory_space<vmem>> -> memref<125x64xf32, #tpu.memory_space<vmem>>
    %dma_start3A_47 = arith.constant 0 : i32
    %dma_start3A_48 = tpu.memref_slice %arg6[%dma_start3A_41, %dma_start3A_47] : memref<80x125xi32, #tpu.memory_space<vmem>> -> memref<1x125xi32, #tpu.memory_space<vmem>>
    %dma_start3A_49 = tpu.memref_squeeze %dma_start3A_48 : memref<1x125xi32, #tpu.memory_space<vmem>> -> memref<125xi32, #tpu.memory_space<vmem>>
    %dma_start3A_50 = arith.constant 0 : i32
    %dma_start3A_51 = arith.constant 0 : i32
    %dma_start3A_52 = tpu.memref_slice %arg2[%dma_start3A_50, %dma_start3A_51] : memref<10000x64xf32, #tpu.memory_space<hbm>> -> memref<10000x64xf32, #tpu.memory_space<hbm>>
    tpu.enqueue_indirect_dma source(%dma_start3A_52 : memref<10000x64xf32, #tpu.memory_space<hbm>>) target(%dma_start3A_46 : memref<125x64xf32, #tpu.memory_space<vmem>>) offsets(%dma_start3A_49 : memref<125xi32, #tpu.memory_space<vmem>>) semaphore(%arg14 : memref<!tpu.dma_semaphore, #tpu.memory_space<semaphore_mem>>)
    %dma_start3A_53 = arith.constant 4 : i32
    %dma_start3A_54 = arith.constant 4 : i32
    %dma_start3A_55 = arith.constant 0 : i32
    %dma_start3A_56 = arith.constant 0 : i32
    %dma_start3A_57 = tpu.memref_slice %arg8[%dma_start3A_54, %dma_start3A_55, %dma_start3A_56] : memref<8x125x64xf32, #tpu.memory_space<vmem>> -> memref<1x125x64xf32, #tpu.memory_space<vmem>>
    %dma_start3A_58 = tpu.memref_squeeze %dma_start3A_57 : memref<1x125x64xf32, #tpu.memory_space<vmem>> -> memref<125x64xf32, #tpu.memory_space<vmem>>
    %dma_start3A_59 = arith.constant 0 : i32
    %dma_start3A_60 = tpu.memref_slice %arg6[%dma_start3A_53, %dma_start3A_59] : memref<80x125xi32, #tpu.memory_space<vmem>> -> memref<1x125xi32, #tpu.memory_space<vmem>>
    %dma_start3A_61 = tpu.memref_squeeze %dma_start3A_60 : memref<1x125xi32, #tpu.memory_space<vmem>> -> memref<125xi32, #tpu.memory_space<vmem>>
    %dma_start3A_62 = arith.constant 0 : i32
    %dma_start3A_63 = arith.constant 0 : i32
    %dma_start3A_64 = tpu.memref_slice %arg2[%dma_start3A_62, %dma_start3A_63] : memref<10000x64xf32, #tpu.memory_space<hbm>> -> memref<10000x64xf32, #tpu.memory_space<hbm>>
    tpu.enqueue_indirect_dma source(%dma_start3A_64 : memref<10000x64xf32, #tpu.memory_space<hbm>>) target(%dma_start3A_58 : memref<125x64xf32, #tpu.memory_space<vmem>>) offsets(%dma_start3A_61 : memref<125xi32, #tpu.memory_space<vmem>>) semaphore(%arg15 : memref<!tpu.dma_semaphore, #tpu.memory_space<semaphore_mem>>)
    %dma_start3A_65 = arith.constant 5 : i32
    %dma_start3A_66 = arith.constant 5 : i32
    %dma_start3A_67 = arith.constant 0 : i32
    %dma_start3A_68 = arith.constant 0 : i32
    %dma_start3A_69 = tpu.memref_slice %arg8[%dma_start3A_66, %dma_start3A_67, %dma_start3A_68] : memref<8x125x64xf32, #tpu.memory_space<vmem>> -> memref<1x125x64xf32, #tpu.memory_space<vmem>>
    %dma_start3A_70 = tpu.memref_squeeze %dma_start3A_69 : memref<1x125x64xf32, #tpu.memory_space<vmem>> -> memref<125x64xf32, #tpu.memory_space<vmem>>
    %dma_start3A_71 = arith.constant 0 : i32
    %dma_start3A_72 = tpu.memref_slice %arg6[%dma_start3A_65, %dma_start3A_71] : memref<80x125xi32, #tpu.memory_space<vmem>> -> memref<1x125xi32, #tpu.memory_space<vmem>>
    %dma_start3A_73 = tpu.memref_squeeze %dma_start3A_72 : memref<1x125xi32, #tpu.memory_space<vmem>> -> memref<125xi32, #tpu.memory_space<vmem>>
    %dma_start3A_74 = arith.constant 0 : i32
    %dma_start3A_75 = arith.constant 0 : i32
    %dma_start3A_76 = tpu.memref_slice %arg2[%dma_start3A_74, %dma_start3A_75] : memref<10000x64xf32, #tpu.memory_space<hbm>> -> memref<10000x64xf32, #tpu.memory_space<hbm>>
    tpu.enqueue_indirect_dma source(%dma_start3A_76 : memref<10000x64xf32, #tpu.memory_space<hbm>>) target(%dma_start3A_70 : memref<125x64xf32, #tpu.memory_space<vmem>>) offsets(%dma_start3A_73 : memref<125xi32, #tpu.memory_space<vmem>>) semaphore(%arg16 : memref<!tpu.dma_semaphore, #tpu.memory_space<semaphore_mem>>)
    %dma_start3A_77 = arith.constant 6 : i32
    %dma_start3A_78 = arith.constant 6 : i32
    %dma_start3A_79 = arith.constant 0 : i32
    %dma_start3A_80 = arith.constant 0 : i32
    %dma_start3A_81 = tpu.memref_slice %arg8[%dma_start3A_78, %dma_start3A_79, %dma_start3A_80] : memref<8x125x64xf32, #tpu.memory_space<vmem>> -> memref<1x125x64xf32, #tpu.memory_space<vmem>>
    %dma_start3A_82 = tpu.memref_squeeze %dma_start3A_81 : memref<1x125x64xf32, #tpu.memory_space<vmem>> -> memref<125x64xf32, #tpu.memory_space<vmem>>
    %dma_start3A_83 = arith.constant 0 : i32
    %dma_start3A_84 = tpu.memref_slice %arg6[%dma_start3A_77, %dma_start3A_83] : memref<80x125xi32, #tpu.memory_space<vmem>> -> memref<1x125xi32, #tpu.memory_space<vmem>>
    %dma_start3A_85 = tpu.memref_squeeze %dma_start3A_84 : memref<1x125xi32, #tpu.memory_space<vmem>> -> memref<125xi32, #tpu.memory_space<vmem>>
    %dma_start3A_86 = arith.constant 0 : i32
    %dma_start3A_87 = arith.constant 0 : i32
    %dma_start3A_88 = tpu.memref_slice %arg2[%dma_start3A_86, %dma_start3A_87] : memref<10000x64xf32, #tpu.memory_space<hbm>> -> memref<10000x64xf32, #tpu.memory_space<hbm>>
    tpu.enqueue_indirect_dma source(%dma_start3A_88 : memref<10000x64xf32, #tpu.memory_space<hbm>>) target(%dma_start3A_82 : memref<125x64xf32, #tpu.memory_space<vmem>>) offsets(%dma_start3A_85 : memref<125xi32, #tpu.memory_space<vmem>>) semaphore(%arg17 : memref<!tpu.dma_semaphore, #tpu.memory_space<semaphore_mem>>)
    %dma_start3A_89 = arith.constant 7 : i32
    %dma_start3A_90 = arith.constant 7 : i32
    %dma_start3A_91 = arith.constant 0 : i32
    %dma_start3A_92 = arith.constant 0 : i32
    %dma_start3A_93 = tpu.memref_slice %arg8[%dma_start3A_90, %dma_start3A_91, %dma_start3A_92] : memref<8x125x64xf32, #tpu.memory_space<vmem>> -> memref<1x125x64xf32, #tpu.memory_space<vmem>>
    %dma_start3A_94 = tpu.memref_squeeze %dma_start3A_93 : memref<1x125x64xf32, #tpu.memory_space<vmem>> -> memref<125x64xf32, #tpu.memory_space<vmem>>
    %dma_start3A_95 = arith.constant 0 : i32
    %dma_start3A_96 = tpu.memref_slice %arg6[%dma_start3A_89, %dma_start3A_95] : memref<80x125xi32, #tpu.memory_space<vmem>> -> memref<1x125xi32, #tpu.memory_space<vmem>>
    %dma_start3A_97 = tpu.memref_squeeze %dma_start3A_96 : memref<1x125xi32, #tpu.memory_space<vmem>> -> memref<125xi32, #tpu.memory_space<vmem>>
    %dma_start3A_98 = arith.constant 0 : i32
    %dma_start3A_99 = arith.constant 0 : i32
    %dma_start3A_100 = tpu.memref_slice %arg2[%dma_start3A_98, %dma_start3A_99] : memref<10000x64xf32, #tpu.memory_space<hbm>> -> memref<10000x64xf32, #tpu.memory_space<hbm>>
    tpu.enqueue_indirect_dma source(%dma_start3A_100 : memref<10000x64xf32, #tpu.memory_space<hbm>>) target(%dma_start3A_94 : memref<125x64xf32, #tpu.memory_space<vmem>>) offsets(%dma_start3A_97 : memref<125xi32, #tpu.memory_space<vmem>>) semaphore(%arg18 : memref<!tpu.dma_semaphore, #tpu.memory_space<semaphore_mem>>)
    %scan3A_101 = arith.constant 0 : i32
    %scan3A_102 = arith.constant 10 : i32
    %scan3A_103 = arith.addi %scan3A_101, %scan3A_102 : i32
    %scan3A_104 = arith.constant 1 : i32
    scf.for %scan3A_112 = %scan3A_101 to %scan3A_103 step %scan3A_104  : i32 {
      %mul3A_113 = arith.constant 8 : i32
      %mul3A_114 = arith.muli %scan3A_112, %mul3A_113 : i32
      %add3A_115 = arith.constant 0 : i32
      %add3A_116 = arith.addi %add3A_115, %mul3A_114 : i32
      %dma_wait3A = arith.constant 0 : i32
      %dma_wait3A_117 = arith.constant 0 : i32
      %dma_wait3A_118 = arith.constant 0 : i32
      %dma_wait3A_119 = arith.constant 0 : i32
      %dma_wait3A_120 = tpu.memref_slice %arg8[%dma_wait3A_117, %dma_wait3A_118, %dma_wait3A_119] : memref<8x125x64xf32, #tpu.memory_space<vmem>> -> memref<1x125x64xf32, #tpu.memory_space<vmem>>
      %dma_wait3A_121 = tpu.memref_squeeze %dma_wait3A_120 : memref<1x125x64xf32, #tpu.memory_space<vmem>> -> memref<125x64xf32, #tpu.memory_space<vmem>>
      %dma_wait3A_122 = arith.constant 0 : i32
      %dma_wait3A_123 = tpu.memref_slice %arg6[%dma_wait3A, %dma_wait3A_122] : memref<80x125xi32, #tpu.memory_space<vmem>> -> memref<1x125xi32, #tpu.memory_space<vmem>>
      %dma_wait3A_124 = tpu.memref_squeeze %dma_wait3A_123 : memref<1x125xi32, #tpu.memory_space<vmem>> -> memref<125xi32, #tpu.memory_space<vmem>>
      %dma_wait3A_125 = arith.constant 0 : i32
      %dma_wait3A_126 = arith.constant 0 : i32
      %dma_wait3A_127 = tpu.memref_slice %arg2[%dma_wait3A_125, %dma_wait3A_126] : memref<10000x64xf32, #tpu.memory_space<hbm>> -> memref<10000x64xf32, #tpu.memory_space<hbm>>
      tpu.wait_indirect_dma semaphore(%arg11 : memref<!tpu.dma_semaphore, #tpu.memory_space<semaphore_mem>>) src(%dma_wait3A_127 : memref<10000x64xf32, #tpu.memory_space<hbm>>) dst(%dma_wait3A_121 : memref<125x64xf32, #tpu.memory_space<vmem>>)
      %add3A_128 = arith.constant 0 : i32
      %add3A_129 = arith.addi %add3A_116, %add3A_128 : i32
      %run_scoped3A_130 = arith.constant 0 : i32
      "tpu.region"() ({
        %run_scoped3A_305 = tpu.sem_alloc : memref<!tpu.dma_semaphore, #tpu.memory_space<semaphore_mem>>
        %dma_start3A_306 = arith.constant 0 : i32
        %dma_start3A_307 = arith.constant 0 : i32
        %dma_start3A_308 = tpu.memref_slice %arg8[%run_scoped3A_130, %dma_start3A_306, %dma_start3A_307] : memref<8x125x64xf32, #tpu.memory_space<vmem>> -> memref<1x125x64xf32, #tpu.memory_space<vmem>>
        %dma_start3A_309 = tpu.memref_squeeze %dma_start3A_308 : memref<1x125x64xf32, #tpu.memory_space<vmem>> -> memref<125x64xf32, #tpu.memory_space<vmem>>
        %dma_start3A_310 = arith.constant 0 : i32
        %dma_start3A_311 = tpu.memref_slice %arg7[%add3A_129, %dma_start3A_310] : memref<80x125xi32, #tpu.memory_space<vmem>> -> memref<1x125xi32, #tpu.memory_space<vmem>>
        %dma_start3A_312 = tpu.memref_squeeze %dma_start3A_311 : memref<1x125xi32, #tpu.memory_space<vmem>> -> memref<125xi32, #tpu.memory_space<vmem>>
        %dma_start3A_313 = arith.constant 0 : i32
        %dma_start3A_314 = arith.constant 0 : i32
        %dma_start3A_315 = tpu.memref_slice %arg10[%dma_start3A_313, %dma_start3A_314] : memref<10240x64xf32, #tpu.memory_space<vmem_shared>> -> memref<10240x64xf32, #tpu.memory_space<vmem_shared>>
        tpu.enqueue_indirect_dma source(%dma_start3A_309 : memref<125x64xf32, #tpu.memory_space<vmem>>) target(%dma_start3A_315 : memref<10240x64xf32, #tpu.memory_space<vmem_shared>>) offsets(%dma_start3A_312 : memref<125xi32, #tpu.memory_space<vmem>>) semaphore(%run_scoped3A_305 : memref<!tpu.dma_semaphore, #tpu.memory_space<semaphore_mem>>) {add = true}
        %dma_wait3A_316 = arith.constant 0 : i32
        %dma_wait3A_317 = arith.constant 0 : i32
        %dma_wait3A_318 = tpu.memref_slice %arg8[%run_scoped3A_130, %dma_wait3A_316, %dma_wait3A_317] : memref<8x125x64xf32, #tpu.memory_space<vmem>> -> memref<1x125x64xf32, #tpu.memory_space<vmem>>
        %dma_wait3A_319 = tpu.memref_squeeze %dma_wait3A_318 : memref<1x125x64xf32, #tpu.memory_space<vmem>> -> memref<125x64xf32, #tpu.memory_space<vmem>>
        %dma_wait3A_320 = arith.constant 0 : i32
        %dma_wait3A_321 = tpu.memref_slice %arg7[%add3A_129, %dma_wait3A_320] : memref<80x125xi32, #tpu.memory_space<vmem>> -> memref<1x125xi32, #tpu.memory_space<vmem>>
        %dma_wait3A_322 = tpu.memref_squeeze %dma_wait3A_321 : memref<1x125xi32, #tpu.memory_space<vmem>> -> memref<125xi32, #tpu.memory_space<vmem>>
        %dma_wait3A_323 = arith.constant 0 : i32
        %dma_wait3A_324 = arith.constant 0 : i32
        %dma_wait3A_325 = tpu.memref_slice %arg10[%dma_wait3A_323, %dma_wait3A_324] : memref<10240x64xf32, #tpu.memory_space<vmem_shared>> -> memref<10240x64xf32, #tpu.memory_space<vmem_shared>>
        tpu.wait_indirect_dma semaphore(%run_scoped3A_305 : memref<!tpu.dma_semaphore, #tpu.memory_space<semaphore_mem>>) src(%dma_wait3A_319 : memref<125x64xf32, #tpu.memory_space<vmem>>) dst(%dma_wait3A_325 : memref<10240x64xf32, #tpu.memory_space<vmem_shared>>)
        tpu.yield
      }) : () -> ()
      %add3A_131 = arith.constant 0 : i32
      %add3A_132 = arith.addi %add3A_116, %add3A_131 : i32
      %add3A_133 = arith.constant 8 : i32
      %add3A_134 = arith.addi %add3A_132, %add3A_133 : i32
      %lt3A = arith.constant 80 : i32
      %lt3A_135 = arith.cmpi slt, %add3A_134, %lt3A : i32
      %convert_element_type3A = arith.extui %lt3A_135 : i1 to i32
      %cond3A = arith.constant 0 : i32
      %cond3A_136 = arith.cmpi ne, %convert_element_type3A, %cond3A : i32
      scf.if %cond3A_136 {
        %add3A_305 = arith.constant 0 : i32
        %add3A_306 = arith.addi %add3A_116, %add3A_305 : i32
        %add3A_307 = arith.constant 8 : i32
        %add3A_308 = arith.addi %add3A_306, %add3A_307 : i32
        %dma_start3A_309 = arith.constant 0 : i32
        %dma_start3A_310 = arith.constant 0 : i32
        %dma_start3A_311 = arith.constant 0 : i32
        %dma_start3A_312 = tpu.memref_slice %arg8[%dma_start3A_309, %dma_start3A_310, %dma_start3A_311] : memref<8x125x64xf32, #tpu.memory_space<vmem>> -> memref<1x125x64xf32, #tpu.memory_space<vmem>>
        %dma_start3A_313 = tpu.memref_squeeze %dma_start3A_312 : memref<1x125x64xf32, #tpu.memory_space<vmem>> -> memref<125x64xf32, #tpu.memory_space<vmem>>
        %dma_start3A_314 = arith.constant 0 : i32
        %dma_start3A_315 = tpu.memref_slice %arg6[%add3A_308, %dma_start3A_314] : memref<80x125xi32, #tpu.memory_space<vmem>> -> memref<1x125xi32, #tpu.memory_space<vmem>>
        %dma_start3A_316 = tpu.memref_squeeze %dma_start3A_315 : memref<1x125xi32, #tpu.memory_space<vmem>> -> memref<125xi32, #tpu.memory_space<vmem>>
        %dma_start3A_317 = arith.constant 0 : i32
        %dma_start3A_318 = arith.constant 0 : i32
        %dma_start3A_319 = tpu.memref_slice %arg2[%dma_start3A_317, %dma_start3A_318] : memref<10000x64xf32, #tpu.memory_space<hbm>> -> memref<10000x64xf32, #tpu.memory_space<hbm>>
        tpu.enqueue_indirect_dma source(%dma_start3A_319 : memref<10000x64xf32, #tpu.memory_space<hbm>>) target(%dma_start3A_313 : memref<125x64xf32, #tpu.memory_space<vmem>>) offsets(%dma_start3A_316 : memref<125xi32, #tpu.memory_space<vmem>>) semaphore(%arg11 : memref<!tpu.dma_semaphore, #tpu.memory_space<semaphore_mem>>)
      } else {
      }
      %dma_wait3A_137 = arith.constant 1 : i32
      %dma_wait3A_138 = arith.constant 1 : i32
      %dma_wait3A_139 = arith.constant 0 : i32
      %dma_wait3A_140 = arith.constant 0 : i32
      %dma_wait3A_141 = tpu.memref_slice %arg8[%dma_wait3A_138, %dma_wait3A_139, %dma_wait3A_140] : memref<8x125x64xf32, #tpu.memory_space<vmem>> -> memref<1x125x64xf32, #tpu.memory_space<vmem>>
      %dma_wait3A_142 = tpu.memref_squeeze %dma_wait3A_141 : memref<1x125x64xf32, #tpu.memory_space<vmem>> -> memref<125x64xf32, #tpu.memory_space<vmem>>
      %dma_wait3A_143 = arith.constant 0 : i32
      %dma_wait3A_144 = tpu.memref_slice %arg6[%dma_wait3A_137, %dma_wait3A_143] : memref<80x125xi32, #tpu.memory_space<vmem>> -> memref<1x125xi32, #tpu.memory_space<vmem>>
      %dma_wait3A_145 = tpu.memref_squeeze %dma_wait3A_144 : memref<1x125xi32, #tpu.memory_space<vmem>> -> memref<125xi32, #tpu.memory_space<vmem>>
      %dma_wait3A_146 = arith.constant 0 : i32
      %dma_wait3A_147 = arith.constant 0 : i32
      %dma_wait3A_148 = tpu.memref_slice %arg2[%dma_wait3A_146, %dma_wait3A_147] : memref<10000x64xf32, #tpu.memory_space<hbm>> -> memref<10000x64xf32, #tpu.memory_space<hbm>>
      tpu.wait_indirect_dma semaphore(%arg12 : memref<!tpu.dma_semaphore, #tpu.memory_space<semaphore_mem>>) src(%dma_wait3A_148 : memref<10000x64xf32, #tpu.memory_space<hbm>>) dst(%dma_wait3A_142 : memref<125x64xf32, #tpu.memory_space<vmem>>)
      %add3A_149 = arith.constant 1 : i32
      %add3A_150 = arith.addi %add3A_116, %add3A_149 : i32
      %run_scoped3A_151 = arith.constant 1 : i32
      "tpu.region"() ({
        %run_scoped3A_305 = tpu.sem_alloc : memref<!tpu.dma_semaphore, #tpu.memory_space<semaphore_mem>>
        %dma_start3A_306 = arith.constant 0 : i32
        %dma_start3A_307 = arith.constant 0 : i32
        %dma_start3A_308 = tpu.memref_slice %arg8[%run_scoped3A_151, %dma_start3A_306, %dma_start3A_307] : memref<8x125x64xf32, #tpu.memory_space<vmem>> -> memref<1x125x64xf32, #tpu.memory_space<vmem>>
        %dma_start3A_309 = tpu.memref_squeeze %dma_start3A_308 : memref<1x125x64xf32, #tpu.memory_space<vmem>> -> memref<125x64xf32, #tpu.memory_space<vmem>>
        %dma_start3A_310 = arith.constant 0 : i32
        %dma_start3A_311 = tpu.memref_slice %arg7[%add3A_150, %dma_start3A_310] : memref<80x125xi32, #tpu.memory_space<vmem>> -> memref<1x125xi32, #tpu.memory_space<vmem>>
        %dma_start3A_312 = tpu.memref_squeeze %dma_start3A_311 : memref<1x125xi32, #tpu.memory_space<vmem>> -> memref<125xi32, #tpu.memory_space<vmem>>
        %dma_start3A_313 = arith.constant 0 : i32
        %dma_start3A_314 = arith.constant 0 : i32
        %dma_start3A_315 = tpu.memref_slice %arg10[%dma_start3A_313, %dma_start3A_314] : memref<10240x64xf32, #tpu.memory_space<vmem_shared>> -> memref<10240x64xf32, #tpu.memory_space<vmem_shared>>
        tpu.enqueue_indirect_dma source(%dma_start3A_309 : memref<125x64xf32, #tpu.memory_space<vmem>>) target(%dma_start3A_315 : memref<10240x64xf32, #tpu.memory_space<vmem_shared>>) offsets(%dma_start3A_312 : memref<125xi32, #tpu.memory_space<vmem>>) semaphore(%run_scoped3A_305 : memref<!tpu.dma_semaphore, #tpu.memory_space<semaphore_mem>>) {add = true}
        %dma_wait3A_316 = arith.constant 0 : i32
        %dma_wait3A_317 = arith.constant 0 : i32
        %dma_wait3A_318 = tpu.memref_slice %arg8[%run_scoped3A_151, %dma_wait3A_316, %dma_wait3A_317] : memref<8x125x64xf32, #tpu.memory_space<vmem>> -> memref<1x125x64xf32, #tpu.memory_space<vmem>>
        %dma_wait3A_319 = tpu.memref_squeeze %dma_wait3A_318 : memref<1x125x64xf32, #tpu.memory_space<vmem>> -> memref<125x64xf32, #tpu.memory_space<vmem>>
        %dma_wait3A_320 = arith.constant 0 : i32
        %dma_wait3A_321 = tpu.memref_slice %arg7[%add3A_150, %dma_wait3A_320] : memref<80x125xi32, #tpu.memory_space<vmem>> -> memref<1x125xi32, #tpu.memory_space<vmem>>
        %dma_wait3A_322 = tpu.memref_squeeze %dma_wait3A_321 : memref<1x125xi32, #tpu.memory_space<vmem>> -> memref<125xi32, #tpu.memory_space<vmem>>
        %dma_wait3A_323 = arith.constant 0 : i32
        %dma_wait3A_324 = arith.constant 0 : i32
        %dma_wait3A_325 = tpu.memref_slice %arg10[%dma_wait3A_323, %dma_wait3A_324] : memref<10240x64xf32, #tpu.memory_space<vmem_shared>> -> memref<10240x64xf32, #tpu.memory_space<vmem_shared>>
        tpu.wait_indirect_dma semaphore(%run_scoped3A_305 : memref<!tpu.dma_semaphore, #tpu.memory_space<semaphore_mem>>) src(%dma_wait3A_319 : memref<125x64xf32, #tpu.memory_space<vmem>>) dst(%dma_wait3A_325 : memref<10240x64xf32, #tpu.memory_space<vmem_shared>>)
        tpu.yield
      }) : () -> ()
      %add3A_152 = arith.constant 1 : i32
      %add3A_153 = arith.addi %add3A_116, %add3A_152 : i32
      %add3A_154 = arith.constant 8 : i32
      %add3A_155 = arith.addi %add3A_153, %add3A_154 : i32
      %lt3A_156 = arith.constant 80 : i32
      %lt3A_157 = arith.cmpi slt, %add3A_155, %lt3A_156 : i32
      %convert_element_type3A_158 = arith.extui %lt3A_157 : i1 to i32
      %cond3A_159 = arith.constant 0 : i32
      %cond3A_160 = arith.cmpi ne, %convert_element_type3A_158, %cond3A_159 : i32
      scf.if %cond3A_160 {
        %add3A_305 = arith.constant 1 : i32
        %add3A_306 = arith.addi %add3A_116, %add3A_305 : i32
        %add3A_307 = arith.constant 8 : i32
        %add3A_308 = arith.addi %add3A_306, %add3A_307 : i32
        %dma_start3A_309 = arith.constant 1 : i32
        %dma_start3A_310 = arith.constant 0 : i32
        %dma_start3A_311 = arith.constant 0 : i32
        %dma_start3A_312 = tpu.memref_slice %arg8[%dma_start3A_309, %dma_start3A_310, %dma_start3A_311] : memref<8x125x64xf32, #tpu.memory_space<vmem>> -> memref<1x125x64xf32, #tpu.memory_space<vmem>>
        %dma_start3A_313 = tpu.memref_squeeze %dma_start3A_312 : memref<1x125x64xf32, #tpu.memory_space<vmem>> -> memref<125x64xf32, #tpu.memory_space<vmem>>
        %dma_start3A_314 = arith.constant 0 : i32
        %dma_start3A_315 = tpu.memref_slice %arg6[%add3A_308, %dma_start3A_314] : memref<80x125xi32, #tpu.memory_space<vmem>> -> memref<1x125xi32, #tpu.memory_space<vmem>>
        %dma_start3A_316 = tpu.memref_squeeze %dma_start3A_315 : memref<1x125xi32, #tpu.memory_space<vmem>> -> memref<125xi32, #tpu.memory_space<vmem>>
        %dma_start3A_317 = arith.constant 0 : i32
        %dma_start3A_318 = arith.constant 0 : i32
        %dma_start3A_319 = tpu.memref_slice %arg2[%dma_start3A_317, %dma_start3A_318] : memref<10000x64xf32, #tpu.memory_space<hbm>> -> memref<10000x64xf32, #tpu.memory_space<hbm>>
        tpu.enqueue_indirect_dma source(%dma_start3A_319 : memref<10000x64xf32, #tpu.memory_space<hbm>>) target(%dma_start3A_313 : memref<125x64xf32, #tpu.memory_space<vmem>>) offsets(%dma_start3A_316 : memref<125xi32, #tpu.memory_space<vmem>>) semaphore(%arg12 : memref<!tpu.dma_semaphore, #tpu.memory_space<semaphore_mem>>)
      } else {
      }
      %dma_wait3A_161 = arith.constant 2 : i32
      %dma_wait3A_162 = arith.constant 2 : i32
      %dma_wait3A_163 = arith.constant 0 : i32
      %dma_wait3A_164 = arith.constant 0 : i32
      %dma_wait3A_165 = tpu.memref_slice %arg8[%dma_wait3A_162, %dma_wait3A_163, %dma_wait3A_164] : memref<8x125x64xf32, #tpu.memory_space<vmem>> -> memref<1x125x64xf32, #tpu.memory_space<vmem>>
      %dma_wait3A_166 = tpu.memref_squeeze %dma_wait3A_165 : memref<1x125x64xf32, #tpu.memory_space<vmem>> -> memref<125x64xf32, #tpu.memory_space<vmem>>
      %dma_wait3A_167 = arith.constant 0 : i32
      %dma_wait3A_168 = tpu.memref_slice %arg6[%dma_wait3A_161, %dma_wait3A_167] : memref<80x125xi32, #tpu.memory_space<vmem>> -> memref<1x125xi32, #tpu.memory_space<vmem>>
      %dma_wait3A_169 = tpu.memref_squeeze %dma_wait3A_168 : memref<1x125xi32, #tpu.memory_space<vmem>> -> memref<125xi32, #tpu.memory_space<vmem>>
      %dma_wait3A_170 = arith.constant 0 : i32
      %dma_wait3A_171 = arith.constant 0 : i32
      %dma_wait3A_172 = tpu.memref_slice %arg2[%dma_wait3A_170, %dma_wait3A_171] : memref<10000x64xf32, #tpu.memory_space<hbm>> -> memref<10000x64xf32, #tpu.memory_space<hbm>>
      tpu.wait_indirect_dma semaphore(%arg13 : memref<!tpu.dma_semaphore, #tpu.memory_space<semaphore_mem>>) src(%dma_wait3A_172 : memref<10000x64xf32, #tpu.memory_space<hbm>>) dst(%dma_wait3A_166 : memref<125x64xf32, #tpu.memory_space<vmem>>)
      %add3A_173 = arith.constant 2 : i32
      %add3A_174 = arith.addi %add3A_116, %add3A_173 : i32
      %run_scoped3A_175 = arith.constant 2 : i32
      "tpu.region"() ({
        %run_scoped3A_305 = tpu.sem_alloc : memref<!tpu.dma_semaphore, #tpu.memory_space<semaphore_mem>>
        %dma_start3A_306 = arith.constant 0 : i32
        %dma_start3A_307 = arith.constant 0 : i32
        %dma_start3A_308 = tpu.memref_slice %arg8[%run_scoped3A_175, %dma_start3A_306, %dma_start3A_307] : memref<8x125x64xf32, #tpu.memory_space<vmem>> -> memref<1x125x64xf32, #tpu.memory_space<vmem>>
        %dma_start3A_309 = tpu.memref_squeeze %dma_start3A_308 : memref<1x125x64xf32, #tpu.memory_space<vmem>> -> memref<125x64xf32, #tpu.memory_space<vmem>>
        %dma_start3A_310 = arith.constant 0 : i32
        %dma_start3A_311 = tpu.memref_slice %arg7[%add3A_174, %dma_start3A_310] : memref<80x125xi32, #tpu.memory_space<vmem>> -> memref<1x125xi32, #tpu.memory_space<vmem>>
        %dma_start3A_312 = tpu.memref_squeeze %dma_start3A_311 : memref<1x125xi32, #tpu.memory_space<vmem>> -> memref<125xi32, #tpu.memory_space<vmem>>
        %dma_start3A_313 = arith.constant 0 : i32
        %dma_start3A_314 = arith.constant 0 : i32
        %dma_start3A_315 = tpu.memref_slice %arg10[%dma_start3A_313, %dma_start3A_314] : memref<10240x64xf32, #tpu.memory_space<vmem_shared>> -> memref<10240x64xf32, #tpu.memory_space<vmem_shared>>
        tpu.enqueue_indirect_dma source(%dma_start3A_309 : memref<125x64xf32, #tpu.memory_space<vmem>>) target(%dma_start3A_315 : memref<10240x64xf32, #tpu.memory_space<vmem_shared>>) offsets(%dma_start3A_312 : memref<125xi32, #tpu.memory_space<vmem>>) semaphore(%run_scoped3A_305 : memref<!tpu.dma_semaphore, #tpu.memory_space<semaphore_mem>>) {add = true}
        %dma_wait3A_316 = arith.constant 0 : i32
        %dma_wait3A_317 = arith.constant 0 : i32
        %dma_wait3A_318 = tpu.memref_slice %arg8[%run_scoped3A_175, %dma_wait3A_316, %dma_wait3A_317] : memref<8x125x64xf32, #tpu.memory_space<vmem>> -> memref<1x125x64xf32, #tpu.memory_space<vmem>>
        %dma_wait3A_319 = tpu.memref_squeeze %dma_wait3A_318 : memref<1x125x64xf32, #tpu.memory_space<vmem>> -> memref<125x64xf32, #tpu.memory_space<vmem>>
        %dma_wait3A_320 = arith.constant 0 : i32
        %dma_wait3A_321 = tpu.memref_slice %arg7[%add3A_174, %dma_wait3A_320] : memref<80x125xi32, #tpu.memory_space<vmem>> -> memref<1x125xi32, #tpu.memory_space<vmem>>
        %dma_wait3A_322 = tpu.memref_squeeze %dma_wait3A_321 : memref<1x125xi32, #tpu.memory_space<vmem>> -> memref<125xi32, #tpu.memory_space<vmem>>
        %dma_wait3A_323 = arith.constant 0 : i32
        %dma_wait3A_324 = arith.constant 0 : i32
        %dma_wait3A_325 = tpu.memref_slice %arg10[%dma_wait3A_323, %dma_wait3A_324] : memref<10240x64xf32, #tpu.memory_space<vmem_shared>> -> memref<10240x64xf32, #tpu.memory_space<vmem_shared>>
        tpu.wait_indirect_dma semaphore(%run_scoped3A_305 : memref<!tpu.dma_semaphore, #tpu.memory_space<semaphore_mem>>) src(%dma_wait3A_319 : memref<125x64xf32, #tpu.memory_space<vmem>>) dst(%dma_wait3A_325 : memref<10240x64xf32, #tpu.memory_space<vmem_shared>>)
        tpu.yield
      }) : () -> ()
      %add3A_176 = arith.constant 2 : i32
      %add3A_177 = arith.addi %add3A_116, %add3A_176 : i32
      %add3A_178 = arith.constant 8 : i32
      %add3A_179 = arith.addi %add3A_177, %add3A_178 : i32
      %lt3A_180 = arith.constant 80 : i32
      %lt3A_181 = arith.cmpi slt, %add3A_179, %lt3A_180 : i32
      %convert_element_type3A_182 = arith.extui %lt3A_181 : i1 to i32
      %cond3A_183 = arith.constant 0 : i32
      %cond3A_184 = arith.cmpi ne, %convert_element_type3A_182, %cond3A_183 : i32
      scf.if %cond3A_184 {
        %add3A_305 = arith.constant 2 : i32
        %add3A_306 = arith.addi %add3A_116, %add3A_305 : i32
        %add3A_307 = arith.constant 8 : i32
        %add3A_308 = arith.addi %add3A_306, %add3A_307 : i32
        %dma_start3A_309 = arith.constant 2 : i32
        %dma_start3A_310 = arith.constant 0 : i32
        %dma_start3A_311 = arith.constant 0 : i32
        %dma_start3A_312 = tpu.memref_slice %arg8[%dma_start3A_309, %dma_start3A_310, %dma_start3A_311] : memref<8x125x64xf32, #tpu.memory_space<vmem>> -> memref<1x125x64xf32, #tpu.memory_space<vmem>>
        %dma_start3A_313 = tpu.memref_squeeze %dma_start3A_312 : memref<1x125x64xf32, #tpu.memory_space<vmem>> -> memref<125x64xf32, #tpu.memory_space<vmem>>
        %dma_start3A_314 = arith.constant 0 : i32
        %dma_start3A_315 = tpu.memref_slice %arg6[%add3A_308, %dma_start3A_314] : memref<80x125xi32, #tpu.memory_space<vmem>> -> memref<1x125xi32, #tpu.memory_space<vmem>>
        %dma_start3A_316 = tpu.memref_squeeze %dma_start3A_315 : memref<1x125xi32, #tpu.memory_space<vmem>> -> memref<125xi32, #tpu.memory_space<vmem>>
        %dma_start3A_317 = arith.constant 0 : i32
        %dma_start3A_318 = arith.constant 0 : i32
        %dma_start3A_319 = tpu.memref_slice %arg2[%dma_start3A_317, %dma_start3A_318] : memref<10000x64xf32, #tpu.memory_space<hbm>> -> memref<10000x64xf32, #tpu.memory_space<hbm>>
        tpu.enqueue_indirect_dma source(%dma_start3A_319 : memref<10000x64xf32, #tpu.memory_space<hbm>>) target(%dma_start3A_313 : memref<125x64xf32, #tpu.memory_space<vmem>>) offsets(%dma_start3A_316 : memref<125xi32, #tpu.memory_space<vmem>>) semaphore(%arg13 : memref<!tpu.dma_semaphore, #tpu.memory_space<semaphore_mem>>)
      } else {
      }
      %dma_wait3A_185 = arith.constant 3 : i32
      %dma_wait3A_186 = arith.constant 3 : i32
      %dma_wait3A_187 = arith.constant 0 : i32
      %dma_wait3A_188 = arith.constant 0 : i32
      %dma_wait3A_189 = tpu.memref_slice %arg8[%dma_wait3A_186, %dma_wait3A_187, %dma_wait3A_188] : memref<8x125x64xf32, #tpu.memory_space<vmem>> -> memref<1x125x64xf32, #tpu.memory_space<vmem>>
      %dma_wait3A_190 = tpu.memref_squeeze %dma_wait3A_189 : memref<1x125x64xf32, #tpu.memory_space<vmem>> -> memref<125x64xf32, #tpu.memory_space<vmem>>
      %dma_wait3A_191 = arith.constant 0 : i32
      %dma_wait3A_192 = tpu.memref_slice %arg6[%dma_wait3A_185, %dma_wait3A_191] : memref<80x125xi32, #tpu.memory_space<vmem>> -> memref<1x125xi32, #tpu.memory_space<vmem>>
      %dma_wait3A_193 = tpu.memref_squeeze %dma_wait3A_192 : memref<1x125xi32, #tpu.memory_space<vmem>> -> memref<125xi32, #tpu.memory_space<vmem>>
      %dma_wait3A_194 = arith.constant 0 : i32
      %dma_wait3A_195 = arith.constant 0 : i32
      %dma_wait3A_196 = tpu.memref_slice %arg2[%dma_wait3A_194, %dma_wait3A_195] : memref<10000x64xf32, #tpu.memory_space<hbm>> -> memref<10000x64xf32, #tpu.memory_space<hbm>>
      tpu.wait_indirect_dma semaphore(%arg14 : memref<!tpu.dma_semaphore, #tpu.memory_space<semaphore_mem>>) src(%dma_wait3A_196 : memref<10000x64xf32, #tpu.memory_space<hbm>>) dst(%dma_wait3A_190 : memref<125x64xf32, #tpu.memory_space<vmem>>)
      %add3A_197 = arith.constant 3 : i32
      %add3A_198 = arith.addi %add3A_116, %add3A_197 : i32
      %run_scoped3A_199 = arith.constant 3 : i32
      "tpu.region"() ({
        %run_scoped3A_305 = tpu.sem_alloc : memref<!tpu.dma_semaphore, #tpu.memory_space<semaphore_mem>>
        %dma_start3A_306 = arith.constant 0 : i32
        %dma_start3A_307 = arith.constant 0 : i32
        %dma_start3A_308 = tpu.memref_slice %arg8[%run_scoped3A_199, %dma_start3A_306, %dma_start3A_307] : memref<8x125x64xf32, #tpu.memory_space<vmem>> -> memref<1x125x64xf32, #tpu.memory_space<vmem>>
        %dma_start3A_309 = tpu.memref_squeeze %dma_start3A_308 : memref<1x125x64xf32, #tpu.memory_space<vmem>> -> memref<125x64xf32, #tpu.memory_space<vmem>>
        %dma_start3A_310 = arith.constant 0 : i32
        %dma_start3A_311 = tpu.memref_slice %arg7[%add3A_198, %dma_start3A_310] : memref<80x125xi32, #tpu.memory_space<vmem>> -> memref<1x125xi32, #tpu.memory_space<vmem>>
        %dma_start3A_312 = tpu.memref_squeeze %dma_start3A_311 : memref<1x125xi32, #tpu.memory_space<vmem>> -> memref<125xi32, #tpu.memory_space<vmem>>
        %dma_start3A_313 = arith.constant 0 : i32
        %dma_start3A_314 = arith.constant 0 : i32
        %dma_start3A_315 = tpu.memref_slice %arg10[%dma_start3A_313, %dma_start3A_314] : memref<10240x64xf32, #tpu.memory_space<vmem_shared>> -> memref<10240x64xf32, #tpu.memory_space<vmem_shared>>
        tpu.enqueue_indirect_dma source(%dma_start3A_309 : memref<125x64xf32, #tpu.memory_space<vmem>>) target(%dma_start3A_315 : memref<10240x64xf32, #tpu.memory_space<vmem_shared>>) offsets(%dma_start3A_312 : memref<125xi32, #tpu.memory_space<vmem>>) semaphore(%run_scoped3A_305 : memref<!tpu.dma_semaphore, #tpu.memory_space<semaphore_mem>>) {add = true}
        %dma_wait3A_316 = arith.constant 0 : i32
        %dma_wait3A_317 = arith.constant 0 : i32
        %dma_wait3A_318 = tpu.memref_slice %arg8[%run_scoped3A_199, %dma_wait3A_316, %dma_wait3A_317] : memref<8x125x64xf32, #tpu.memory_space<vmem>> -> memref<1x125x64xf32, #tpu.memory_space<vmem>>
        %dma_wait3A_319 = tpu.memref_squeeze %dma_wait3A_318 : memref<1x125x64xf32, #tpu.memory_space<vmem>> -> memref<125x64xf32, #tpu.memory_space<vmem>>
        %dma_wait3A_320 = arith.constant 0 : i32
        %dma_wait3A_321 = tpu.memref_slice %arg7[%add3A_198, %dma_wait3A_320] : memref<80x125xi32, #tpu.memory_space<vmem>> -> memref<1x125xi32, #tpu.memory_space<vmem>>
        %dma_wait3A_322 = tpu.memref_squeeze %dma_wait3A_321 : memref<1x125xi32, #tpu.memory_space<vmem>> -> memref<125xi32, #tpu.memory_space<vmem>>
        %dma_wait3A_323 = arith.constant 0 : i32
        %dma_wait3A_324 = arith.constant 0 : i32
        %dma_wait3A_325 = tpu.memref_slice %arg10[%dma_wait3A_323, %dma_wait3A_324] : memref<10240x64xf32, #tpu.memory_space<vmem_shared>> -> memref<10240x64xf32, #tpu.memory_space<vmem_shared>>
        tpu.wait_indirect_dma semaphore(%run_scoped3A_305 : memref<!tpu.dma_semaphore, #tpu.memory_space<semaphore_mem>>) src(%dma_wait3A_319 : memref<125x64xf32, #tpu.memory_space<vmem>>) dst(%dma_wait3A_325 : memref<10240x64xf32, #tpu.memory_space<vmem_shared>>)
        tpu.yield
      }) : () -> ()
      %add3A_200 = arith.constant 3 : i32
      %add3A_201 = arith.addi %add3A_116, %add3A_200 : i32
      %add3A_202 = arith.constant 8 : i32
      %add3A_203 = arith.addi %add3A_201, %add3A_202 : i32
      %lt3A_204 = arith.constant 80 : i32
      %lt3A_205 = arith.cmpi slt, %add3A_203, %lt3A_204 : i32
      %convert_element_type3A_206 = arith.extui %lt3A_205 : i1 to i32
      %cond3A_207 = arith.constant 0 : i32
      %cond3A_208 = arith.cmpi ne, %convert_element_type3A_206, %cond3A_207 : i32
      scf.if %cond3A_208 {
        %add3A_305 = arith.constant 3 : i32
        %add3A_306 = arith.addi %add3A_116, %add3A_305 : i32
        %add3A_307 = arith.constant 8 : i32
        %add3A_308 = arith.addi %add3A_306, %add3A_307 : i32
        %dma_start3A_309 = arith.constant 3 : i32
        %dma_start3A_310 = arith.constant 0 : i32
        %dma_start3A_311 = arith.constant 0 : i32
        %dma_start3A_312 = tpu.memref_slice %arg8[%dma_start3A_309, %dma_start3A_310, %dma_start3A_311] : memref<8x125x64xf32, #tpu.memory_space<vmem>> -> memref<1x125x64xf32, #tpu.memory_space<vmem>>
        %dma_start3A_313 = tpu.memref_squeeze %dma_start3A_312 : memref<1x125x64xf32, #tpu.memory_space<vmem>> -> memref<125x64xf32, #tpu.memory_space<vmem>>
        %dma_start3A_314 = arith.constant 0 : i32
        %dma_start3A_315 = tpu.memref_slice %arg6[%add3A_308, %dma_start3A_314] : memref<80x125xi32, #tpu.memory_space<vmem>> -> memref<1x125xi32, #tpu.memory_space<vmem>>
        %dma_start3A_316 = tpu.memref_squeeze %dma_start3A_315 : memref<1x125xi32, #tpu.memory_space<vmem>> -> memref<125xi32, #tpu.memory_space<vmem>>
        %dma_start3A_317 = arith.constant 0 : i32
        %dma_start3A_318 = arith.constant 0 : i32
        %dma_start3A_319 = tpu.memref_slice %arg2[%dma_start3A_317, %dma_start3A_318] : memref<10000x64xf32, #tpu.memory_space<hbm>> -> memref<10000x64xf32, #tpu.memory_space<hbm>>
        tpu.enqueue_indirect_dma source(%dma_start3A_319 : memref<10000x64xf32, #tpu.memory_space<hbm>>) target(%dma_start3A_313 : memref<125x64xf32, #tpu.memory_space<vmem>>) offsets(%dma_start3A_316 : memref<125xi32, #tpu.memory_space<vmem>>) semaphore(%arg14 : memref<!tpu.dma_semaphore, #tpu.memory_space<semaphore_mem>>)
      } else {
      }
      %dma_wait3A_209 = arith.constant 4 : i32
      %dma_wait3A_210 = arith.constant 4 : i32
      %dma_wait3A_211 = arith.constant 0 : i32
      %dma_wait3A_212 = arith.constant 0 : i32
      %dma_wait3A_213 = tpu.memref_slice %arg8[%dma_wait3A_210, %dma_wait3A_211, %dma_wait3A_212] : memref<8x125x64xf32, #tpu.memory_space<vmem>> -> memref<1x125x64xf32, #tpu.memory_space<vmem>>
      %dma_wait3A_214 = tpu.memref_squeeze %dma_wait3A_213 : memref<1x125x64xf32, #tpu.memory_space<vmem>> -> memref<125x64xf32, #tpu.memory_space<vmem>>
      %dma_wait3A_215 = arith.constant 0 : i32
      %dma_wait3A_216 = tpu.memref_slice %arg6[%dma_wait3A_209, %dma_wait3A_215] : memref<80x125xi32, #tpu.memory_space<vmem>> -> memref<1x125xi32, #tpu.memory_space<vmem>>
      %dma_wait3A_217 = tpu.memref_squeeze %dma_wait3A_216 : memref<1x125xi32, #tpu.memory_space<vmem>> -> memref<125xi32, #tpu.memory_space<vmem>>
      %dma_wait3A_218 = arith.constant 0 : i32
      %dma_wait3A_219 = arith.constant 0 : i32
      %dma_wait3A_220 = tpu.memref_slice %arg2[%dma_wait3A_218, %dma_wait3A_219] : memref<10000x64xf32, #tpu.memory_space<hbm>> -> memref<10000x64xf32, #tpu.memory_space<hbm>>
      tpu.wait_indirect_dma semaphore(%arg15 : memref<!tpu.dma_semaphore, #tpu.memory_space<semaphore_mem>>) src(%dma_wait3A_220 : memref<10000x64xf32, #tpu.memory_space<hbm>>) dst(%dma_wait3A_214 : memref<125x64xf32, #tpu.memory_space<vmem>>)
      %add3A_221 = arith.constant 4 : i32
      %add3A_222 = arith.addi %add3A_116, %add3A_221 : i32
      %run_scoped3A_223 = arith.constant 4 : i32
      "tpu.region"() ({
        %run_scoped3A_305 = tpu.sem_alloc : memref<!tpu.dma_semaphore, #tpu.memory_space<semaphore_mem>>
        %dma_start3A_306 = arith.constant 0 : i32
        %dma_start3A_307 = arith.constant 0 : i32
        %dma_start3A_308 = tpu.memref_slice %arg8[%run_scoped3A_223, %dma_start3A_306, %dma_start3A_307] : memref<8x125x64xf32, #tpu.memory_space<vmem>> -> memref<1x125x64xf32, #tpu.memory_space<vmem>>
        %dma_start3A_309 = tpu.memref_squeeze %dma_start3A_308 : memref<1x125x64xf32, #tpu.memory_space<vmem>> -> memref<125x64xf32, #tpu.memory_space<vmem>>
        %dma_start3A_310 = arith.constant 0 : i32
        %dma_start3A_311 = tpu.memref_slice %arg7[%add3A_222, %dma_start3A_310] : memref<80x125xi32, #tpu.memory_space<vmem>> -> memref<1x125xi32, #tpu.memory_space<vmem>>
        %dma_start3A_312 = tpu.memref_squeeze %dma_start3A_311 : memref<1x125xi32, #tpu.memory_space<vmem>> -> memref<125xi32, #tpu.memory_space<vmem>>
        %dma_start3A_313 = arith.constant 0 : i32
        %dma_start3A_314 = arith.constant 0 : i32
        %dma_start3A_315 = tpu.memref_slice %arg10[%dma_start3A_313, %dma_start3A_314] : memref<10240x64xf32, #tpu.memory_space<vmem_shared>> -> memref<10240x64xf32, #tpu.memory_space<vmem_shared>>
        tpu.enqueue_indirect_dma source(%dma_start3A_309 : memref<125x64xf32, #tpu.memory_space<vmem>>) target(%dma_start3A_315 : memref<10240x64xf32, #tpu.memory_space<vmem_shared>>) offsets(%dma_start3A_312 : memref<125xi32, #tpu.memory_space<vmem>>) semaphore(%run_scoped3A_305 : memref<!tpu.dma_semaphore, #tpu.memory_space<semaphore_mem>>) {add = true}
        %dma_wait3A_316 = arith.constant 0 : i32
        %dma_wait3A_317 = arith.constant 0 : i32
        %dma_wait3A_318 = tpu.memref_slice %arg8[%run_scoped3A_223, %dma_wait3A_316, %dma_wait3A_317] : memref<8x125x64xf32, #tpu.memory_space<vmem>> -> memref<1x125x64xf32, #tpu.memory_space<vmem>>
        %dma_wait3A_319 = tpu.memref_squeeze %dma_wait3A_318 : memref<1x125x64xf32, #tpu.memory_space<vmem>> -> memref<125x64xf32, #tpu.memory_space<vmem>>
        %dma_wait3A_320 = arith.constant 0 : i32
        %dma_wait3A_321 = tpu.memref_slice %arg7[%add3A_222, %dma_wait3A_320] : memref<80x125xi32, #tpu.memory_space<vmem>> -> memref<1x125xi32, #tpu.memory_space<vmem>>
        %dma_wait3A_322 = tpu.memref_squeeze %dma_wait3A_321 : memref<1x125xi32, #tpu.memory_space<vmem>> -> memref<125xi32, #tpu.memory_space<vmem>>
        %dma_wait3A_323 = arith.constant 0 : i32
        %dma_wait3A_324 = arith.constant 0 : i32
        %dma_wait3A_325 = tpu.memref_slice %arg10[%dma_wait3A_323, %dma_wait3A_324] : memref<10240x64xf32, #tpu.memory_space<vmem_shared>> -> memref<10240x64xf32, #tpu.memory_space<vmem_shared>>
        tpu.wait_indirect_dma semaphore(%run_scoped3A_305 : memref<!tpu.dma_semaphore, #tpu.memory_space<semaphore_mem>>) src(%dma_wait3A_319 : memref<125x64xf32, #tpu.memory_space<vmem>>) dst(%dma_wait3A_325 : memref<10240x64xf32, #tpu.memory_space<vmem_shared>>)
        tpu.yield
      }) : () -> ()
      %add3A_224 = arith.constant 4 : i32
      %add3A_225 = arith.addi %add3A_116, %add3A_224 : i32
      %add3A_226 = arith.constant 8 : i32
      %add3A_227 = arith.addi %add3A_225, %add3A_226 : i32
      %lt3A_228 = arith.constant 80 : i32
      %lt3A_229 = arith.cmpi slt, %add3A_227, %lt3A_228 : i32
      %convert_element_type3A_230 = arith.extui %lt3A_229 : i1 to i32
      %cond3A_231 = arith.constant 0 : i32
      %cond3A_232 = arith.cmpi ne, %convert_element_type3A_230, %cond3A_231 : i32
      scf.if %cond3A_232 {
        %add3A_305 = arith.constant 4 : i32
        %add3A_306 = arith.addi %add3A_116, %add3A_305 : i32
        %add3A_307 = arith.constant 8 : i32
        %add3A_308 = arith.addi %add3A_306, %add3A_307 : i32
        %dma_start3A_309 = arith.constant 4 : i32
        %dma_start3A_310 = arith.constant 0 : i32
        %dma_start3A_311 = arith.constant 0 : i32
        %dma_start3A_312 = tpu.memref_slice %arg8[%dma_start3A_309, %dma_start3A_310, %dma_start3A_311] : memref<8x125x64xf32, #tpu.memory_space<vmem>> -> memref<1x125x64xf32, #tpu.memory_space<vmem>>
        %dma_start3A_313 = tpu.memref_squeeze %dma_start3A_312 : memref<1x125x64xf32, #tpu.memory_space<vmem>> -> memref<125x64xf32, #tpu.memory_space<vmem>>
        %dma_start3A_314 = arith.constant 0 : i32
        %dma_start3A_315 = tpu.memref_slice %arg6[%add3A_308, %dma_start3A_314] : memref<80x125xi32, #tpu.memory_space<vmem>> -> memref<1x125xi32, #tpu.memory_space<vmem>>
        %dma_start3A_316 = tpu.memref_squeeze %dma_start3A_315 : memref<1x125xi32, #tpu.memory_space<vmem>> -> memref<125xi32, #tpu.memory_space<vmem>>
        %dma_start3A_317 = arith.constant 0 : i32
        %dma_start3A_318 = arith.constant 0 : i32
        %dma_start3A_319 = tpu.memref_slice %arg2[%dma_start3A_317, %dma_start3A_318] : memref<10000x64xf32, #tpu.memory_space<hbm>> -> memref<10000x64xf32, #tpu.memory_space<hbm>>
        tpu.enqueue_indirect_dma source(%dma_start3A_319 : memref<10000x64xf32, #tpu.memory_space<hbm>>) target(%dma_start3A_313 : memref<125x64xf32, #tpu.memory_space<vmem>>) offsets(%dma_start3A_316 : memref<125xi32, #tpu.memory_space<vmem>>) semaphore(%arg15 : memref<!tpu.dma_semaphore, #tpu.memory_space<semaphore_mem>>)
      } else {
      }
      %dma_wait3A_233 = arith.constant 5 : i32
      %dma_wait3A_234 = arith.constant 5 : i32
      %dma_wait3A_235 = arith.constant 0 : i32
      %dma_wait3A_236 = arith.constant 0 : i32
      %dma_wait3A_237 = tpu.memref_slice %arg8[%dma_wait3A_234, %dma_wait3A_235, %dma_wait3A_236] : memref<8x125x64xf32, #tpu.memory_space<vmem>> -> memref<1x125x64xf32, #tpu.memory_space<vmem>>
      %dma_wait3A_238 = tpu.memref_squeeze %dma_wait3A_237 : memref<1x125x64xf32, #tpu.memory_space<vmem>> -> memref<125x64xf32, #tpu.memory_space<vmem>>
      %dma_wait3A_239 = arith.constant 0 : i32
      %dma_wait3A_240 = tpu.memref_slice %arg6[%dma_wait3A_233, %dma_wait3A_239] : memref<80x125xi32, #tpu.memory_space<vmem>> -> memref<1x125xi32, #tpu.memory_space<vmem>>
      %dma_wait3A_241 = tpu.memref_squeeze %dma_wait3A_240 : memref<1x125xi32, #tpu.memory_space<vmem>> -> memref<125xi32, #tpu.memory_space<vmem>>
      %dma_wait3A_242 = arith.constant 0 : i32
      %dma_wait3A_243 = arith.constant 0 : i32
      %dma_wait3A_244 = tpu.memref_slice %arg2[%dma_wait3A_242, %dma_wait3A_243] : memref<10000x64xf32, #tpu.memory_space<hbm>> -> memref<10000x64xf32, #tpu.memory_space<hbm>>
      tpu.wait_indirect_dma semaphore(%arg16 : memref<!tpu.dma_semaphore, #tpu.memory_space<semaphore_mem>>) src(%dma_wait3A_244 : memref<10000x64xf32, #tpu.memory_space<hbm>>) dst(%dma_wait3A_238 : memref<125x64xf32, #tpu.memory_space<vmem>>)
      %add3A_245 = arith.constant 5 : i32
      %add3A_246 = arith.addi %add3A_116, %add3A_245 : i32
      %run_scoped3A_247 = arith.constant 5 : i32
      "tpu.region"() ({
        %run_scoped3A_305 = tpu.sem_alloc : memref<!tpu.dma_semaphore, #tpu.memory_space<semaphore_mem>>
        %dma_start3A_306 = arith.constant 0 : i32
        %dma_start3A_307 = arith.constant 0 : i32
        %dma_start3A_308 = tpu.memref_slice %arg8[%run_scoped3A_247, %dma_start3A_306, %dma_start3A_307] : memref<8x125x64xf32, #tpu.memory_space<vmem>> -> memref<1x125x64xf32, #tpu.memory_space<vmem>>
        %dma_start3A_309 = tpu.memref_squeeze %dma_start3A_308 : memref<1x125x64xf32, #tpu.memory_space<vmem>> -> memref<125x64xf32, #tpu.memory_space<vmem>>
        %dma_start3A_310 = arith.constant 0 : i32
        %dma_start3A_311 = tpu.memref_slice %arg7[%add3A_246, %dma_start3A_310] : memref<80x125xi32, #tpu.memory_space<vmem>> -> memref<1x125xi32, #tpu.memory_space<vmem>>
        %dma_start3A_312 = tpu.memref_squeeze %dma_start3A_311 : memref<1x125xi32, #tpu.memory_space<vmem>> -> memref<125xi32, #tpu.memory_space<vmem>>
        %dma_start3A_313 = arith.constant 0 : i32
        %dma_start3A_314 = arith.constant 0 : i32
        %dma_start3A_315 = tpu.memref_slice %arg10[%dma_start3A_313, %dma_start3A_314] : memref<10240x64xf32, #tpu.memory_space<vmem_shared>> -> memref<10240x64xf32, #tpu.memory_space<vmem_shared>>
        tpu.enqueue_indirect_dma source(%dma_start3A_309 : memref<125x64xf32, #tpu.memory_space<vmem>>) target(%dma_start3A_315 : memref<10240x64xf32, #tpu.memory_space<vmem_shared>>) offsets(%dma_start3A_312 : memref<125xi32, #tpu.memory_space<vmem>>) semaphore(%run_scoped3A_305 : memref<!tpu.dma_semaphore, #tpu.memory_space<semaphore_mem>>) {add = true}
        %dma_wait3A_316 = arith.constant 0 : i32
        %dma_wait3A_317 = arith.constant 0 : i32
        %dma_wait3A_318 = tpu.memref_slice %arg8[%run_scoped3A_247, %dma_wait3A_316, %dma_wait3A_317] : memref<8x125x64xf32, #tpu.memory_space<vmem>> -> memref<1x125x64xf32, #tpu.memory_space<vmem>>
        %dma_wait3A_319 = tpu.memref_squeeze %dma_wait3A_318 : memref<1x125x64xf32, #tpu.memory_space<vmem>> -> memref<125x64xf32, #tpu.memory_space<vmem>>
        %dma_wait3A_320 = arith.constant 0 : i32
        %dma_wait3A_321 = tpu.memref_slice %arg7[%add3A_246, %dma_wait3A_320] : memref<80x125xi32, #tpu.memory_space<vmem>> -> memref<1x125xi32, #tpu.memory_space<vmem>>
        %dma_wait3A_322 = tpu.memref_squeeze %dma_wait3A_321 : memref<1x125xi32, #tpu.memory_space<vmem>> -> memref<125xi32, #tpu.memory_space<vmem>>
        %dma_wait3A_323 = arith.constant 0 : i32
        %dma_wait3A_324 = arith.constant 0 : i32
        %dma_wait3A_325 = tpu.memref_slice %arg10[%dma_wait3A_323, %dma_wait3A_324] : memref<10240x64xf32, #tpu.memory_space<vmem_shared>> -> memref<10240x64xf32, #tpu.memory_space<vmem_shared>>
        tpu.wait_indirect_dma semaphore(%run_scoped3A_305 : memref<!tpu.dma_semaphore, #tpu.memory_space<semaphore_mem>>) src(%dma_wait3A_319 : memref<125x64xf32, #tpu.memory_space<vmem>>) dst(%dma_wait3A_325 : memref<10240x64xf32, #tpu.memory_space<vmem_shared>>)
        tpu.yield
      }) : () -> ()
      %add3A_248 = arith.constant 5 : i32
      %add3A_249 = arith.addi %add3A_116, %add3A_248 : i32
      %add3A_250 = arith.constant 8 : i32
      %add3A_251 = arith.addi %add3A_249, %add3A_250 : i32
      %lt3A_252 = arith.constant 80 : i32
      %lt3A_253 = arith.cmpi slt, %add3A_251, %lt3A_252 : i32
      %convert_element_type3A_254 = arith.extui %lt3A_253 : i1 to i32
      %cond3A_255 = arith.constant 0 : i32
      %cond3A_256 = arith.cmpi ne, %convert_element_type3A_254, %cond3A_255 : i32
      scf.if %cond3A_256 {
        %add3A_305 = arith.constant 5 : i32
        %add3A_306 = arith.addi %add3A_116, %add3A_305 : i32
        %add3A_307 = arith.constant 8 : i32
        %add3A_308 = arith.addi %add3A_306, %add3A_307 : i32
        %dma_start3A_309 = arith.constant 5 : i32
        %dma_start3A_310 = arith.constant 0 : i32
        %dma_start3A_311 = arith.constant 0 : i32
        %dma_start3A_312 = tpu.memref_slice %arg8[%dma_start3A_309, %dma_start3A_310, %dma_start3A_311] : memref<8x125x64xf32, #tpu.memory_space<vmem>> -> memref<1x125x64xf32, #tpu.memory_space<vmem>>
        %dma_start3A_313 = tpu.memref_squeeze %dma_start3A_312 : memref<1x125x64xf32, #tpu.memory_space<vmem>> -> memref<125x64xf32, #tpu.memory_space<vmem>>
        %dma_start3A_314 = arith.constant 0 : i32
        %dma_start3A_315 = tpu.memref_slice %arg6[%add3A_308, %dma_start3A_314] : memref<80x125xi32, #tpu.memory_space<vmem>> -> memref<1x125xi32, #tpu.memory_space<vmem>>
        %dma_start3A_316 = tpu.memref_squeeze %dma_start3A_315 : memref<1x125xi32, #tpu.memory_space<vmem>> -> memref<125xi32, #tpu.memory_space<vmem>>
        %dma_start3A_317 = arith.constant 0 : i32
        %dma_start3A_318 = arith.constant 0 : i32
        %dma_start3A_319 = tpu.memref_slice %arg2[%dma_start3A_317, %dma_start3A_318] : memref<10000x64xf32, #tpu.memory_space<hbm>> -> memref<10000x64xf32, #tpu.memory_space<hbm>>
        tpu.enqueue_indirect_dma source(%dma_start3A_319 : memref<10000x64xf32, #tpu.memory_space<hbm>>) target(%dma_start3A_313 : memref<125x64xf32, #tpu.memory_space<vmem>>) offsets(%dma_start3A_316 : memref<125xi32, #tpu.memory_space<vmem>>) semaphore(%arg16 : memref<!tpu.dma_semaphore, #tpu.memory_space<semaphore_mem>>)
      } else {
      }
      %dma_wait3A_257 = arith.constant 6 : i32
      %dma_wait3A_258 = arith.constant 6 : i32
      %dma_wait3A_259 = arith.constant 0 : i32
      %dma_wait3A_260 = arith.constant 0 : i32
      %dma_wait3A_261 = tpu.memref_slice %arg8[%dma_wait3A_258, %dma_wait3A_259, %dma_wait3A_260] : memref<8x125x64xf32, #tpu.memory_space<vmem>> -> memref<1x125x64xf32, #tpu.memory_space<vmem>>
      %dma_wait3A_262 = tpu.memref_squeeze %dma_wait3A_261 : memref<1x125x64xf32, #tpu.memory_space<vmem>> -> memref<125x64xf32, #tpu.memory_space<vmem>>
      %dma_wait3A_263 = arith.constant 0 : i32
      %dma_wait3A_264 = tpu.memref_slice %arg6[%dma_wait3A_257, %dma_wait3A_263] : memref<80x125xi32, #tpu.memory_space<vmem>> -> memref<1x125xi32, #tpu.memory_space<vmem>>
      %dma_wait3A_265 = tpu.memref_squeeze %dma_wait3A_264 : memref<1x125xi32, #tpu.memory_space<vmem>> -> memref<125xi32, #tpu.memory_space<vmem>>
      %dma_wait3A_266 = arith.constant 0 : i32
      %dma_wait3A_267 = arith.constant 0 : i32
      %dma_wait3A_268 = tpu.memref_slice %arg2[%dma_wait3A_266, %dma_wait3A_267] : memref<10000x64xf32, #tpu.memory_space<hbm>> -> memref<10000x64xf32, #tpu.memory_space<hbm>>
      tpu.wait_indirect_dma semaphore(%arg17 : memref<!tpu.dma_semaphore, #tpu.memory_space<semaphore_mem>>) src(%dma_wait3A_268 : memref<10000x64xf32, #tpu.memory_space<hbm>>) dst(%dma_wait3A_262 : memref<125x64xf32, #tpu.memory_space<vmem>>)
      %add3A_269 = arith.constant 6 : i32
      %add3A_270 = arith.addi %add3A_116, %add3A_269 : i32
      %run_scoped3A_271 = arith.constant 6 : i32
      "tpu.region"() ({
        %run_scoped3A_305 = tpu.sem_alloc : memref<!tpu.dma_semaphore, #tpu.memory_space<semaphore_mem>>
        %dma_start3A_306 = arith.constant 0 : i32
        %dma_start3A_307 = arith.constant 0 : i32
        %dma_start3A_308 = tpu.memref_slice %arg8[%run_scoped3A_271, %dma_start3A_306, %dma_start3A_307] : memref<8x125x64xf32, #tpu.memory_space<vmem>> -> memref<1x125x64xf32, #tpu.memory_space<vmem>>
        %dma_start3A_309 = tpu.memref_squeeze %dma_start3A_308 : memref<1x125x64xf32, #tpu.memory_space<vmem>> -> memref<125x64xf32, #tpu.memory_space<vmem>>
        %dma_start3A_310 = arith.constant 0 : i32
        %dma_start3A_311 = tpu.memref_slice %arg7[%add3A_270, %dma_start3A_310] : memref<80x125xi32, #tpu.memory_space<vmem>> -> memref<1x125xi32, #tpu.memory_space<vmem>>
        %dma_start3A_312 = tpu.memref_squeeze %dma_start3A_311 : memref<1x125xi32, #tpu.memory_space<vmem>> -> memref<125xi32, #tpu.memory_space<vmem>>
        %dma_start3A_313 = arith.constant 0 : i32
        %dma_start3A_314 = arith.constant 0 : i32
        %dma_start3A_315 = tpu.memref_slice %arg10[%dma_start3A_313, %dma_start3A_314] : memref<10240x64xf32, #tpu.memory_space<vmem_shared>> -> memref<10240x64xf32, #tpu.memory_space<vmem_shared>>
        tpu.enqueue_indirect_dma source(%dma_start3A_309 : memref<125x64xf32, #tpu.memory_space<vmem>>) target(%dma_start3A_315 : memref<10240x64xf32, #tpu.memory_space<vmem_shared>>) offsets(%dma_start3A_312 : memref<125xi32, #tpu.memory_space<vmem>>) semaphore(%run_scoped3A_305 : memref<!tpu.dma_semaphore, #tpu.memory_space<semaphore_mem>>) {add = true}
        %dma_wait3A_316 = arith.constant 0 : i32
        %dma_wait3A_317 = arith.constant 0 : i32
        %dma_wait3A_318 = tpu.memref_slice %arg8[%run_scoped3A_271, %dma_wait3A_316, %dma_wait3A_317] : memref<8x125x64xf32, #tpu.memory_space<vmem>> -> memref<1x125x64xf32, #tpu.memory_space<vmem>>
        %dma_wait3A_319 = tpu.memref_squeeze %dma_wait3A_318 : memref<1x125x64xf32, #tpu.memory_space<vmem>> -> memref<125x64xf32, #tpu.memory_space<vmem>>
        %dma_wait3A_320 = arith.constant 0 : i32
        %dma_wait3A_321 = tpu.memref_slice %arg7[%add3A_270, %dma_wait3A_320] : memref<80x125xi32, #tpu.memory_space<vmem>> -> memref<1x125xi32, #tpu.memory_space<vmem>>
        %dma_wait3A_322 = tpu.memref_squeeze %dma_wait3A_321 : memref<1x125xi32, #tpu.memory_space<vmem>> -> memref<125xi32, #tpu.memory_space<vmem>>
        %dma_wait3A_323 = arith.constant 0 : i32
        %dma_wait3A_324 = arith.constant 0 : i32
        %dma_wait3A_325 = tpu.memref_slice %arg10[%dma_wait3A_323, %dma_wait3A_324] : memref<10240x64xf32, #tpu.memory_space<vmem_shared>> -> memref<10240x64xf32, #tpu.memory_space<vmem_shared>>
        tpu.wait_indirect_dma semaphore(%run_scoped3A_305 : memref<!tpu.dma_semaphore, #tpu.memory_space<semaphore_mem>>) src(%dma_wait3A_319 : memref<125x64xf32, #tpu.memory_space<vmem>>) dst(%dma_wait3A_325 : memref<10240x64xf32, #tpu.memory_space<vmem_shared>>)
        tpu.yield
      }) : () -> ()
      %add3A_272 = arith.constant 6 : i32
      %add3A_273 = arith.addi %add3A_116, %add3A_272 : i32
      %add3A_274 = arith.constant 8 : i32
      %add3A_275 = arith.addi %add3A_273, %add3A_274 : i32
      %lt3A_276 = arith.constant 80 : i32
      %lt3A_277 = arith.cmpi slt, %add3A_275, %lt3A_276 : i32
      %convert_element_type3A_278 = arith.extui %lt3A_277 : i1 to i32
      %cond3A_279 = arith.constant 0 : i32
      %cond3A_280 = arith.cmpi ne, %convert_element_type3A_278, %cond3A_279 : i32
      scf.if %cond3A_280 {
        %add3A_305 = arith.constant 6 : i32
        %add3A_306 = arith.addi %add3A_116, %add3A_305 : i32
        %add3A_307 = arith.constant 8 : i32
        %add3A_308 = arith.addi %add3A_306, %add3A_307 : i32
        %dma_start3A_309 = arith.constant 6 : i32
        %dma_start3A_310 = arith.constant 0 : i32
        %dma_start3A_311 = arith.constant 0 : i32
        %dma_start3A_312 = tpu.memref_slice %arg8[%dma_start3A_309, %dma_start3A_310, %dma_start3A_311] : memref<8x125x64xf32, #tpu.memory_space<vmem>> -> memref<1x125x64xf32, #tpu.memory_space<vmem>>
        %dma_start3A_313 = tpu.memref_squeeze %dma_start3A_312 : memref<1x125x64xf32, #tpu.memory_space<vmem>> -> memref<125x64xf32, #tpu.memory_space<vmem>>
        %dma_start3A_314 = arith.constant 0 : i32
        %dma_start3A_315 = tpu.memref_slice %arg6[%add3A_308, %dma_start3A_314] : memref<80x125xi32, #tpu.memory_space<vmem>> -> memref<1x125xi32, #tpu.memory_space<vmem>>
        %dma_start3A_316 = tpu.memref_squeeze %dma_start3A_315 : memref<1x125xi32, #tpu.memory_space<vmem>> -> memref<125xi32, #tpu.memory_space<vmem>>
        %dma_start3A_317 = arith.constant 0 : i32
        %dma_start3A_318 = arith.constant 0 : i32
        %dma_start3A_319 = tpu.memref_slice %arg2[%dma_start3A_317, %dma_start3A_318] : memref<10000x64xf32, #tpu.memory_space<hbm>> -> memref<10000x64xf32, #tpu.memory_space<hbm>>
        tpu.enqueue_indirect_dma source(%dma_start3A_319 : memref<10000x64xf32, #tpu.memory_space<hbm>>) target(%dma_start3A_313 : memref<125x64xf32, #tpu.memory_space<vmem>>) offsets(%dma_start3A_316 : memref<125xi32, #tpu.memory_space<vmem>>) semaphore(%arg17 : memref<!tpu.dma_semaphore, #tpu.memory_space<semaphore_mem>>)
      } else {
      }
      %dma_wait3A_281 = arith.constant 7 : i32
      %dma_wait3A_282 = arith.constant 7 : i32
      %dma_wait3A_283 = arith.constant 0 : i32
      %dma_wait3A_284 = arith.constant 0 : i32
      %dma_wait3A_285 = tpu.memref_slice %arg8[%dma_wait3A_282, %dma_wait3A_283, %dma_wait3A_284] : memref<8x125x64xf32, #tpu.memory_space<vmem>> -> memref<1x125x64xf32, #tpu.memory_space<vmem>>
      %dma_wait3A_286 = tpu.memref_squeeze %dma_wait3A_285 : memref<1x125x64xf32, #tpu.memory_space<vmem>> -> memref<125x64xf32, #tpu.memory_space<vmem>>
      %dma_wait3A_287 = arith.constant 0 : i32
      %dma_wait3A_288 = tpu.memref_slice %arg6[%dma_wait3A_281, %dma_wait3A_287] : memref<80x125xi32, #tpu.memory_space<vmem>> -> memref<1x125xi32, #tpu.memory_space<vmem>>
      %dma_wait3A_289 = tpu.memref_squeeze %dma_wait3A_288 : memref<1x125xi32, #tpu.memory_space<vmem>> -> memref<125xi32, #tpu.memory_space<vmem>>
      %dma_wait3A_290 = arith.constant 0 : i32
      %dma_wait3A_291 = arith.constant 0 : i32
      %dma_wait3A_292 = tpu.memref_slice %arg2[%dma_wait3A_290, %dma_wait3A_291] : memref<10000x64xf32, #tpu.memory_space<hbm>> -> memref<10000x64xf32, #tpu.memory_space<hbm>>
      tpu.wait_indirect_dma semaphore(%arg18 : memref<!tpu.dma_semaphore, #tpu.memory_space<semaphore_mem>>) src(%dma_wait3A_292 : memref<10000x64xf32, #tpu.memory_space<hbm>>) dst(%dma_wait3A_286 : memref<125x64xf32, #tpu.memory_space<vmem>>)
      %add3A_293 = arith.constant 7 : i32
      %add3A_294 = arith.addi %add3A_116, %add3A_293 : i32
      %run_scoped3A_295 = arith.constant 7 : i32
      "tpu.region"() ({
        %run_scoped3A_305 = tpu.sem_alloc : memref<!tpu.dma_semaphore, #tpu.memory_space<semaphore_mem>>
        %dma_start3A_306 = arith.constant 0 : i32
        %dma_start3A_307 = arith.constant 0 : i32
        %dma_start3A_308 = tpu.memref_slice %arg8[%run_scoped3A_295, %dma_start3A_306, %dma_start3A_307] : memref<8x125x64xf32, #tpu.memory_space<vmem>> -> memref<1x125x64xf32, #tpu.memory_space<vmem>>
        %dma_start3A_309 = tpu.memref_squeeze %dma_start3A_308 : memref<1x125x64xf32, #tpu.memory_space<vmem>> -> memref<125x64xf32, #tpu.memory_space<vmem>>
        %dma_start3A_310 = arith.constant 0 : i32
        %dma_start3A_311 = tpu.memref_slice %arg7[%add3A_294, %dma_start3A_310] : memref<80x125xi32, #tpu.memory_space<vmem>> -> memref<1x125xi32, #tpu.memory_space<vmem>>
        %dma_start3A_312 = tpu.memref_squeeze %dma_start3A_311 : memref<1x125xi32, #tpu.memory_space<vmem>> -> memref<125xi32, #tpu.memory_space<vmem>>
        %dma_start3A_313 = arith.constant 0 : i32
        %dma_start3A_314 = arith.constant 0 : i32
        %dma_start3A_315 = tpu.memref_slice %arg10[%dma_start3A_313, %dma_start3A_314] : memref<10240x64xf32, #tpu.memory_space<vmem_shared>> -> memref<10240x64xf32, #tpu.memory_space<vmem_shared>>
        tpu.enqueue_indirect_dma source(%dma_start3A_309 : memref<125x64xf32, #tpu.memory_space<vmem>>) target(%dma_start3A_315 : memref<10240x64xf32, #tpu.memory_space<vmem_shared>>) offsets(%dma_start3A_312 : memref<125xi32, #tpu.memory_space<vmem>>) semaphore(%run_scoped3A_305 : memref<!tpu.dma_semaphore, #tpu.memory_space<semaphore_mem>>) {add = true}
        %dma_wait3A_316 = arith.constant 0 : i32
        %dma_wait3A_317 = arith.constant 0 : i32
        %dma_wait3A_318 = tpu.memref_slice %arg8[%run_scoped3A_295, %dma_wait3A_316, %dma_wait3A_317] : memref<8x125x64xf32, #tpu.memory_space<vmem>> -> memref<1x125x64xf32, #tpu.memory_space<vmem>>
        %dma_wait3A_319 = tpu.memref_squeeze %dma_wait3A_318 : memref<1x125x64xf32, #tpu.memory_space<vmem>> -> memref<125x64xf32, #tpu.memory_space<vmem>>
        %dma_wait3A_320 = arith.constant 0 : i32
        %dma_wait3A_321 = tpu.memref_slice %arg7[%add3A_294, %dma_wait3A_320] : memref<80x125xi32, #tpu.memory_space<vmem>> -> memref<1x125xi32, #tpu.memory_space<vmem>>
        %dma_wait3A_322 = tpu.memref_squeeze %dma_wait3A_321 : memref<1x125xi32, #tpu.memory_space<vmem>> -> memref<125xi32, #tpu.memory_space<vmem>>
        %dma_wait3A_323 = arith.constant 0 : i32
        %dma_wait3A_324 = arith.constant 0 : i32
        %dma_wait3A_325 = tpu.memref_slice %arg10[%dma_wait3A_323, %dma_wait3A_324] : memref<10240x64xf32, #tpu.memory_space<vmem_shared>> -> memref<10240x64xf32, #tpu.memory_space<vmem_shared>>
        tpu.wait_indirect_dma semaphore(%run_scoped3A_305 : memref<!tpu.dma_semaphore, #tpu.memory_space<semaphore_mem>>) src(%dma_wait3A_319 : memref<125x64xf32, #tpu.memory_space<vmem>>) dst(%dma_wait3A_325 : memref<10240x64xf32, #tpu.memory_space<vmem_shared>>)
        tpu.yield
      }) : () -> ()
      %add3A_296 = arith.constant 7 : i32
      %add3A_297 = arith.addi %add3A_116, %add3A_296 : i32
      %add3A_298 = arith.constant 8 : i32
      %add3A_299 = arith.addi %add3A_297, %add3A_298 : i32
      %lt3A_300 = arith.constant 80 : i32
      %lt3A_301 = arith.cmpi slt, %add3A_299, %lt3A_300 : i32
      %convert_element_type3A_302 = arith.extui %lt3A_301 : i1 to i32
      %cond3A_303 = arith.constant 0 : i32
      %cond3A_304 = arith.cmpi ne, %convert_element_type3A_302, %cond3A_303 : i32
      scf.if %cond3A_304 {
        %add3A_305 = arith.constant 7 : i32
        %add3A_306 = arith.addi %add3A_116, %add3A_305 : i32
        %add3A_307 = arith.constant 8 : i32
        %add3A_308 = arith.addi %add3A_306, %add3A_307 : i32
        %dma_start3A_309 = arith.constant 7 : i32
        %dma_start3A_310 = arith.constant 0 : i32
        %dma_start3A_311 = arith.constant 0 : i32
        %dma_start3A_312 = tpu.memref_slice %arg8[%dma_start3A_309, %dma_start3A_310, %dma_start3A_311] : memref<8x125x64xf32, #tpu.memory_space<vmem>> -> memref<1x125x64xf32, #tpu.memory_space<vmem>>
        %dma_start3A_313 = tpu.memref_squeeze %dma_start3A_312 : memref<1x125x64xf32, #tpu.memory_space<vmem>> -> memref<125x64xf32, #tpu.memory_space<vmem>>
        %dma_start3A_314 = arith.constant 0 : i32
        %dma_start3A_315 = tpu.memref_slice %arg6[%add3A_308, %dma_start3A_314] : memref<80x125xi32, #tpu.memory_space<vmem>> -> memref<1x125xi32, #tpu.memory_space<vmem>>
        %dma_start3A_316 = tpu.memref_squeeze %dma_start3A_315 : memref<1x125xi32, #tpu.memory_space<vmem>> -> memref<125xi32, #tpu.memory_space<vmem>>
        %dma_start3A_317 = arith.constant 0 : i32
        %dma_start3A_318 = arith.constant 0 : i32
        %dma_start3A_319 = tpu.memref_slice %arg2[%dma_start3A_317, %dma_start3A_318] : memref<10000x64xf32, #tpu.memory_space<hbm>> -> memref<10000x64xf32, #tpu.memory_space<hbm>>
        tpu.enqueue_indirect_dma source(%dma_start3A_319 : memref<10000x64xf32, #tpu.memory_space<hbm>>) target(%dma_start3A_313 : memref<125x64xf32, #tpu.memory_space<vmem>>) offsets(%dma_start3A_316 : memref<125xi32, #tpu.memory_space<vmem>>) semaphore(%arg18 : memref<!tpu.dma_semaphore, #tpu.memory_space<semaphore_mem>>)
      } else {
      }
    }
    %scan3A_105 = arith.constant 10 : i32
    %barrier3A_106 = arith.constant 0 : index
    tpu.barrier barrier_id(%barrier3A_106)
    %scan3A_107 = arith.constant 0 : i32
    %scan3A_108 = arith.constant 5 : i32
    %scan3A_109 = arith.addi %scan3A_107, %scan3A_108 : i32
    %scan3A_110 = arith.constant 1 : i32
    scf.for %scan3A_112 = %scan3A_107 to %scan3A_109 step %scan3A_110  : i32 {
      %mul3A_113 = arith.constant 1 : i32
      %mul3A_114 = arith.muli %scan3A_112, %mul3A_113 : i32
      %add3A_115 = arith.constant 0 : i32
      %add3A_116 = arith.addi %add3A_115, %mul3A_114 : i32
      %mul3A_117 = arith.constant 640 : i32
      %mul3A_118 = arith.muli %arg1, %mul3A_117 : i32
      %mul3A_119 = arith.constant 128 : i32
      %mul3A_120 = arith.muli %add3A_116, %mul3A_119 : i32
      %add3A_121 = arith.addi %mul3A_118, %mul3A_120 : i32
      "tpu.region"() ({
        %run_scoped3A_122 = tpu.sem_alloc : memref<!tpu.dma_semaphore, #tpu.memory_space<semaphore_mem>>
        %dma_start3A_123 = arith.constant 0 : i32
        %dma_start3A_124 = tpu.memref_slice %arg5[%arg0, %add3A_121, %dma_start3A_123] : memref<2x10240x64xf32, #tpu.memory_space<hbm>> -> memref<1x128x64xf32, #tpu.memory_space<hbm>>
        %dma_start3A_125 = tpu.memref_squeeze %dma_start3A_124 : memref<1x128x64xf32, #tpu.memory_space<hbm>> -> memref<128x64xf32, #tpu.memory_space<hbm>>
        %dma_start3A_126 = arith.constant 0 : i32
        %dma_start3A_127 = tpu.memref_slice %arg10[%add3A_121, %dma_start3A_126] : memref<10240x64xf32, #tpu.memory_space<vmem_shared>> -> memref<128x64xf32, #tpu.memory_space<vmem_shared>>
        tpu.enqueue_dma source(%dma_start3A_127 : memref<128x64xf32, #tpu.memory_space<vmem_shared>>) target(%dma_start3A_125 : memref<128x64xf32, #tpu.memory_space<hbm>>) target_semaphore(%run_scoped3A_122 : memref<!tpu.dma_semaphore, #tpu.memory_space<semaphore_mem>>)
        %dma_wait3A = arith.constant 0 : i32
        %dma_wait3A_128 = tpu.memref_slice %arg5[%arg0, %add3A_121, %dma_wait3A] : memref<2x10240x64xf32, #tpu.memory_space<hbm>> -> memref<1x128x64xf32, #tpu.memory_space<hbm>>
        %dma_wait3A_129 = tpu.memref_squeeze %dma_wait3A_128 : memref<1x128x64xf32, #tpu.memory_space<hbm>> -> memref<128x64xf32, #tpu.memory_space<hbm>>
        %dma_wait3A_130 = arith.constant 0 : i32
        %dma_wait3A_131 = tpu.memref_slice %arg10[%add3A_121, %dma_wait3A_130] : memref<10240x64xf32, #tpu.memory_space<vmem_shared>> -> memref<128x64xf32, #tpu.memory_space<vmem_shared>>
        tpu.wait_dma2 semaphore(%run_scoped3A_122 : memref<!tpu.dma_semaphore, #tpu.memory_space<semaphore_mem>>) src(%dma_wait3A_131 : memref<128x64xf32, #tpu.memory_space<vmem_shared>>) dst(%dma_wait3A_129 : memref<128x64xf32, #tpu.memory_space<hbm>>)
        tpu.yield
      }) : () -> ()
    }
    %scan3A_111 = arith.constant 5 : i32
    return
  }
}

module attributes {stable_mosaic.version = 14 : i64} {
  func.func @_tc_m(%arg0: memref<5000x256xf32, #tpu.memory_space<vmem>>, %arg1: memref<256x128xf32, #tpu.memory_space<vmem>>, %arg2: memref<5000x128xf32, #tpu.memory_space<vmem>>) attributes {dimension_semantics = [], scalar_prefetch = 0 : i64, scratch_operands = 0 : i64, tpu.core_type = #tpu.core_type<tc>} {
    %get3A = arith.constant 0 : index
    %get3A_0 = arith.constant 0 : index
    %get3A_1 = vector.load %arg0[%get3A, %get3A_0] : memref<5000x256xf32, #tpu.memory_space<vmem>>, vector<5000x256xf32>
    %get3A_2 = arith.constant 0 : index
    %get3A_3 = arith.constant 0 : index
    %get3A_4 = vector.load %arg1[%get3A_2, %get3A_3] : memref<256x128xf32, #tpu.memory_space<vmem>>, vector<256x128xf32>
    %dot_general3A = arith.constant dense<0.000000e+00> : vector<5000x128xf32>
    %dot_general3A_5 = tpu.matmul %get3A_1, %get3A_4, %dot_general3A {dimension_numbers = #tpu.dot_dimension_numbers<[1], [0], [0], [1], [0, 0, 1, 1], [], []>, transpose_lhs_hint = false} : vector<5000x256xf32>, vector<256x128xf32>, vector<5000x128xf32> -> vector<5000x128xf32>
    %swap3A = arith.constant 0 : index
    %swap3A_6 = arith.constant 0 : index
    %swap3A_7 = vector.load %arg2[%swap3A, %swap3A_6] : memref<5000x128xf32, #tpu.memory_space<vmem>>, vector<5000x128xf32>
    tpu.vector_store %arg2[%swap3A, %swap3A_6], %dot_general3A_5 {strides = array<i32>} : memref<5000x128xf32, #tpu.memory_space<vmem>>, vector<5000x128xf32>,
    return
  }
}

module attributes {stable_mosaic.version = 14 : i64} {
  func.func @_tc_a(%arg0: memref<5000x128xf32, #tpu.memory_space<vmem>>, %arg1: memref<2x5120x128xf32, #tpu.memory_space<vmem>>, %arg2: memref<5000x128xf32, #tpu.memory_space<vmem>>, %arg3: memref<5000x128xf32, #tpu.memory_space<vmem>>) attributes {dimension_semantics = [], scalar_prefetch = 0 : i64, scratch_operands = 0 : i64, tpu.core_type = #tpu.core_type<tc>} {
    %get3A = arith.constant 0 : index
    %get3A_0 = arith.constant 0 : index
    %get3A_1 = arith.constant 0 : index
    %get3A_2 = vector.load %arg1[%get3A, %get3A_0, %get3A_1] : memref<2x5120x128xf32, #tpu.memory_space<vmem>>, vector<1x5000x128xf32>
    %get3A_3 = vector.shape_cast %get3A_2 : vector<1x5000x128xf32> to vector<5000x128xf32>
    %get3A_4 = arith.constant 1 : index
    %get3A_5 = arith.constant 0 : index
    %get3A_6 = arith.constant 0 : index
    %get3A_7 = vector.load %arg1[%get3A_4, %get3A_5, %get3A_6] : memref<2x5120x128xf32, #tpu.memory_space<vmem>>, vector<1x5000x128xf32>
    %get3A_8 = vector.shape_cast %get3A_7 : vector<1x5000x128xf32> to vector<5000x128xf32>
    %add3A = arith.addf %get3A_3, %get3A_8 : vector<5000x128xf32>
    %add3A_9 = arith.constant 1.000000e+00 : f32
    %add3A_10 = vector.broadcast %add3A_9 : f32 to vector<5000x128xf32>
    %add3A_11 = arith.addf %add3A, %add3A_10 : vector<5000x128xf32>
    %rsqrt3A = math.rsqrt %add3A_11 : vector<5000x128xf32>
    %swap3A = arith.constant 0 : index
    %swap3A_12 = arith.constant 0 : index
    %swap3A_13 = vector.load %arg3[%swap3A, %swap3A_12] : memref<5000x128xf32, #tpu.memory_space<vmem>>, vector<5000x128xf32>
    tpu.vector_store %arg3[%swap3A, %swap3A_12], %rsqrt3A {strides = array<i32>} : memref<5000x128xf32, #tpu.memory_space<vmem>>, vector<5000x128xf32>,
    %get3A_14 = arith.constant 0 : index
    %get3A_15 = arith.constant 0 : index
    %get3A_16 = vector.load %arg0[%get3A_14, %get3A_15] : memref<5000x128xf32, #tpu.memory_space<vmem>>, vector<5000x128xf32>
    %mul3A = arith.mulf %get3A_16, %rsqrt3A : vector<5000x128xf32>
    %swap3A_17 = arith.constant 0 : index
    %swap3A_18 = arith.constant 0 : index
    %swap3A_19 = vector.load %arg2[%swap3A_17, %swap3A_18] : memref<5000x128xf32, #tpu.memory_space<vmem>>, vector<5000x128xf32>
    tpu.vector_store %arg2[%swap3A_17, %swap3A_18], %mul3A {strides = array<i32>} : memref<5000x128xf32, #tpu.memory_space<vmem>>, vector<5000x128xf32>,
    return
  }
}

module attributes {stable_mosaic.version = 14 : i64} {
  func.func @_tc_b(%arg0: memref<2x5120x128xf32, #tpu.memory_space<vmem>>, %arg1: memref<5000x128xf32, #tpu.memory_space<vmem>>, %arg2: memref<5000x128xf32, #tpu.memory_space<vmem>>, %arg3: memref<1x128xf32, #tpu.memory_space<vmem>>, %arg4: memref<1x128xf32, #tpu.memory_space<vmem>>, %arg5: memref<128x128xf32, #tpu.memory_space<vmem>>, %arg6: memref<5000x128xf32, #tpu.memory_space<vmem>>) attributes {dimension_semantics = [], scalar_prefetch = 0 : i64, scratch_operands = 0 : i64, tpu.core_type = #tpu.core_type<tc>} {
    %get3A = arith.constant 0 : index
    %get3A_0 = arith.constant 0 : index
    %get3A_1 = vector.load %arg2[%get3A, %get3A_0] : memref<5000x128xf32, #tpu.memory_space<vmem>>, vector<5000x128xf32>
    %get3A_2 = arith.constant 0 : index
    %get3A_3 = arith.constant 0 : index
    %get3A_4 = arith.constant 0 : index
    %get3A_5 = vector.load %arg0[%get3A_2, %get3A_3, %get3A_4] : memref<2x5120x128xf32, #tpu.memory_space<vmem>>, vector<1x5000x128xf32>
    %get3A_6 = vector.shape_cast %get3A_5 : vector<1x5000x128xf32> to vector<5000x128xf32>
    %get3A_7 = arith.constant 1 : index
    %get3A_8 = arith.constant 0 : index
    %get3A_9 = arith.constant 0 : index
    %get3A_10 = vector.load %arg0[%get3A_7, %get3A_8, %get3A_9] : memref<2x5120x128xf32, #tpu.memory_space<vmem>>, vector<1x5000x128xf32>
    %get3A_11 = vector.shape_cast %get3A_10 : vector<1x5000x128xf32> to vector<5000x128xf32>
    %add3A = arith.addf %get3A_6, %get3A_11 : vector<5000x128xf32>
    %get3A_12 = arith.constant 0 : index
    %get3A_13 = arith.constant 0 : index
    %get3A_14 = vector.load %arg1[%get3A_12, %get3A_13] : memref<5000x128xf32, #tpu.memory_space<vmem>>, vector<5000x128xf32>
    %add3A_15 = arith.addf %add3A, %get3A_14 : vector<5000x128xf32>
    %mul3A = arith.mulf %add3A_15, %get3A_1 : vector<5000x128xf32>
    %get3A_16 = arith.constant 0 : index
    %get3A_17 = arith.constant 0 : index
    %get3A_18 = vector.load %arg3[%get3A_16, %get3A_17] : memref<1x128xf32, #tpu.memory_space<vmem>>, vector<1x128xf32>
    %get3A_19 = arith.constant 0 : index
    %get3A_20 = arith.constant 0 : index
    %get3A_21 = vector.load %arg4[%get3A_19, %get3A_20] : memref<1x128xf32, #tpu.memory_space<vmem>>, vector<1x128xf32>
    %reduce_sum3A = arith.constant dense<0.000000e+00> : vector<128xf32>
    %reduce_sum3A_22 = vector.multi_reduction <add>, %mul3A, %reduce_sum3A [0] : vector<5000x128xf32> to vector<128xf32>
    %broadcast_in_dim3A = vector.shape_cast %reduce_sum3A_22 : vector<128xf32> to vector<1x128xf32>
    %div3A = arith.constant 5.000000e+03 : f32
    %div3A_23 = vector.broadcast %div3A : f32 to vector<1x128xf32>
    %div3A_24 = arith.divf %broadcast_in_dim3A, %div3A_23 : vector<1x128xf32>
    %mul3A_25 = arith.mulf %mul3A, %mul3A : vector<5000x128xf32>
    %reduce_sum3A_26 = arith.constant dense<0.000000e+00> : vector<128xf32>
    %reduce_sum3A_27 = vector.multi_reduction <add>, %mul3A_25, %reduce_sum3A_26 [0] : vector<5000x128xf32> to vector<128xf32>
    %broadcast_in_dim3A_28 = vector.shape_cast %reduce_sum3A_27 : vector<128xf32> to vector<1x128xf32>
    %div3A_29 = arith.constant 5.000000e+03 : f32
    %div3A_30 = vector.broadcast %div3A_29 : f32 to vector<1x128xf32>
    %div3A_31 = arith.divf %broadcast_in_dim3A_28, %div3A_30 : vector<1x128xf32>
    %slice3A = vector.extract_strided_slice %div3A_24 {offsets = [0, 0], sizes = [1, 64], strides = [1, 1]} : vector<1x128xf32> to vector<1x64xf32>
    %slice3A_32 = vector.extract_strided_slice %div3A_24 {offsets = [0, 64], sizes = [1, 64], strides = [1, 1]} : vector<1x128xf32> to vector<1x64xf32>
    %add3A_33 = arith.addf %slice3A, %slice3A_32 : vector<1x64xf32>
    %mul3A_34 = arith.constant 5.000000e-01 : f32
    %mul3A_35 = vector.broadcast %mul3A_34 : f32 to vector<1x64xf32>
    %mul3A_36 = arith.mulf %add3A_33, %mul3A_35 : vector<1x64xf32>
    %slice3A_37 = vector.extract_strided_slice %div3A_31 {offsets = [0, 0], sizes = [1, 64], strides = [1, 1]} : vector<1x128xf32> to vector<1x64xf32>
    %slice3A_38 = vector.extract_strided_slice %div3A_31 {offsets = [0, 64], sizes = [1, 64], strides = [1, 1]} : vector<1x128xf32> to vector<1x64xf32>
    %add3A_39 = arith.addf %slice3A_37, %slice3A_38 : vector<1x64xf32>
    %mul3A_40 = arith.constant 5.000000e-01 : f32
    %mul3A_41 = vector.broadcast %mul3A_40 : f32 to vector<1x64xf32>
    %mul3A_42 = arith.mulf %add3A_39, %mul3A_41 : vector<1x64xf32>
    %concatenate3A = tpu.concatenate %mul3A_36, %mul3A_36 in 1 : vector<1x64xf32>, vector<1x64xf32> -> vector<1x128xf32>
    %concatenate3A_43 = tpu.concatenate %mul3A_42, %mul3A_42 in 1 : vector<1x64xf32>, vector<1x64xf32> -> vector<1x128xf32>
    %mul3A_44 = arith.mulf %concatenate3A, %concatenate3A : vector<1x128xf32>
    %sub3A = arith.subf %concatenate3A_43, %mul3A_44 : vector<1x128xf32>
    %add3A_45 = arith.constant 9.99999974E-6 : f32
    %add3A_46 = vector.broadcast %add3A_45 : f32 to vector<1x128xf32>
    %add3A_47 = arith.addf %sub3A, %add3A_46 : vector<1x128xf32>
    %rsqrt3A = math.rsqrt %add3A_47 : vector<1x128xf32>
    %mul3A_48 = arith.mulf %rsqrt3A, %get3A_18 : vector<1x128xf32>
    %mul3A_49 = vector.broadcast %mul3A_48 : vector<1x128xf32> to vector<5000x128xf32>
    %mul3A_50 = arith.mulf %mul3A, %mul3A_49 : vector<5000x128xf32>
    %mul3A_51 = arith.mulf %concatenate3A, %mul3A_48 : vector<1x128xf32>
    %sub3A_52 = arith.subf %get3A_21, %mul3A_51 : vector<1x128xf32>
    %add3A_53 = vector.broadcast %sub3A_52 : vector<1x128xf32> to vector<5000x128xf32>
    %add3A_54 = arith.addf %mul3A_50, %add3A_53 : vector<5000x128xf32>
    %max3A = arith.constant 0.000000e+00 : f32
    %max3A_55 = vector.broadcast %max3A : f32 to vector<5000x128xf32>
    %max3A_56 = arith.maximumf %add3A_54, %max3A_55 : vector<5000x128xf32>
    %get3A_57 = arith.constant 0 : index
    %get3A_58 = arith.constant 0 : index
    %get3A_59 = vector.load %arg5[%get3A_57, %get3A_58] : memref<128x128xf32, #tpu.memory_space<vmem>>, vector<128x128xf32>
    %dot_general3A = arith.constant dense<0.000000e+00> : vector<5000x128xf32>
    %dot_general3A_60 = tpu.matmul %max3A_56, %get3A_59, %dot_general3A {dimension_numbers = #tpu.dot_dimension_numbers<[1], [0], [0], [1], [0, 0, 1, 1], [], []>, transpose_lhs_hint = false} : vector<5000x128xf32>, vector<128x128xf32>, vector<5000x128xf32> -> vector<5000x128xf32>
    %mul3A_61 = arith.mulf %dot_general3A_60, %get3A_1 : vector<5000x128xf32>
    %swap3A = arith.constant 0 : index
    %swap3A_62 = arith.constant 0 : index
    %swap3A_63 = vector.load %arg6[%swap3A, %swap3A_62] : memref<5000x128xf32, #tpu.memory_space<vmem>>, vector<5000x128xf32>
    tpu.vector_store %arg6[%swap3A, %swap3A_62], %mul3A_61 {strides = array<i32>} : memref<5000x128xf32, #tpu.memory_space<vmem>>, vector<5000x128xf32>,
    return
  }
}

module attributes {stable_mosaic.version = 14 : i64} {
  func.func @_tc_c(%arg0: memref<2x5120x128xf32, #tpu.memory_space<vmem>>, %arg1: memref<5000x128xf32, #tpu.memory_space<vmem>>, %arg2: memref<5000x128xf32, #tpu.memory_space<vmem>>, %arg3: memref<1x128xf32, #tpu.memory_space<vmem>>, %arg4: memref<1x128xf32, #tpu.memory_space<vmem>>, %arg5: memref<128x128xf32, #tpu.memory_space<vmem>>, %arg6: memref<1x128xf32, #tpu.memory_space<vmem>>, %arg7: memref<1x128xf32, #tpu.memory_space<vmem>>, %arg8: memref<128x128xf32, #tpu.memory_space<vmem>>, %arg9: memref<1x128xf32, #tpu.memory_space<vmem>>, %arg10: memref<128x128xf32, #tpu.memory_space<vmem>>, %arg11: memref<5000x128xf32, #tpu.memory_space<vmem>>) attributes {dimension_semantics = [], scalar_prefetch = 0 : i64, scratch_operands = 0 : i64, tpu.core_type = #tpu.core_type<tc>} {
    %get3A = arith.constant 0 : index
    %get3A_0 = arith.constant 0 : index
    %get3A_1 = vector.load %arg2[%get3A, %get3A_0] : memref<5000x128xf32, #tpu.memory_space<vmem>>, vector<5000x128xf32>
    %get3A_2 = arith.constant 0 : index
    %get3A_3 = arith.constant 0 : index
    %get3A_4 = arith.constant 0 : index
    %get3A_5 = vector.load %arg0[%get3A_2, %get3A_3, %get3A_4] : memref<2x5120x128xf32, #tpu.memory_space<vmem>>, vector<1x5000x128xf32>
    %get3A_6 = vector.shape_cast %get3A_5 : vector<1x5000x128xf32> to vector<5000x128xf32>
    %get3A_7 = arith.constant 1 : index
    %get3A_8 = arith.constant 0 : index
    %get3A_9 = arith.constant 0 : index
    %get3A_10 = vector.load %arg0[%get3A_7, %get3A_8, %get3A_9] : memref<2x5120x128xf32, #tpu.memory_space<vmem>>, vector<1x5000x128xf32>
    %get3A_11 = vector.shape_cast %get3A_10 : vector<1x5000x128xf32> to vector<5000x128xf32>
    %add3A = arith.addf %get3A_6, %get3A_11 : vector<5000x128xf32>
    %get3A_12 = arith.constant 0 : index
    %get3A_13 = arith.constant 0 : index
    %get3A_14 = vector.load %arg1[%get3A_12, %get3A_13] : memref<5000x128xf32, #tpu.memory_space<vmem>>, vector<5000x128xf32>
    %add3A_15 = arith.addf %add3A, %get3A_14 : vector<5000x128xf32>
    %mul3A = arith.mulf %add3A_15, %get3A_1 : vector<5000x128xf32>
    %get3A_16 = arith.constant 0 : index
    %get3A_17 = arith.constant 0 : index
    %get3A_18 = vector.load %arg3[%get3A_16, %get3A_17] : memref<1x128xf32, #tpu.memory_space<vmem>>, vector<1x128xf32>
    %get3A_19 = arith.constant 0 : index
    %get3A_20 = arith.constant 0 : index
    %get3A_21 = vector.load %arg4[%get3A_19, %get3A_20] : memref<1x128xf32, #tpu.memory_space<vmem>>, vector<1x128xf32>
    %reduce_sum3A = arith.constant dense<0.000000e+00> : vector<128xf32>
    %reduce_sum3A_22 = vector.multi_reduction <add>, %mul3A, %reduce_sum3A [0] : vector<5000x128xf32> to vector<128xf32>
    %broadcast_in_dim3A = vector.shape_cast %reduce_sum3A_22 : vector<128xf32> to vector<1x128xf32>
    %div3A = arith.constant 5.000000e+03 : f32
    %div3A_23 = vector.broadcast %div3A : f32 to vector<1x128xf32>
    %div3A_24 = arith.divf %broadcast_in_dim3A, %div3A_23 : vector<1x128xf32>
    %mul3A_25 = arith.mulf %mul3A, %mul3A : vector<5000x128xf32>
    %reduce_sum3A_26 = arith.constant dense<0.000000e+00> : vector<128xf32>
    %reduce_sum3A_27 = vector.multi_reduction <add>, %mul3A_25, %reduce_sum3A_26 [0] : vector<5000x128xf32> to vector<128xf32>
    %broadcast_in_dim3A_28 = vector.shape_cast %reduce_sum3A_27 : vector<128xf32> to vector<1x128xf32>
    %div3A_29 = arith.constant 5.000000e+03 : f32
    %div3A_30 = vector.broadcast %div3A_29 : f32 to vector<1x128xf32>
    %div3A_31 = arith.divf %broadcast_in_dim3A_28, %div3A_30 : vector<1x128xf32>
    %slice3A = vector.extract_strided_slice %div3A_24 {offsets = [0, 0], sizes = [1, 64], strides = [1, 1]} : vector<1x128xf32> to vector<1x64xf32>
    %slice3A_32 = vector.extract_strided_slice %div3A_24 {offsets = [0, 64], sizes = [1, 64], strides = [1, 1]} : vector<1x128xf32> to vector<1x64xf32>
    %add3A_33 = arith.addf %slice3A, %slice3A_32 : vector<1x64xf32>
    %mul3A_34 = arith.constant 5.000000e-01 : f32
    %mul3A_35 = vector.broadcast %mul3A_34 : f32 to vector<1x64xf32>
    %mul3A_36 = arith.mulf %add3A_33, %mul3A_35 : vector<1x64xf32>
    %slice3A_37 = vector.extract_strided_slice %div3A_31 {offsets = [0, 0], sizes = [1, 64], strides = [1, 1]} : vector<1x128xf32> to vector<1x64xf32>
    %slice3A_38 = vector.extract_strided_slice %div3A_31 {offsets = [0, 64], sizes = [1, 64], strides = [1, 1]} : vector<1x128xf32> to vector<1x64xf32>
    %add3A_39 = arith.addf %slice3A_37, %slice3A_38 : vector<1x64xf32>
    %mul3A_40 = arith.constant 5.000000e-01 : f32
    %mul3A_41 = vector.broadcast %mul3A_40 : f32 to vector<1x64xf32>
    %mul3A_42 = arith.mulf %add3A_39, %mul3A_41 : vector<1x64xf32>
    %concatenate3A = tpu.concatenate %mul3A_36, %mul3A_36 in 1 : vector<1x64xf32>, vector<1x64xf32> -> vector<1x128xf32>
    %concatenate3A_43 = tpu.concatenate %mul3A_42, %mul3A_42 in 1 : vector<1x64xf32>, vector<1x64xf32> -> vector<1x128xf32>
    %mul3A_44 = arith.mulf %concatenate3A, %concatenate3A : vector<1x128xf32>
    %sub3A = arith.subf %concatenate3A_43, %mul3A_44 : vector<1x128xf32>
    %add3A_45 = arith.constant 9.99999974E-6 : f32
    %add3A_46 = vector.broadcast %add3A_45 : f32 to vector<1x128xf32>
    %add3A_47 = arith.addf %sub3A, %add3A_46 : vector<1x128xf32>
    %rsqrt3A = math.rsqrt %add3A_47 : vector<1x128xf32>
    %mul3A_48 = arith.mulf %rsqrt3A, %get3A_18 : vector<1x128xf32>
    %mul3A_49 = vector.broadcast %mul3A_48 : vector<1x128xf32> to vector<5000x128xf32>
    %mul3A_50 = arith.mulf %mul3A, %mul3A_49 : vector<5000x128xf32>
    %mul3A_51 = arith.mulf %concatenate3A, %mul3A_48 : vector<1x128xf32>
    %sub3A_52 = arith.subf %get3A_21, %mul3A_51 : vector<1x128xf32>
    %add3A_53 = vector.broadcast %sub3A_52 : vector<1x128xf32> to vector<5000x128xf32>
    %add3A_54 = arith.addf %mul3A_50, %add3A_53 : vector<5000x128xf32>
    %max3A = arith.constant 0.000000e+00 : f32
    %max3A_55 = vector.broadcast %max3A : f32 to vector<5000x128xf32>
    %max3A_56 = arith.maximumf %add3A_54, %max3A_55 : vector<5000x128xf32>
    %get3A_57 = arith.constant 0 : index
    %get3A_58 = arith.constant 0 : index
    %get3A_59 = vector.load %arg5[%get3A_57, %get3A_58] : memref<128x128xf32, #tpu.memory_space<vmem>>, vector<128x128xf32>
    %dot_general3A = arith.constant dense<0.000000e+00> : vector<5000x128xf32>
    %dot_general3A_60 = tpu.matmul %max3A_56, %get3A_59, %dot_general3A {dimension_numbers = #tpu.dot_dimension_numbers<[1], [0], [0], [1], [0, 0, 1, 1], [], []>, transpose_lhs_hint = false} : vector<5000x128xf32>, vector<128x128xf32>, vector<5000x128xf32> -> vector<5000x128xf32>
    %get3A_61 = arith.constant 0 : index
    %get3A_62 = arith.constant 0 : index
    %get3A_63 = vector.load %arg6[%get3A_61, %get3A_62] : memref<1x128xf32, #tpu.memory_space<vmem>>, vector<1x128xf32>
    %get3A_64 = arith.constant 0 : index
    %get3A_65 = arith.constant 0 : index
    %get3A_66 = vector.load %arg7[%get3A_64, %get3A_65] : memref<1x128xf32, #tpu.memory_space<vmem>>, vector<1x128xf32>
    %reduce_sum3A_67 = arith.constant dense<0.000000e+00> : vector<128xf32>
    %reduce_sum3A_68 = vector.multi_reduction <add>, %dot_general3A_60, %reduce_sum3A_67 [0] : vector<5000x128xf32> to vector<128xf32>
    %broadcast_in_dim3A_69 = vector.shape_cast %reduce_sum3A_68 : vector<128xf32> to vector<1x128xf32>
    %div3A_70 = arith.constant 5.000000e+03 : f32
    %div3A_71 = vector.broadcast %div3A_70 : f32 to vector<1x128xf32>
    %div3A_72 = arith.divf %broadcast_in_dim3A_69, %div3A_71 : vector<1x128xf32>
    %mul3A_73 = arith.mulf %dot_general3A_60, %dot_general3A_60 : vector<5000x128xf32>
    %reduce_sum3A_74 = arith.constant dense<0.000000e+00> : vector<128xf32>
    %reduce_sum3A_75 = vector.multi_reduction <add>, %mul3A_73, %reduce_sum3A_74 [0] : vector<5000x128xf32> to vector<128xf32>
    %broadcast_in_dim3A_76 = vector.shape_cast %reduce_sum3A_75 : vector<128xf32> to vector<1x128xf32>
    %div3A_77 = arith.constant 5.000000e+03 : f32
    %div3A_78 = vector.broadcast %div3A_77 : f32 to vector<1x128xf32>
    %div3A_79 = arith.divf %broadcast_in_dim3A_76, %div3A_78 : vector<1x128xf32>
    %slice3A_80 = vector.extract_strided_slice %div3A_72 {offsets = [0, 0], sizes = [1, 64], strides = [1, 1]} : vector<1x128xf32> to vector<1x64xf32>
    %slice3A_81 = vector.extract_strided_slice %div3A_72 {offsets = [0, 64], sizes = [1, 64], strides = [1, 1]} : vector<1x128xf32> to vector<1x64xf32>
    %add3A_82 = arith.addf %slice3A_80, %slice3A_81 : vector<1x64xf32>
    %mul3A_83 = arith.constant 5.000000e-01 : f32
    %mul3A_84 = vector.broadcast %mul3A_83 : f32 to vector<1x64xf32>
    %mul3A_85 = arith.mulf %add3A_82, %mul3A_84 : vector<1x64xf32>
    %slice3A_86 = vector.extract_strided_slice %div3A_79 {offsets = [0, 0], sizes = [1, 64], strides = [1, 1]} : vector<1x128xf32> to vector<1x64xf32>
    %slice3A_87 = vector.extract_strided_slice %div3A_79 {offsets = [0, 64], sizes = [1, 64], strides = [1, 1]} : vector<1x128xf32> to vector<1x64xf32>
    %add3A_88 = arith.addf %slice3A_86, %slice3A_87 : vector<1x64xf32>
    %mul3A_89 = arith.constant 5.000000e-01 : f32
    %mul3A_90 = vector.broadcast %mul3A_89 : f32 to vector<1x64xf32>
    %mul3A_91 = arith.mulf %add3A_88, %mul3A_90 : vector<1x64xf32>
    %concatenate3A_92 = tpu.concatenate %mul3A_85, %mul3A_85 in 1 : vector<1x64xf32>, vector<1x64xf32> -> vector<1x128xf32>
    %concatenate3A_93 = tpu.concatenate %mul3A_91, %mul3A_91 in 1 : vector<1x64xf32>, vector<1x64xf32> -> vector<1x128xf32>
    %mul3A_94 = arith.mulf %concatenate3A_92, %concatenate3A_92 : vector<1x128xf32>
    %sub3A_95 = arith.subf %concatenate3A_93, %mul3A_94 : vector<1x128xf32>
    %add3A_96 = arith.constant 9.99999974E-6 : f32
    %add3A_97 = vector.broadcast %add3A_96 : f32 to vector<1x128xf32>
    %add3A_98 = arith.addf %sub3A_95, %add3A_97 : vector<1x128xf32>
    %rsqrt3A_99 = math.rsqrt %add3A_98 : vector<1x128xf32>
    %mul3A_100 = arith.mulf %rsqrt3A_99, %get3A_63 : vector<1x128xf32>
    %mul3A_101 = vector.broadcast %mul3A_100 : vector<1x128xf32> to vector<5000x128xf32>
    %mul3A_102 = arith.mulf %dot_general3A_60, %mul3A_101 : vector<5000x128xf32>
    %mul3A_103 = arith.mulf %concatenate3A_92, %mul3A_100 : vector<1x128xf32>
    %sub3A_104 = arith.subf %get3A_66, %mul3A_103 : vector<1x128xf32>
    %add3A_105 = vector.broadcast %sub3A_104 : vector<1x128xf32> to vector<5000x128xf32>
    %add3A_106 = arith.addf %mul3A_102, %add3A_105 : vector<5000x128xf32>
    %max3A_107 = arith.constant 0.000000e+00 : f32
    %max3A_108 = vector.broadcast %max3A_107 : f32 to vector<5000x128xf32>
    %max3A_109 = arith.maximumf %add3A_106, %max3A_108 : vector<5000x128xf32>
    %get3A_110 = arith.constant 0 : index
    %get3A_111 = arith.constant 0 : index
    %get3A_112 = vector.load %arg8[%get3A_110, %get3A_111] : memref<128x128xf32, #tpu.memory_space<vmem>>, vector<128x128xf32>
    %dot_general3A_113 = arith.constant dense<0.000000e+00> : vector<5000x128xf32>
    %dot_general3A_114 = tpu.matmul %max3A_109, %get3A_112, %dot_general3A_113 {dimension_numbers = #tpu.dot_dimension_numbers<[1], [0], [0], [1], [0, 0, 1, 1], [], []>, transpose_lhs_hint = false} : vector<5000x128xf32>, vector<128x128xf32>, vector<5000x128xf32> -> vector<5000x128xf32>
    %get3A_115 = arith.constant 0 : index
    %get3A_116 = arith.constant 0 : index
    %get3A_117 = vector.load %arg9[%get3A_115, %get3A_116] : memref<1x128xf32, #tpu.memory_space<vmem>>, vector<1x128xf32>
    %add3A_118 = vector.broadcast %get3A_117 : vector<1x128xf32> to vector<5000x128xf32>
    %add3A_119 = arith.addf %dot_general3A_114, %add3A_118 : vector<5000x128xf32>
    %mul3A_120 = arith.mulf %add3A_119, %add3A_119 : vector<5000x128xf32>
    %get3A_121 = arith.constant 0 : index
    %get3A_122 = arith.constant 0 : index
    %get3A_123 = vector.load %arg10[%get3A_121, %get3A_122] : memref<128x128xf32, #tpu.memory_space<vmem>>, vector<128x128xf32>
    %dot_general3A_124 = arith.constant dense<0.000000e+00> : vector<5000x128xf32>
    %dot_general3A_125 = tpu.matmul %mul3A_120, %get3A_123, %dot_general3A_124 {dimension_numbers = #tpu.dot_dimension_numbers<[1], [0], [0], [1], [0, 0, 1, 1], [], []>, transpose_lhs_hint = false} : vector<5000x128xf32>, vector<128x128xf32>, vector<5000x128xf32> -> vector<5000x128xf32>
    %max3A_126 = arith.constant 1.000000e-24 : f32
    %max3A_127 = vector.broadcast %max3A_126 : f32 to vector<5000x128xf32>
    %max3A_128 = arith.maximumf %dot_general3A_125, %max3A_127 : vector<5000x128xf32>
    %rsqrt3A_129 = math.rsqrt %max3A_128 : vector<5000x128xf32>
    %mul3A_130 = arith.mulf %add3A_119, %rsqrt3A_129 : vector<5000x128xf32>
    %swap3A = arith.constant 0 : index
    %swap3A_131 = arith.constant 0 : index
    %swap3A_132 = vector.load %arg11[%swap3A, %swap3A_131] : memref<5000x128xf32, #tpu.memory_space<vmem>>, vector<5000x128xf32>
    tpu.vector_store %arg11[%swap3A, %swap3A_131], %mul3A_130 {strides = array<i32>} : memref<5000x128xf32, #tpu.memory_space<vmem>>, vector<5000x128xf32>,
    return
  }
}

</mosaic_0001>

<sc_bundles>
// kernel: kernel.12.cloned.1.call-start
scs
__scs_entry_jumppad:
0x0: {  	(pc) =	sbr.rel $0x88, $3  }
0x1: {  	(tag) =	ssettag $0x0;
	lr =	simm.s32 $0x1  }
0x2: {  	[smem:$0x3F94] =	sst lr;
	_ =	strace $0xD0000000  }
0x3: {  	_ = 	snop  }
0x4: {  	_ = 	snop  }
0x5: {  	_ = 	snop  }
0x6: {  	_ = 	snop  }
0x7: {  	_ = 	snop  }
__scs_overlays_trampoline_lowered:
0x8: {  	[smem:$0x3FA3] =	sst s0  }
0x9: {  	[smem:$0x3FA4] =	sst s1  }
0xa: {  	[smem:$0x3FA5] =	sst s2  }
0xb: {  	[smem:$0x3FA6] =	sst s3  }
0xc: {  	[smem:$0x3FA7] =	sst s4  }
0xd: {  	[smem:$0x3FA8] =	sst s5  }
0xe: {  	[smem:$0x3FA9] =	sst s6  }
0xf: {  	[smem:$0x3FAA] =	sst s7  }
0x10: {  	[smem:$0x3FAB] =	sst s8  }
0x11: {  	[smem:$0x3FAC] =	sst s9;
	s0 =	simm.s32 @!p0 $0x0  }
0x12: {  	s1 =	sld [smem:$0x3F92];
	s0 =	simm.s32 @p0 $0x1  }
0x13: {  	[smem:$0x3FAD] =	sst s0;
	s0 =	simm.s32 @!p1 $0x0  }
0x14: {  	s2 =	sld [smem:$0x3F91];
	s0 =	simm.s32 @p1 $0x1  }
0x15: {  	[smem:$0x3FAE] =	sst s0;
	s0 =	simm.s32 @!p2 $0x0  }
0x16: {  	s3 =	sld [smem:$0x3FDB];
	s0 =	simm.s32 @p2 $0x1  }
0x17: {  	s4 =	simm.s32 $0x1BF5;
	[smem:$0x3FB0] =	sst s0  }
0x18: {  	s0 =	sld [smem:$0x3F93];
	_ =	swait.ge [sflag:s4], $0x0  }
0x19: {  	s7 =	sld [smem:$0x3F94]  }
0x1a: {  	s8 =	sadd.s32 $0xFFFFE003, lr  }
0x1b: {  	s9 =	sadd.s32 $0xFFFFFEF7, lr;
	s5 =	simm.s32 $0xFFFFFFFF;
	p2 =	slt.u32 s8, $0xFFFFF086  }
0x1c: {  	p1 =	slt.u32 s9, $0xF7A;
	s5 =	simm.s32 @!p2 $0x0  }
0x1d: {  	s5 =	simm.s32 @p1 $0x1;
	p0 =	seq.s32 s7, s2  }
0x1e: {  	s7 =	smul.u32 @!p0 $0xF7A, s2;
	p2 =	seq.s32 @!p0 s5, $0x0  }
0x1f: {  	s9 =	smul.u32 $0xF7A, s1;
	s8 =	simm.s32 @!p0 $0x1BF5;
	p2 =	por !p2, p0  }
0x20: {  	[sflag:s8] =	ssyncset.s32 @!p0 $0xFFFFF086;
	s6 =	sadd.s32 @!p0 s3, s7;
	s7 =	simm.s32 @!p0 $0x108  }
0x21: {  	s3 =	sadd.s32 s3, s9;
	s6 =	sadd.s32 @!p0 $0x88, s6;
	s7 =	simm.s32 @p2 $0x1082  }
0x22: {  	[simem:s7], [sflag:s8] =	dma.local @!p0 [hbm:s6], $0xF7A  }
0x23: {  	s9 =	sor.u32 $0xD0000000, s2;
	s6 =	simm.s32 $0x108;
	_ =	swait.ge @!p0 [sflag:s8], $0x0  }
0x24: {  	s3 =	sadd.s32 $0x88, s3;
	s6 =	simm.s32 @!p1 $0x1082;
	[sflag:s4] =	ssyncset.s32 $0xFFFFF086  }
0x25: {  	[simem:s6], [sflag:s4] =	dma.local [hbm:s3], $0xF7A  }
0x26: {  	[smem:$0x3F94] =	sst s1;
	(tag) =	ssettag s2;
	_ =	strace s9  }
0x27: {  	s1 =	sld [smem:$0x3FA4]  }
0x28: {  	s2 =	sld [smem:$0x3FA5]  }
0x29: {  	s4 =	sld [smem:$0x3FA7]  }
0x2a: {  	p0 =	seq.s32 s5, $0x0;
	s5 =	sld [smem:$0x3FA8]  }
0x2b: {  	s6 =	sld [smem:$0x3FA9]  }
0x2c: {  	s7 =	sld [smem:$0x3FAA]  }
0x2d: {  	s3 =	simm.s32 $0x108;
	s8 =	sld [smem:$0x3FAB]  }
0x2e: {  	s3 =	simm.s32 @!p0 $0x1082;
	s9 =	sld [smem:$0x3FAC]  }
0x2f: {  	lr =	sadd.s32 s0, s3;
	s0 =	sld [smem:$0x3FA3]  }
0x30: {  	s3 =	sld [smem:$0x3FA6]  }
0x31: {  	[smem:$0x3FAF] =	sst s10  }
0x32: {  	s10 =	sld [smem:$0x3FAD];
	_ =	sdelay $0x3  }
0x33: {  	p0 =	seq.s32 s10, $0x1;
	s10 =	sld [smem:$0x3FAF];
	_ =	sdelay $0x3  }
0x34: {  	[smem:$0x3FAF] =	sst s10  }
0x35: {  	s10 =	sld [smem:$0x3FAE];
	_ =	sdelay $0x3  }
0x36: {  	p1 =	seq.s32 s10, $0x1;
	s10 =	sld [smem:$0x3FAF];
	_ =	sdelay $0x3  }
0x37: {  	[smem:$0x3FAF] =	sst s10  }
0x38: {  	s10 =	sld [smem:$0x3FB0]  }
0x39: {  	_ = 	snop;
	(pc) =	sbr.ind lr, $3  }
0x3a: {  	_ = 	snop  }
0x3b: {  	_ = 	snop  }
0x3c: {  	p2 =	seq.s32 s10, $0x1;
	s10 =	sld [smem:$0x3FAF]  }
0x3d: {  	_ =	shalt  }
0x3e: {  	_ =	shalt  }
0x3f: {  	_ =	shalt  }
0x40: {  	_ =	shalt  }
0x41: {  	_ =	shalt  }
0x42: {  	_ =	shalt  }
0x43: {  	_ =	shalt  }
0x44: {  	_ =	shalt  }
0x45: {  	_ =	shalt  }
0x46: {  	_ =	shalt  }
0x47: {  	_ =	shalt  }
0x48: {  	_ =	shalt  }
0x49: {  	_ =	shalt  }
0x4a: {  	_ =	shalt  }
0x4b: {  	_ =	shalt  }
0x4c: {  	_ =	shalt  }
0x4d: {  	_ =	shalt  }
0x4e: {  	_ =	shalt  }
0x4f: {  	_ =	shalt  }
0x50: {  	_ =	shalt  }
0x51: {  	_ =	shalt  }
0x52: {  	_ =	shalt  }
0x53: {  	_ =	shalt  }
0x54: {  	_ =	shalt  }
0x55: {  	_ =	shalt  }
0x56: {  	_ =	shalt  }
0x57: {  	_ =	shalt  }
0x58: {  	_ =	shalt  }
0x59: {  	_ =	shalt  }
0x5a: {  	_ =	shalt  }
0x5b: {  	_ =	shalt  }
0x5c: {  	_ =	shalt  }
0x5d: {  	_ =	shalt  }
0x5e: {  	_ =	shalt  }
0x5f: {  	_ =	shalt  }
0x60: {  	_ =	shalt  }
0x61: {  	_ =	shalt  }
0x62: {  	_ =	shalt  }
0x63: {  	_ =	shalt  }
0x64: {  	_ =	shalt  }
0x65: {  	_ =	shalt  }
0x66: {  	_ =	shalt  }
0x67: {  	_ =	shalt  }
0x68: {  	_ =	shalt  }
0x69: {  	_ =	shalt  }
0x6a: {  	_ =	shalt  }
0x6b: {  	_ =	shalt  }
0x6c: {  	_ =	shalt  }
0x6d: {  	_ =	shalt  }
0x6e: {  	_ =	shalt  }
0x6f: {  	_ =	shalt  }
0x70: {  	_ =	shalt  }
0x71: {  	_ =	shalt  }
0x72: {  	_ =	shalt  }
0x73: {  	_ =	shalt  }
0x74: {  	_ =	shalt  }
0x75: {  	_ =	shalt  }
0x76: {  	_ =	shalt  }
0x77: {  	_ =	shalt  }
0x78: {  	_ =	shalt  }
0x79: {  	_ =	shalt  }
0x7a: {  	_ =	shalt  }
0x7b: {  	_ =	shalt  }
0x7c: {  	_ =	shalt  }
0x7d: {  	_ =	shalt  }
0x7e: {  	_ =	shalt  }
0x7f: {  	_ =	shalt  }
0x80: {  	_ =	shalt  }
0x81: {  	_ =	shalt  }
0x82: {  	_ =	shalt  }
0x83: {  	_ =	shalt  }
0x84: {  	_ =	shalt  }
0x85: {  	_ =	shalt  }
0x86: {  	_ =	shalt  }
0x87: {  	_ =	shalt  }
.Lfunc_end0:
.L_simem_size_0:
called_computation.1_lowered:
.L_overlay_start_0:
0x88: {  	s2 =	sld [smem:$0x3FD9]  }
0x89: {  	s3 =	sld [smem:$0x3FFE];
	_ =	sdelay $0x1  }
0x8a: {  	s1 =	srdreg.scid  }
0x8b: {  	s0 =	sand.u32 $0x1, s1  }
0x8c: {  	s17 =	sshll.u32 s0, $0xA;
	s2 =	sadd.s32 s3, s2  }
0x8d: {  	s2 =	sadd.s32 s2, s17  }
0x8e: {  	[smem:$0x3FBB] =	sst s2  }
0x8f: {  	_ = 	snop  }
0x90: {  	s2 =	sld [smem:$0x3FD0];
	(tm) =	ssettm $0x1  }
0x91: {  	s18 =	sld [smem:$0x3FFB];
	_ =	sdelay $0x3  }
0x92: {  	_ =	strace s18  }
0x93: {  	s3 =	sld [smem:$0x3FFC];
	_ =	sdelay $0x3  }
0x94: {  	_ =	strace s3  }
0x95: {  	s3 =	sld [smem:$0x3FFD];
	_ =	sdelay $0x3  }
0x96: {  	_ =	strace s3  }
0x97: {  	_ =	strace $0x8FFFFFFF  }
0x98: {  	s19 =	sld [smem:$0x3FDB];
	_ =	sdelay $0x1  }
0x99: {  	s4 =	simm.s32 $_scs_section_size  }
0x9a: {  	s5 =	simm.s32 $_size__tile_overlayer_lowered;
	s6 =	simm.s32 $_tile_overlayer_lowered  }
0x9b: {  	s22 =	simm.s32 $0x1BFF;
	s21 =	sshll.u32 s6, $0x1;
	s3 =	sadd.s32 s4, s19  }
0x9c: {  	s7 =	simm.s32 $0x0;
	s20 =	sshll.u32 s5, $0x1;
	s5 =	sadd.s32 s21, s3  }
0x9d: {  	[timem:s7], [sflag:s22] =	dma.local [hbm:s5], s20  }
0x9e: {  	_ =	swait.ge [sflag:s22], s20  }
0x9f: {  	s4 =	ssub.s32 $0x0, s20;
	[sflag:s22] =	ssyncset.done $0x0  }
0xa0: {  	[sflag:s22] =	ssyncadd.s32 s4;
	_ =	sdelay $0x1  }
0xa1: {  	s23 =	simm.s32 $0x1B8B  }
0xa2: {  	_ =	swait.ge [sflag:s23], $0x1  }
0xa3: {  	[sflag:s23] =	ssyncset.done $0x0  }
0xa4: {  	s25 =	simm.s32 $0x1B8E;
	s24 =	sld [smem:$0x3FFE];
	[sflag:s23] =	ssyncadd.s32 $0xFFFFFFFF  }
0xa5: {  	s26 =	simm.s32 $execute0_lowered;
	[smem:$0x3FD2] =	sst s25  }
0xa6: {  	s5 =	sshll.u32 s26, $0x1;
	_ =	strace $0x80000049;
	[dreg:$0x1] =	wrdreg $0xFFFFFFFF  }
0xa7: {  	s28 =	simm.s32 $_size_execute0_lowered;
	s3 =	sadd.s32 s3, s5;
	[dreg:$0x0] =	wrdreg $0x0  }
0xa8: {  	s5 =	sshll.u32 s28, $0x1;
	[dreg:$0x2] =	wrdreg s3  }
0xa9: {  	[dreg:$0x3] =	wrdreg s5  }
0xaa: {  	[dreg:$0x4] =	wrdreg $0xC0  }
0xab: {  	_ =	task [dreg:s7], $0x5FFFF  }
0xac: {  	[dreg:$0x1] =	wrdreg $0xFFFFFFFF  }
0xad: {  	[dreg:$0x0] =	wrdreg $0x60  }
0xae: {  	[dreg:$0x2] =	wrdreg s2  }
0xaf: {  	[dreg:$0x3] =	wrdreg s24  }
0xb0: {  	[dreg:$0x4] =	wrdreg $0x15A000  }
0xb1: {  	[dreg:$0x5] =	wrdreg $0x9  }
0xb2: {  	_ =	task.clear_ibuf [dreg:s7], $0x6FFFF;
	_ =	strace $0x90000049  }
0xb3: {  	s29 =	simm.s32 $0x9;
	_ =	strace $0x8000004B  }
0xb4: {  	_ =	swait.ge [sflag:s29], $0x1  }
0xb5: {  	[sflag:s29] =	ssyncadd.s32 $0xFFFFFFFF  }
0xb6: {  	_ =	strace $0x9000004B  }
0xb7: {  	_ =	sfence  }
0xb8: {  	s30 =	sld [smem:$0x0];
	_ =	sdelay $0x2  }
0xb9: {  	s31 =	sshll.u32 s1, $0xD;
	s1 =	sshrl.u32 s1, $0x2  }
0xba: {  	s3 =	sand.u32 $0x4000, s31;
	s1 =	sadd.s32 s1, s30  }
0xbb: {  	s0 =	sor.u32 s3, s0;
	s1 =	sshll.u32 s1, $0x11  }
0xbc: {  	s0 =	sor.u32 s1, s0  }
0xbd: {  	s0 =	sadd.s32 $0x8F2B, s0  }
0xbe: {  	[sflag:s0] =	ssyncadd.remote.s32 $0x1  }
0xbf: {  	_ =	sfence.sel $0xFFFF  }
0xc0: {  	[dreg:$0x0] =	wrdreg $0xFFFFFFFF;
	(pc) =	sbr.abs _section_cstart, $3  }
0xc1: {  	[dreg:$0x1] =	wrdreg $0xFFFFFFFF  }
0xc2: {  	_ =	task.clear_ibuf [dreg:s7], $0x2FFFF;
	_ =	strace $0x9FFFFFFF  }
0xc3: {  	(tm) =	ssettm $0x7FFFFFFF  }
tec
execute0_lowered:
.L_overlay_start_1:
0x0: {  	(tag) =	ssettag $0x1  }
0x1: {  	s0 =	srdreg.scid;
	s1 =	rddreg [dreg:$0x0]  }
0x2: {  	s9 =	stileid.u32;
	s5 =	rddreg [dreg:$0x1]  }
0x3: {  	s3 =	rddreg [dreg:$0x2];
	s4 =	simm.s32 $0x0;
	s0 =	sand.u32 $0x1, s0  }
0x4: {  	s2 =	sshll.u32 s9, $0x1;
	[smem:$0x7FF] =	sst s4;
	s7 =	sadd.s32 $0x18400, s5  }
0x5: {  	s2 =	sor.u32 s0, s2;
	_ =	strace $0x8000004A;
	s6 =	smul.u32 $0xA0000, s0  }
0x6: {  	[dreg:$0x4] =	wrdreg s7;
	s0 =	ssub.s32 $0x2, s0;
	s7 =	smul.u32 $0xA000, s9  }
0x7: {  	s30 =	simm.s32 $0x9;
	s9 =	smul.u32 $0x28000, s9;
	s8 =	sshrl.u32 s0, $0x1  }
0x8: {  	s31 =	simm.s32 $0x5000;
	s2 =	smul.u32 $0x2800, s2;
	s0 =	ssub.s32 s0, s8  }
0x9: {  	s22 =	sadd.s32 s6, s7;
	s23 =	sshrl.u32 s9, $0x2;
	s26 =	sadd.s32 $0x2000, s7  }
0xa: {  	s18 =	sadd.s32 $0x4000, s7;
	s19 =	sadd.s32 $0x6000, s7;
	s10 =	sadd.s32 $0x8000, s7  }
0xb: {  	s9 =	simm.s32 $0x12AC0;
	s2 =	sshrl.u32 s2, $0x3;
	s24 =	sshrl.u32 s22, $0x3  }
0xc: {  	s8 =	sadd.s32 s23, s3;
	s0 =	smax.u32 s0, $0x1;
	s13 =	sadd.s32 s6, s26  }
0xd: {  	s11 =	sadd.s32 s6, s18;
	s22 =	sadd.s32 s7, s3;
	s23 =	sadd.s32 s19, s3  }
0xe: {  	s7 =	simm.s32 $0x10B80;
	s2 =	sadd.s32 s2, s5;
	s5 =	sadd.s32 $0x18600, s5  }
0xf: {  	[dreg:$0x8] =	wrdreg s0;
	s12 =	sadd.s32 $0x1000, s8;
	s14 =	sadd.s32 $0x2000, s8  }
0x10: {  	s15 =	sadd.s32 $0x3000, s8;
	s0 =	sshrl.u32 s13, $0x3;
	s16 =	sadd.s32 $0x4000, s8  }
0x11: {  	s17 =	sadd.s32 $0x5000, s8;
	s11 =	sshrl.u32 s11, $0x3;
	[dreg:$0x9] =	wrdreg s12  }
0x12: {  	s28 =	sadd.s32 $0x8000, s8;
	s29 =	sadd.s32 $0x9000, s8;
	[dreg:$0xa] =	wrdreg s14  }
0x13: {  	s13 =	simm.s32 $0x7;
	s21 =	sadd.s32 $0x4400, s2;
	[dreg:$0xb] =	wrdreg s15  }
0x14: {  	s2 =	sadd.s32 $0xE400, s2;
	s25 =	sadd.s32 s5, s24;
	[dreg:$0xc] =	wrdreg s16  }
0x15: {  	[dreg:$0xd] =	wrdreg s17;
	s0 =	sadd.s32 s5, s0;
	s12 =	sadd.s32 s6, s19  }
0x16: {  	s6 =	sadd.s32 s6, s10;
	s11 =	sadd.s32 s5, s11;
	[dreg:$0x5] =	wrdreg s21  }
0x17: {  	s24 =	sadd.s32 s10, s3;
	s10 =	simm.s32 $0x1;
	[dreg:$0x6] =	wrdreg s2  }
0x18: {  	s14 =	simm.s32 $0x8;
	s15 =	simm.s32 $0x0;
	[dreg:$0x7] =	wrdreg s25  }
0x19: {  	[dreg:$0xe] =	wrdreg s0;
	s12 =	sshrl.u32 s12, $0x3;
	s6 =	sshrl.u32 s6, $0x3  }
0x1a: {  	[dreg:$0xf] =	wrdreg s11;
	s21 =	sadd.s32 $0x6000, s8;
	s2 =	sadd.s32 s26, s3  }
0x1b: {  	s0 =	sadd.s32 s18, s3;
	s25 =	sshrl.u32 s23, $0x3;
	[dreg:$0x12] =	wrdreg s21  }
0x1c: {  	s26 =	sshrl.u32 s24, $0x3;
	s11 =	simm.s32 $0x3;
	[dreg:$0x16] =	wrdreg s25  }
0x1d: {  	s20 =	sadd.s32 s5, s12;
	s5 =	sadd.s32 s5, s6;
	[dreg:$0x17] =	wrdreg s26  }
.Ltmp0:
0x1e: {  	s2 =	sshrl.u32 s2, $0x3;
	[dreg:$0x10] =	wrdreg s20;
	(pc) =	sbr.rel .LBB2_1-.Ltmp0, $4  }
0x1f: {  	s0 =	sshrl.u32 s0, $0x3;
	s26 =	sadd.s32 $0x7000, s8;
	[dreg:$0x11] =	wrdreg s5  }
0x20: {  	s6 =	simm.s32 $0xCD00;
	s12 =	simm.s32 $0x5;
	[dreg:$0x14] =	wrdreg s2  }
0x21: {  	s5 =	sshrl.u32 s22, $0x3;
	[dreg:$0x15] =	wrdreg s0;
	s2 =	simm.s32 $0x14A00  }
0x22: {  	s0 =	simm.s32 $0x7D;
	[dreg:$0x13] =	wrdreg s5;
	s5 =	simm.s32 $0x8E80  }
.LBB2_4:
0x23: {  	_ =	swait.ge [sflag:s14], $0x1F40  }
0x24: {  	[sflag:s14] =	ssyncset.done $0x0  }
0x25: {  	[sflag:s14] =	ssyncadd.s32 $0xFFFFE0C0  }
0x26: {  	[spmem:s3] =	stream.indirect.scatter.add.f32 [tilespmem:s9], [sflag:$0x9], $0x40, s18, s0, $0xb8;
	[tilespmem:$0x1FA00] =	vst v63  }
0x27: {  	_ =	swait.ge [sflag:s30], $0x1F40  }
0x28: {  	[sflag:s30] =	ssyncset.done $0x0  }
0x29: {  	[sflag:s30] =	ssyncadd.s32 $0xFFFFE0C0  }
0x2a: {  	s16 =	stileid.u32;
	[bflag:$0x0] =	sbarrier.arrive $0xFFFF  }
0x2b: {  	s16 =	sshll.u32 s16, $0x6;
	s17 =	rddreg [dreg:$0x7]  }
0x2c: {  	s16 =	sor.u32 $0x1C09, s16;
	s23 =	rddreg [dreg:$0x13]  }
0x2d: {  	[hbm:s17], [sflag:s16] =	dma.local [spmem:s23], $0x400  }
0x2e: {  	_ =	swait.ge [sflag:s30], $0x400  }
0x2f: {  	[sflag:s30] =	ssyncset.done $0x0;
	s24 =	rddreg [dreg:$0xe]  }
0x30: {  	s25 =	rddreg [dreg:$0x14];
	[sflag:s30] =	ssyncadd.s32 $0xFFFFFC00  }
0x31: {  	[hbm:s24], [sflag:s16] =	dma.local [spmem:s25], $0x400  }
0x32: {  	_ =	swait.ge [sflag:s30], $0x400  }
0x33: {  	[sflag:s30] =	ssyncset.done $0x0;
	s19 =	rddreg [dreg:$0xf]  }
0x34: {  	s20 =	rddreg [dreg:$0x15];
	[sflag:s30] =	ssyncadd.s32 $0xFFFFFC00  }
0x35: {  	[hbm:s19], [sflag:s16] =	dma.local [spmem:s20], $0x400  }
0x36: {  	_ =	swait.ge [sflag:s30], $0x400  }
0x37: {  	[sflag:s30] =	ssyncset.done $0x0;
	s21 =	rddreg [dreg:$0x10]  }
0x38: {  	s22 =	rddreg [dreg:$0x16];
	[sflag:s30] =	ssyncadd.s32 $0xFFFFFC00  }
0x39: {  	[hbm:s21], [sflag:s16] =	dma.local [spmem:s22], $0x400  }
0x3a: {  	_ =	swait.ge [sflag:s30], $0x400  }
0x3b: {  	[sflag:s30] =	ssyncset.done $0x0;
	s23 =	rddreg [dreg:$0x11]  }
0x3c: {  	s24 =	rddreg [dreg:$0x17];
	[sflag:s30] =	ssyncadd.s32 $0xFFFFFC00  }
0x3d: {  	[hbm:s23], [sflag:s16] =	dma.local [spmem:s24], $0x400  }
0x3e: {  	_ =	swait.ge [sflag:s30], $0x400  }
0x3f: {  	s15 =	sadd.s32 $0x1, s15;
	s25 =	rddreg [dreg:$0x8]  }
0x40: {  	p0 =	sne.s32 s15, s25  }
.Ltmp1:
0x41: {  	_ = 	snop;
	(pc) =	sbr.rel @!p0 .LBB2_5-.Ltmp1, $3  }
0x42: {  	_ =	sdelay $0x1  }
0x43: {  	[sflag:s30] =	ssyncset.done $0x0  }
0x44: {  	[sflag:s30] =	ssyncadd.s32 $0xFFFFFC00  }
.LBB2_1:
0x45: {  	s16 =	rddreg [dreg:$0x5]  }
0x46: {  	[tilespmem:s4], [sflag:$0x9] =	stream.linear.gather [hbm4b:s16+s4], $0x2800, $0x38;
	[tilespmem:$0x1FA00] =	vst v63  }
0x47: {  	_ =	swait.ge [sflag:s30], $0x2800  }
0x48: {  	[sflag:s30] =	ssyncset.done $0x0  }
0x49: {  	s17 =	simm.s32 $0x2800;
	s25 =	rddreg [dreg:$0x6];
	[sflag:s30] =	ssyncadd.s32 $0xFFFFD800  }
0x4a: {  	[tilespmem:s17], [sflag:$0x9] =	stream.linear.gather [hbm4b:s25+s4], $0x2800, $0x38;
	[tilespmem:$0x1FA00] =	vst v63  }
0x4b: {  	_ =	swait.ge [sflag:s30], $0x2800  }
0x4c: {  	[sflag:s30] =	ssyncset.done $0x0  }
0x4d: {  	s17 =	rddreg [dreg:$0x4];
	[sflag:s30] =	ssyncadd.s32 $0xFFFFD800  }
0x4e: {  	[tilespmem:s2], [sflag:$0x9] =	stream.linear.gather [hbm4b:s17+s4], $0x1000, $0x38;
	[tilespmem:$0x1FA00] =	vst v63  }
0x4f: {  	_ =	swait.ge [sflag:s30], $0x1000  }
0x50: {  	[sflag:s30] =	ssyncset.done $0x0  }
0x51: {  	[sflag:s30] =	ssyncadd.s32 $0xFFFFF000  }
0x52: {  	[spmem:s8] =	stream.linear.scatter [tilespmem:s2], [sflag:$0x9], $0x1000, $0x38;
	[tilespmem:$0x1FA00] =	vst v63  }
0x53: {  	_ =	swait.ge [sflag:s30], $0x1000  }
0x54: {  	[sflag:s30] =	ssyncset.done $0x0  }
0x55: {  	s18 =	rddreg [dreg:$0x9];
	[sflag:s30] =	ssyncadd.s32 $0xFFFFF000  }
0x56: {  	[spmem:s18] =	stream.linear.scatter [tilespmem:s2], [sflag:$0x9], $0x1000, $0x38;
	[tilespmem:$0x1FA00] =	vst v63  }
0x57: {  	_ =	swait.ge [sflag:s30], $0x1000  }
0x58: {  	[sflag:s30] =	ssyncset.done $0x0  }
0x59: {  	s19 =	rddreg [dreg:$0xa];
	[sflag:s30] =	ssyncadd.s32 $0xFFFFF000  }
0x5a: {  	[spmem:s19] =	stream.linear.scatter [tilespmem:s2], [sflag:$0x9], $0x1000, $0x38;
	[tilespmem:$0x1FA00] =	vst v63  }
0x5b: {  	_ =	swait.ge [sflag:s30], $0x1000  }
0x5c: {  	[sflag:s30] =	ssyncset.done $0x0  }
0x5d: {  	s20 =	rddreg [dreg:$0xb];
	[sflag:s30] =	ssyncadd.s32 $0xFFFFF000  }
0x5e: {  	[spmem:s20] =	stream.linear.scatter [tilespmem:s2], [sflag:$0x9], $0x1000, $0x38;
	[tilespmem:$0x1FA00] =	vst v63  }
0x5f: {  	_ =	swait.ge [sflag:s30], $0x1000  }
0x60: {  	[sflag:s30] =	ssyncset.done $0x0  }
0x61: {  	s21 =	rddreg [dreg:$0xc];
	[sflag:s30] =	ssyncadd.s32 $0xFFFFF000  }
0x62: {  	[spmem:s21] =	stream.linear.scatter [tilespmem:s2], [sflag:$0x9], $0x1000, $0x38;
	[tilespmem:$0x1FA00] =	vst v63  }
0x63: {  	_ =	swait.ge [sflag:s30], $0x1000  }
0x64: {  	[sflag:s30] =	ssyncset.done $0x0  }
0x65: {  	s22 =	rddreg [dreg:$0xd];
	[sflag:s30] =	ssyncadd.s32 $0xFFFFF000  }
0x66: {  	[spmem:s22] =	stream.linear.scatter [tilespmem:s2], [sflag:$0x9], $0x1000, $0x38;
	[tilespmem:$0x1FA00] =	vst v63  }
0x67: {  	_ =	swait.ge [sflag:s30], $0x1000  }
0x68: {  	[sflag:s30] =	ssyncset.done $0x0  }
0x69: {  	s23 =	rddreg [dreg:$0x12];
	[sflag:s30] =	ssyncadd.s32 $0xFFFFF000  }
0x6a: {  	[spmem:s23] =	stream.linear.scatter [tilespmem:s2], [sflag:$0x9], $0x1000, $0x38;
	[tilespmem:$0x1FA00] =	vst v63  }
0x6b: {  	_ =	swait.ge [sflag:s30], $0x1000  }
0x6c: {  	[sflag:s30] =	ssyncset.done $0x0  }
0x6d: {  	[sflag:s30] =	ssyncadd.s32 $0xFFFFF000  }
0x6e: {  	[spmem:s26] =	stream.linear.scatter [tilespmem:s2], [sflag:$0x9], $0x1000, $0x38;
	[tilespmem:$0x1FA00] =	vst v63  }
0x6f: {  	_ =	swait.ge [sflag:s30], $0x1000  }
0x70: {  	[sflag:s30] =	ssyncset.done $0x0  }
0x71: {  	[sflag:s30] =	ssyncadd.s32 $0xFFFFF000  }
0x72: {  	[spmem:s28] =	stream.linear.scatter [tilespmem:s2], [sflag:$0x9], $0x1000, $0x38;
	[tilespmem:$0x1FA00] =	vst v63  }
0x73: {  	_ =	swait.ge [sflag:s30], $0x1000  }
0x74: {  	[sflag:s30] =	ssyncset.done $0x0  }
0x75: {  	[sflag:s30] =	ssyncadd.s32 $0xFFFFF000  }
0x76: {  	[spmem:s29] =	stream.linear.scatter [tilespmem:s2], [sflag:$0x9], $0x1000, $0x38;
	[tilespmem:$0x1FA00] =	vst v63  }
0x77: {  	_ =	swait.ge [sflag:s30], $0x1000  }
0x78: {  	[sflag:s30] =	ssyncset.done $0x0  }
0x79: {  	[sflag:s30] =	ssyncadd.s32 $0xFFFFF000  }
0x7a: {  	[bflag:$0x0] =	sbarrier.arrive $0xFFFF  }
0x7b: {  	[tilespmem:s31], [sflag:$0x1] =	stream.indirect.gather [hbm4b:s1+s0], $0x40, s4, s0, $0xb8;
	[tilespmem:$0x1FA00] =	vst v63  }
0x7c: {  	s24 =	simm.s32 $0x80;
	s25 =	simm.s32 $0x6F40  }
0x7d: {  	[tilespmem:s25], [sflag:$0x2] =	stream.indirect.gather [hbm4b:s1+s0], $0x40, s24, s0, $0xb8;
	[tilespmem:$0x1FA00] =	vst v63  }
0x7e: {  	s18 =	simm.s32 $0x100  }
0x7f: {  	[tilespmem:s5], [sflag:$0x3] =	stream.indirect.gather [hbm4b:s1+s0], $0x40, s18, s0, $0xb8;
	[tilespmem:$0x1FA00] =	vst v63  }
0x80: {  	s19 =	simm.s32 $0x180;
	s20 =	simm.s32 $0xADC0  }
0x81: {  	[tilespmem:s20], [sflag:$0x4] =	stream.indirect.gather [hbm4b:s1+s0], $0x40, s19, s0, $0xb8;
	[tilespmem:$0x1FA00] =	vst v63  }
0x82: {  	s21 =	simm.s32 $0x200  }
0x83: {  	[tilespmem:s6], [sflag:$0x5] =	stream.indirect.gather [hbm4b:s1+s0], $0x40, s21, s0, $0xb8;
	[tilespmem:$0x1FA00] =	vst v63  }
0x84: {  	s22 =	simm.s32 $0x280;
	s23 =	simm.s32 $0xEC40  }
0x85: {  	[tilespmem:s23], [sflag:$0x6] =	stream.indirect.gather [hbm4b:s1+s0], $0x40, s22, s0, $0xb8;
	[tilespmem:$0x1FA00] =	vst v63  }
0x86: {  	s24 =	simm.s32 $0x300  }
0x87: {  	[tilespmem:s7], [sflag:$0x7] =	stream.indirect.gather [hbm4b:s1+s0], $0x40, s24, s0, $0xb8;
	[tilespmem:$0x1FA00] =	vst v63  }
0x88: {  	s16 =	simm.s32 $0x0;
	s25 =	simm.s32 $0x380  }
0x89: {  	[tilespmem:s9], [sflag:$0x8] =	stream.indirect.gather [hbm4b:s1+s0], $0x40, s25, s0, $0xb8;
	[tilespmem:$0x1FA00] =	vst v63  }
.LBB2_2:
0x8a: {  	_ =	swait.ge [sflag:s10], $0x1F40  }
0x8b: {  	s17 =	sshra.s32 s16, $0x2;
	[sflag:s10] =	ssyncset.done $0x0  }
0x8c: {  	s18 =	sadd.s32 $0x2800, s17;
	[sflag:s10] =	ssyncadd.s32 $0xFFFFE0C0  }
0x8d: {  	[spmem:s3] =	stream.indirect.scatter.add.f32 [tilespmem:s31], [sflag:$0x9], $0x40, s18, s0, $0xb8;
	[tilespmem:$0x1FA00] =	vst v63  }
0x8e: {  	_ =	swait.ge [sflag:s30], $0x1F40  }
0x8f: {  	p0 =	seq.s32 s16, $0x9000;
	[sflag:s30] =	ssyncset.done $0x0  }
0x90: {  	s18 =	simm.s32 @p0 $0x2;
	[sflag:s30] =	ssyncadd.s32 $0xFFFFE0C0  }
0x91: {  	s20 =	sshra.s32 @p0 s16, $0x2;
	_ =	swait.ge @p0 [sflag:s18], $0x1F40  }
0x92: {  	s21 =	simm.s32 @p0 $0x7D;
	s19 =	simm.s32 @p0 $0x6F40;
	[sflag:s18] =	ssyncset.done @p0 $0x0  }
0x93: {  	s22 =	simm.s32 @p0 $0x9;
	[sflag:s18] =	ssyncadd.s32 @p0 $0xFFFFE0C0;
	s18 =	sadd.s32 @p0 $0x2880, s20  }
0x94: {  	[spmem:s3] =	stream.indirect.scatter.add.f32 @p0 [tilespmem:s19], [sflag:$0x9], $0x40, s18, s21, $0xb8;
	[tilespmem:$0x1FA00] =	vst v63  }
0x95: {  	_ =	swait.ge @p0 [sflag:s22], $0x1F40  }
0x96: {  	s24 =	simm.s32 @!p0 $0x5000;
	s18 =	sshra.s32 @!p0 s16, $0x2;
	[sflag:s22] =	ssyncset.done @p0 $0x0  }
0x97: {  	s19 =	simm.s32 @!p0 $0x7D;
	s23 =	sadd.s32 @!p0 $0x400, s18;
	[sflag:s22] =	ssyncadd.s32 @p0 $0xFFFFE0C0  }
0x98: {  	[tilespmem:s24], [sflag:$0x1] =	stream.indirect.gather @!p0 [hbm4b:s1+s19], $0x40, s23, s19, $0xb8;
	[tilespmem:$0x1FA00] =	vst v63  }
0x99: {  	s23 =	simm.s32 @!p0 $0x2  }
0x9a: {  	_ =	swait.ge @!p0 [sflag:s23], $0x1F40  }
0x9b: {  	[sflag:s23] =	ssyncset.done @!p0 $0x0  }
0x9c: {  	s24 =	simm.s32 @!p0 $0x6F40;
	[sflag:s23] =	ssyncadd.s32 @!p0 $0xFFFFE0C0;
	s23 =	sadd.s32 @!p0 $0x2880, s18  }
0x9d: {  	[spmem:s3] =	stream.indirect.scatter.add.f32 @!p0 [tilespmem:s24], [sflag:$0x9], $0x40, s23, s19, $0xb8;
	[tilespmem:$0x1FA00] =	vst v63  }
0x9e: {  	s23 =	simm.s32 @!p0 $0x9  }
0x9f: {  	_ =	swait.ge @!p0 [sflag:s23], $0x1F40  }
0xa0: {  	[sflag:s23] =	ssyncset.done @!p0 $0x0  }
0xa1: {  	s25 =	sadd.s32 @!p0 $0x480, s18;
	[sflag:s23] =	ssyncadd.s32 @!p0 $0xFFFFE0C0  }
0xa2: {  	[tilespmem:s24], [sflag:$0x2] =	stream.indirect.gather @!p0 [hbm4b:s1+s19], $0x40, s25, s19, $0xb8;
	[tilespmem:$0x1FA00] =	vst v63  }
0xa3: {  	_ =	swait.ge [sflag:s11], $0x1F40  }
0xa4: {  	[sflag:s11] =	ssyncset.done $0x0  }
0xa5: {  	s25 =	sadd.s32 $0x2900, s17;
	[sflag:s11] =	ssyncadd.s32 $0xFFFFE0C0  }
0xa6: {  	[spmem:s3] =	stream.indirect.scatter.add.f32 [tilespmem:s5], [sflag:$0x9], $0x40, s25, s0, $0xb8;
	[tilespmem:$0x1FA00] =	vst v63  }
0xa7: {  	_ =	swait.ge [sflag:s30], $0x1F40  }
0xa8: {  	[sflag:s30] =	ssyncset.done $0x0  }
0xa9: {  	s24 =	simm.s32 @p0 $0x4;
	[sflag:s30] =	ssyncadd.s32 $0xFFFFE0C0  }
0xaa: {  	_ =	swait.ge @p0 [sflag:s24], $0x1F40  }
0xab: {  	[sflag:s24] =	ssyncset.done @p0 $0x0  }
0xac: {  	s25 =	simm.s32 @p0 $0xADC0;
	[sflag:s24] =	ssyncadd.s32 @p0 $0xFFFFE0C0;
	s24 =	sadd.s32 @p0 $0x2980, s20  }
0xad: {  	[spmem:s3] =	stream.indirect.scatter.add.f32 @p0 [tilespmem:s25], [sflag:$0x9], $0x40, s24, s21, $0xb8;
	[tilespmem:$0x1FA00] =	vst v63  }
0xae: {  	_ =	swait.ge @p0 [sflag:s22], $0x1F40  }
0xaf: {  	[sflag:s22] =	ssyncset.done @p0 $0x0  }
0xb0: {  	s24 =	sadd.s32 @!p0 $0x500, s18;
	s25 =	simm.s32 @!p0 $0x8E80;
	[sflag:s22] =	ssyncadd.s32 @p0 $0xFFFFE0C0  }
0xb1: {  	[tilespmem:s25], [sflag:$0x3] =	stream.indirect.gather @!p0 [hbm4b:s1+s19], $0x40, s24, s19, $0xb8;
	[tilespmem:$0x1FA00] =	vst v63  }
0xb2: {  	s24 =	simm.s32 @!p0 $0x4  }
0xb3: {  	_ =	swait.ge @!p0 [sflag:s24], $0x1F40  }
0xb4: {  	[sflag:s24] =	ssyncset.done @!p0 $0x0  }
0xb5: {  	s25 =	simm.s32 @!p0 $0xADC0;
	[sflag:s24] =	ssyncadd.s32 @!p0 $0xFFFFE0C0;
	s24 =	sadd.s32 @!p0 $0x2980, s18  }
0xb6: {  	[spmem:s3] =	stream.indirect.scatter.add.f32 @!p0 [tilespmem:s25], [sflag:$0x9], $0x40, s24, s19, $0xb8;
	[tilespmem:$0x1FA00] =	vst v63  }
0xb7: {  	_ =	swait.ge @!p0 [sflag:s23], $0x1F40  }
0xb8: {  	[sflag:s23] =	ssyncset.done @!p0 $0x0  }
0xb9: {  	s24 =	sadd.s32 @!p0 $0x580, s18;
	[sflag:s23] =	ssyncadd.s32 @!p0 $0xFFFFE0C0  }
0xba: {  	[tilespmem:s25], [sflag:$0x4] =	stream.indirect.gather @!p0 [hbm4b:s1+s19], $0x40, s24, s19, $0xb8;
	[tilespmem:$0x1FA00] =	vst v63  }
0xbb: {  	_ =	swait.ge [sflag:s12], $0x1F40  }
0xbc: {  	[sflag:s12] =	ssyncset.done $0x0  }
0xbd: {  	s25 =	sadd.s32 $0x2A00, s17;
	[sflag:s12] =	ssyncadd.s32 $0xFFFFE0C0  }
0xbe: {  	[spmem:s3] =	stream.indirect.scatter.add.f32 [tilespmem:s6], [sflag:$0x9], $0x40, s25, s0, $0xb8;
	[tilespmem:$0x1FA00] =	vst v63  }
0xbf: {  	_ =	swait.ge [sflag:s30], $0x1F40  }
0xc0: {  	[sflag:s30] =	ssyncset.done $0x0  }
0xc1: {  	s24 =	simm.s32 @p0 $0x6;
	[sflag:s30] =	ssyncadd.s32 $0xFFFFE0C0  }
0xc2: {  	_ =	swait.ge @p0 [sflag:s24], $0x1F40  }
0xc3: {  	[sflag:s24] =	ssyncset.done @p0 $0x0  }
0xc4: {  	s20 =	sadd.s32 @p0 $0x2A80, s20;
	[sflag:s24] =	ssyncadd.s32 @p0 $0xFFFFE0C0;
	s24 =	simm.s32 @p0 $0xEC40  }
0xc5: {  	[spmem:s3] =	stream.indirect.scatter.add.f32 @p0 [tilespmem:s24], [sflag:$0x9], $0x40, s20, s21, $0xb8;
	[tilespmem:$0x1FA00] =	vst v63  }
0xc6: {  	_ =	swait.ge @p0 [sflag:s22], $0x1F40  }
0xc7: {  	[sflag:s22] =	ssyncset.done @p0 $0x0  }
0xc8: {  	s20 =	sadd.s32 @!p0 $0x600, s18;
	s21 =	simm.s32 @!p0 $0xCD00;
	[sflag:s22] =	ssyncadd.s32 @p0 $0xFFFFE0C0  }
0xc9: {  	[tilespmem:s21], [sflag:$0x5] =	stream.indirect.gather @!p0 [hbm4b:s1+s19], $0x40, s20, s19, $0xb8;
	[tilespmem:$0x1FA00] =	vst v63  }
0xca: {  	s20 =	simm.s32 @!p0 $0x6  }
0xcb: {  	_ =	swait.ge @!p0 [sflag:s20], $0x1F40  }
0xcc: {  	[sflag:s20] =	ssyncset.done @!p0 $0x0  }
0xcd: {  	s21 =	simm.s32 @!p0 $0xEC40;
	[sflag:s20] =	ssyncadd.s32 @!p0 $0xFFFFE0C0;
	s20 =	sadd.s32 @!p0 $0x2A80, s18  }
0xce: {  	[spmem:s3] =	stream.indirect.scatter.add.f32 @!p0 [tilespmem:s21], [sflag:$0x9], $0x40, s20, s19, $0xb8;
	[tilespmem:$0x1FA00] =	vst v63  }
0xcf: {  	_ =	swait.ge @!p0 [sflag:s23], $0x1F40  }
0xd0: {  	[sflag:s23] =	ssyncset.done @!p0 $0x0  }
0xd1: {  	s18 =	sadd.s32 @!p0 $0x680, s18;
	[sflag:s23] =	ssyncadd.s32 @!p0 $0xFFFFE0C0  }
0xd2: {  	[tilespmem:s21], [sflag:$0x6] =	stream.indirect.gather @!p0 [hbm4b:s1+s19], $0x40, s18, s19, $0xb8;
	[tilespmem:$0x1FA00] =	vst v63  }
0xd3: {  	_ =	swait.ge [sflag:s13], $0x1F40  }
0xd4: {  	[sflag:s13] =	ssyncset.done $0x0  }
.Ltmp2:
0xd5: {  	s25 =	sadd.s32 $0x2B00, s17;
	[sflag:s13] =	ssyncadd.s32 $0xFFFFE0C0;
	(pc) =	sbr.rel @p0 .LBB2_4-.Ltmp2, $4  }
0xd6: {  	[spmem:s3] =	stream.indirect.scatter.add.f32 [tilespmem:s7], [sflag:$0x9], $0x40, s25, s0, $0xb8;
	[tilespmem:$0x1FA00] =	vst v63  }
0xd7: {  	_ =	swait.ge [sflag:s30], $0x1F40  }
0xd8: {  	[sflag:s30] =	ssyncset.done $0x0  }
0xd9: {  	s18 =	sadd.s32 $0x2B80, s17;
	[sflag:s30] =	ssyncadd.s32 $0xFFFFE0C0  }
0xda: {  	s19 =	sadd.s32 $0x700, s17  }
0xdb: {  	[tilespmem:s7], [sflag:$0x7] =	stream.indirect.gather [hbm4b:s1+s0], $0x40, s19, s0, $0xb8;
	[tilespmem:$0x1FA00] =	vst v63  }
0xdc: {  	_ =	swait.ge [sflag:s14], $0x1F40  }
0xdd: {  	[sflag:s14] =	ssyncset.done $0x0  }
0xde: {  	[sflag:s14] =	ssyncadd.s32 $0xFFFFE0C0  }
0xdf: {  	[spmem:s3] =	stream.indirect.scatter.add.f32 [tilespmem:s9], [sflag:$0x9], $0x40, s18, s0, $0xb8;
	[tilespmem:$0x1FA00] =	vst v63  }
.Ltmp3:
0xe0: {  	_ = 	snop;
	(pc) =	sbr.rel .LBB2_2-.Ltmp3, $4  }
0xe1: {  	_ =	swait.ge [sflag:s30], $0x1F40  }
0xe2: {  	[sflag:s30] =	ssyncset.done $0x0  }
0xe3: {  	s25 =	sadd.s32 $0x780, s17;
	s16 =	sadd.s32 $0x1000, s16;
	[sflag:s30] =	ssyncadd.s32 $0xFFFFE0C0  }
0xe4: {  	[tilespmem:s9], [sflag:$0x8] =	stream.indirect.gather [hbm4b:s1+s0], $0x40, s25, s0, $0xb8;
	[tilespmem:$0x1FA00] =	vst v63  }
.LBB2_5:
0xe5: {  	_ =	sfence.sel $0x180000  }
0xe6: {  	[bflag:$0x0] =	sbarrier.arrive $0xFFFF  }
0xe7: {  	_ =	strace $0x9000004A  }
0xe8: {  	s0 =	stileid.u32;
	[bflag:$0x2] =	sbarrier.arrive $0xFFFF  }
0xe9: {  	p0 =	sne.s32 s0, $0x0;
	s0 =	rddreg [dreg:$0x3]  }
0xea: {  	s0 =	sadd.s32 @!p0 $0x100000, s0  }
0xeb: {  	[sflag:s0] =	ssyncadd.tile.s32 @!p0 $0x1;
	_ =	shalt  }
.Lfunc_end2:
_tile_overlayer_lowered:
.L_overlay_start_2:
0xec: {  	(tag) =	ssettag $0x2  }
0xed: {  	s0 =	rddreg [dreg:$0x0];
	s2 =	stileid.u32  }
0xee: {  	s1 =	rddreg [dreg:$0x1];
	p0 =	sne.s32 s2, $0x0  }
0xef: {  	s3 =	rddreg [dreg:$0x2];
	[bflag:$0x3] =	sbarrier.arrive $0xFFFF;
	s2 =	simm.s32 @!p0 $0x1C09  }
0xf0: {  	[timem:s3], [sflag:s2] =	dma.local @!p0 [hbm:s0], s1  }
0xf1: {  	s0 =	simm.s32 @!p0 $0x9  }
0xf2: {  	_ =	swait.ge @!p0 [sflag:s0], s1  }
0xf3: {  	s1 =	ssub.s32 @!p0 $0x0, s1;
	[sflag:s0] =	ssyncset.done @!p0 $0x0  }
0xf4: {  	[sflag:s0] =	ssyncadd.s32 @!p0 s1  }
0xf5: {  	[bflag:$0x3] =	sbarrier.arrive $0xFFFF  }
0xf6: {  	_ =	shalt  }

// kernel: kernel.15.cloned.1.call-start
scs
__scs_entry_jumppad:
0x0: {  	(pc) =	sbr.rel $0x88, $3  }
0x1: {  	(tag) =	ssettag $0x0;
	lr =	simm.s32 $0x1  }
0x2: {  	[smem:$0x3F94] =	sst lr;
	_ =	strace $0xD0000000  }
0x3: {  	_ = 	snop  }
0x4: {  	_ = 	snop  }
0x5: {  	_ = 	snop  }
0x6: {  	_ = 	snop  }
0x7: {  	_ = 	snop  }
__scs_overlays_trampoline_lowered:
0x8: {  	[smem:$0x3FA3] =	sst s0  }
0x9: {  	[smem:$0x3FA4] =	sst s1  }
0xa: {  	[smem:$0x3FA5] =	sst s2  }
0xb: {  	[smem:$0x3FA6] =	sst s3  }
0xc: {  	[smem:$0x3FA7] =	sst s4  }
0xd: {  	[smem:$0x3FA8] =	sst s5  }
0xe: {  	[smem:$0x3FA9] =	sst s6  }
0xf: {  	[smem:$0x3FAA] =	sst s7  }
0x10: {  	[smem:$0x3FAB] =	sst s8  }
0x11: {  	[smem:$0x3FAC] =	sst s9;
	s0 =	simm.s32 @!p0 $0x0  }
0x12: {  	s1 =	sld [smem:$0x3F92];
	s0 =	simm.s32 @p0 $0x1  }
0x13: {  	[smem:$0x3FAD] =	sst s0;
	s0 =	simm.s32 @!p1 $0x0  }
0x14: {  	s2 =	sld [smem:$0x3F91];
	s0 =	simm.s32 @p1 $0x1  }
0x15: {  	[smem:$0x3FAE] =	sst s0;
	s0 =	simm.s32 @!p2 $0x0  }
0x16: {  	s3 =	sld [smem:$0x3FDB];
	s0 =	simm.s32 @p2 $0x1  }
0x17: {  	s4 =	simm.s32 $0x1BF5;
	[smem:$0x3FB0] =	sst s0  }
0x18: {  	s0 =	sld [smem:$0x3F93];
	_ =	swait.ge [sflag:s4], $0x0  }
0x19: {  	s7 =	sld [smem:$0x3F94]  }
0x1a: {  	s8 =	sadd.s32 $0xFFFFE003, lr  }
0x1b: {  	s9 =	sadd.s32 $0xFFFFFEF7, lr;
	s5 =	simm.s32 $0xFFFFFFFF;
	p2 =	slt.u32 s8, $0xFFFFF086  }
0x1c: {  	p1 =	slt.u32 s9, $0xF7A;
	s5 =	simm.s32 @!p2 $0x0  }
0x1d: {  	s5 =	simm.s32 @p1 $0x1;
	p0 =	seq.s32 s7, s2  }
0x1e: {  	s7 =	smul.u32 @!p0 $0xF7A, s2;
	p2 =	seq.s32 @!p0 s5, $0x0  }
0x1f: {  	s9 =	smul.u32 $0xF7A, s1;
	s8 =	simm.s32 @!p0 $0x1BF5;
	p2 =	por !p2, p0  }
0x20: {  	[sflag:s8] =	ssyncset.s32 @!p0 $0xFFFFF086;
	s6 =	sadd.s32 @!p0 s3, s7;
	s7 =	simm.s32 @!p0 $0x108  }
0x21: {  	s3 =	sadd.s32 s3, s9;
	s6 =	sadd.s32 @!p0 $0x88, s6;
	s7 =	simm.s32 @p2 $0x1082  }
0x22: {  	[simem:s7], [sflag:s8] =	dma.local @!p0 [hbm:s6], $0xF7A  }
0x23: {  	s9 =	sor.u32 $0xD0000000, s2;
	s6 =	simm.s32 $0x108;
	_ =	swait.ge @!p0 [sflag:s8], $0x0  }
0x24: {  	s3 =	sadd.s32 $0x88, s3;
	s6 =	simm.s32 @!p1 $0x1082;
	[sflag:s4] =	ssyncset.s32 $0xFFFFF086  }
0x25: {  	[simem:s6], [sflag:s4] =	dma.local [hbm:s3], $0xF7A  }
0x26: {  	[smem:$0x3F94] =	sst s1;
	(tag) =	ssettag s2;
	_ =	strace s9  }
0x27: {  	s1 =	sld [smem:$0x3FA4]  }
0x28: {  	s2 =	sld [smem:$0x3FA5]  }
0x29: {  	s4 =	sld [smem:$0x3FA7]  }
0x2a: {  	p0 =	seq.s32 s5, $0x0;
	s5 =	sld [smem:$0x3FA8]  }
0x2b: {  	s6 =	sld [smem:$0x3FA9]  }
0x2c: {  	s7 =	sld [smem:$0x3FAA]  }
0x2d: {  	s3 =	simm.s32 $0x108;
	s8 =	sld [smem:$0x3FAB]  }
0x2e: {  	s3 =	simm.s32 @!p0 $0x1082;
	s9 =	sld [smem:$0x3FAC]  }
0x2f: {  	lr =	sadd.s32 s0, s3;
	s0 =	sld [smem:$0x3FA3]  }
0x30: {  	s3 =	sld [smem:$0x3FA6]  }
0x31: {  	[smem:$0x3FAF] =	sst s10  }
0x32: {  	s10 =	sld [smem:$0x3FAD];
	_ =	sdelay $0x3  }
0x33: {  	p0 =	seq.s32 s10, $0x1;
	s10 =	sld [smem:$0x3FAF];
	_ =	sdelay $0x3  }
0x34: {  	[smem:$0x3FAF] =	sst s10  }
0x35: {  	s10 =	sld [smem:$0x3FAE];
	_ =	sdelay $0x3  }
0x36: {  	p1 =	seq.s32 s10, $0x1;
	s10 =	sld [smem:$0x3FAF];
	_ =	sdelay $0x3  }
0x37: {  	[smem:$0x3FAF] =	sst s10  }
0x38: {  	s10 =	sld [smem:$0x3FB0]  }
0x39: {  	_ = 	snop;
	(pc) =	sbr.ind lr, $3  }
0x3a: {  	_ = 	snop  }
0x3b: {  	_ = 	snop  }
0x3c: {  	p2 =	seq.s32 s10, $0x1;
	s10 =	sld [smem:$0x3FAF]  }
0x3d: {  	_ =	shalt  }
0x3e: {  	_ =	shalt  }
0x3f: {  	_ =	shalt  }
0x40: {  	_ =	shalt  }
0x41: {  	_ =	shalt  }
0x42: {  	_ =	shalt  }
0x43: {  	_ =	shalt  }
0x44: {  	_ =	shalt  }
0x45: {  	_ =	shalt  }
0x46: {  	_ =	shalt  }
0x47: {  	_ =	shalt  }
0x48: {  	_ =	shalt  }
0x49: {  	_ =	shalt  }
0x4a: {  	_ =	shalt  }
0x4b: {  	_ =	shalt  }
0x4c: {  	_ =	shalt  }
0x4d: {  	_ =	shalt  }
0x4e: {  	_ =	shalt  }
0x4f: {  	_ =	shalt  }
0x50: {  	_ =	shalt  }
0x51: {  	_ =	shalt  }
0x52: {  	_ =	shalt  }
0x53: {  	_ =	shalt  }
0x54: {  	_ =	shalt  }
0x55: {  	_ =	shalt  }
0x56: {  	_ =	shalt  }
0x57: {  	_ =	shalt  }
0x58: {  	_ =	shalt  }
0x59: {  	_ =	shalt  }
0x5a: {  	_ =	shalt  }
0x5b: {  	_ =	shalt  }
0x5c: {  	_ =	shalt  }
0x5d: {  	_ =	shalt  }
0x5e: {  	_ =	shalt  }
0x5f: {  	_ =	shalt  }
0x60: {  	_ =	shalt  }
0x61: {  	_ =	shalt  }
0x62: {  	_ =	shalt  }
0x63: {  	_ =	shalt  }
0x64: {  	_ =	shalt  }
0x65: {  	_ =	shalt  }
0x66: {  	_ =	shalt  }
0x67: {  	_ =	shalt  }
0x68: {  	_ =	shalt  }
0x69: {  	_ =	shalt  }
0x6a: {  	_ =	shalt  }
0x6b: {  	_ =	shalt  }
0x6c: {  	_ =	shalt  }
0x6d: {  	_ =	shalt  }
0x6e: {  	_ =	shalt  }
0x6f: {  	_ =	shalt  }
0x70: {  	_ =	shalt  }
0x71: {  	_ =	shalt  }
0x72: {  	_ =	shalt  }
0x73: {  	_ =	shalt  }
0x74: {  	_ =	shalt  }
0x75: {  	_ =	shalt  }
0x76: {  	_ =	shalt  }
0x77: {  	_ =	shalt  }
0x78: {  	_ =	shalt  }
0x79: {  	_ =	shalt  }
0x7a: {  	_ =	shalt  }
0x7b: {  	_ =	shalt  }
0x7c: {  	_ =	shalt  }
0x7d: {  	_ =	shalt  }
0x7e: {  	_ =	shalt  }
0x7f: {  	_ =	shalt  }
0x80: {  	_ =	shalt  }
0x81: {  	_ =	shalt  }
0x82: {  	_ =	shalt  }
0x83: {  	_ =	shalt  }
0x84: {  	_ =	shalt  }
0x85: {  	_ =	shalt  }
0x86: {  	_ =	shalt  }
0x87: {  	_ =	shalt  }
.Lfunc_end0:
.L_simem_size_0:
called_computation.2_lowered:
.L_overlay_start_0:
0x88: {  	s2 =	sld [smem:$0x3FD9]  }
0x89: {  	s3 =	sld [smem:$0x3FFE];
	_ =	sdelay $0x1  }
0x8a: {  	s1 =	srdreg.scid  }
0x8b: {  	s0 =	sand.u32 $0x1, s1  }
0x8c: {  	s17 =	sshll.u32 s0, $0xA;
	s2 =	sadd.s32 s3, s2  }
0x8d: {  	s2 =	sadd.s32 s2, s17  }
0x8e: {  	[smem:$0x3FBB] =	sst s2  }
0x8f: {  	_ = 	snop  }
0x90: {  	s2 =	sld [smem:$0x3FD0];
	(tm) =	ssettm $0x1  }
0x91: {  	s18 =	sld [smem:$0x3FFB];
	_ =	sdelay $0x3  }
0x92: {  	_ =	strace s18  }
0x93: {  	s3 =	sld [smem:$0x3FFC];
	_ =	sdelay $0x3  }
0x94: {  	_ =	strace s3  }
0x95: {  	s3 =	sld [smem:$0x3FFD];
	_ =	sdelay $0x3  }
0x96: {  	_ =	strace s3  }
0x97: {  	_ =	strace $0x8FFFFFFF  }
0x98: {  	s19 =	sld [smem:$0x3FDB];
	_ =	sdelay $0x1  }
0x99: {  	s4 =	simm.s32 $_scs_section_size  }
0x9a: {  	s5 =	simm.s32 $_size__tile_overlayer_lowered;
	s6 =	simm.s32 $_tile_overlayer_lowered  }
0x9b: {  	s22 =	simm.s32 $0x1BFF;
	s21 =	sshll.u32 s6, $0x1;
	s3 =	sadd.s32 s4, s19  }
0x9c: {  	s7 =	simm.s32 $0x0;
	s20 =	sshll.u32 s5, $0x1;
	s5 =	sadd.s32 s21, s3  }
0x9d: {  	[timem:s7], [sflag:s22] =	dma.local [hbm:s5], s20  }
0x9e: {  	_ =	swait.ge [sflag:s22], s20  }
0x9f: {  	s4 =	ssub.s32 $0x0, s20;
	[sflag:s22] =	ssyncset.done $0x0  }
0xa0: {  	[sflag:s22] =	ssyncadd.s32 s4;
	_ =	sdelay $0x1  }
0xa1: {  	s23 =	simm.s32 $0x1B8B  }
0xa2: {  	_ =	swait.ge [sflag:s23], $0x1  }
0xa3: {  	[sflag:s23] =	ssyncset.done $0x0  }
0xa4: {  	s25 =	simm.s32 $0x1B8E;
	s24 =	sld [smem:$0x3FFE];
	[sflag:s23] =	ssyncadd.s32 $0xFFFFFFFF  }
0xa5: {  	s26 =	simm.s32 $execute0_lowered;
	[smem:$0x3FD2] =	sst s25  }
0xa6: {  	s5 =	sshll.u32 s26, $0x1;
	_ =	strace $0x8000004C;
	[dreg:$0x1] =	wrdreg $0xFFFFFFFF  }
0xa7: {  	s28 =	simm.s32 $_size_execute0_lowered;
	s3 =	sadd.s32 s3, s5;
	[dreg:$0x0] =	wrdreg $0x0  }
0xa8: {  	s5 =	sshll.u32 s28, $0x1;
	[dreg:$0x2] =	wrdreg s3  }
0xa9: {  	[dreg:$0x3] =	wrdreg s5  }
0xaa: {  	[dreg:$0x4] =	wrdreg $0xC0  }
0xab: {  	_ =	task [dreg:s7], $0x5FFFF  }
0xac: {  	[dreg:$0x1] =	wrdreg $0xFFFFFFFF  }
0xad: {  	[dreg:$0x0] =	wrdreg $0x60  }
0xae: {  	[dreg:$0x2] =	wrdreg s2  }
0xaf: {  	[dreg:$0x3] =	wrdreg s24  }
0xb0: {  	[dreg:$0x4] =	wrdreg $0x15A000  }
0xb1: {  	[dreg:$0x5] =	wrdreg $0x9  }
0xb2: {  	_ =	task.clear_ibuf [dreg:s7], $0x6FFFF;
	_ =	strace $0x9000004C  }
0xb3: {  	s29 =	simm.s32 $0x9;
	_ =	strace $0x8000004E  }
0xb4: {  	_ =	swait.ge [sflag:s29], $0x1  }
0xb5: {  	[sflag:s29] =	ssyncadd.s32 $0xFFFFFFFF  }
0xb6: {  	_ =	strace $0x9000004E  }
0xb7: {  	_ =	sfence  }
0xb8: {  	s30 =	sld [smem:$0x0];
	_ =	sdelay $0x2  }
0xb9: {  	s31 =	sshll.u32 s1, $0xD;
	s1 =	sshrl.u32 s1, $0x2  }
0xba: {  	s3 =	sand.u32 $0x4000, s31;
	s1 =	sadd.s32 s1, s30  }
0xbb: {  	s0 =	sor.u32 s3, s0;
	s1 =	sshll.u32 s1, $0x11  }
0xbc: {  	s0 =	sor.u32 s1, s0  }
0xbd: {  	s0 =	sadd.s32 $0x8F2B, s0  }
0xbe: {  	[sflag:s0] =	ssyncadd.remote.s32 $0x1  }
0xbf: {  	_ =	sfence.sel $0xFFFF  }
0xc0: {  	[dreg:$0x0] =	wrdreg $0xFFFFFFFF;
	(pc) =	sbr.abs _section_cstart, $3  }
0xc1: {  	[dreg:$0x1] =	wrdreg $0xFFFFFFFF  }
0xc2: {  	_ =	task.clear_ibuf [dreg:s7], $0x2FFFF;
	_ =	strace $0x9FFFFFFF  }
0xc3: {  	(tm) =	ssettm $0x7FFFFFFF  }
tec
execute0_lowered:
.L_overlay_start_1:
0x0: {  	(tag) =	ssettag $0x1  }
0x1: {  	s0 =	srdreg.scid;
	s1 =	rddreg [dreg:$0x0]  }
0x2: {  	s9 =	stileid.u32;
	s5 =	rddreg [dreg:$0x1]  }
0x3: {  	s3 =	rddreg [dreg:$0x2];
	s4 =	simm.s32 $0x0;
	s0 =	sand.u32 $0x1, s0  }
0x4: {  	s2 =	sshll.u32 s9, $0x1;
	[smem:$0x7FF] =	sst s4;
	s7 =	sadd.s32 $0x18400, s5  }
0x5: {  	s2 =	sor.u32 s0, s2;
	_ =	strace $0x8000004D;
	s6 =	smul.u32 $0xA0000, s0  }
0x6: {  	[dreg:$0x4] =	wrdreg s7;
	s0 =	ssub.s32 $0x2, s0;
	s7 =	smul.u32 $0xA000, s9  }
0x7: {  	s30 =	simm.s32 $0x9;
	s9 =	smul.u32 $0x28000, s9;
	s8 =	sshrl.u32 s0, $0x1  }
0x8: {  	s31 =	simm.s32 $0x5000;
	s2 =	smul.u32 $0x2800, s2;
	s0 =	ssub.s32 s0, s8  }
0x9: {  	s22 =	sadd.s32 s6, s7;
	s23 =	sshrl.u32 s9, $0x2;
	s26 =	sadd.s32 $0x2000, s7  }
0xa: {  	s18 =	sadd.s32 $0x4000, s7;
	s19 =	sadd.s32 $0x6000, s7;
	s10 =	sadd.s32 $0x8000, s7  }
0xb: {  	s9 =	simm.s32 $0x12AC0;
	s2 =	sshrl.u32 s2, $0x3;
	s24 =	sshrl.u32 s22, $0x3  }
0xc: {  	s8 =	sadd.s32 s23, s3;
	s0 =	smax.u32 s0, $0x1;
	s13 =	sadd.s32 s6, s26  }
0xd: {  	s11 =	sadd.s32 s6, s18;
	s22 =	sadd.s32 s7, s3;
	s23 =	sadd.s32 s19, s3  }
0xe: {  	s7 =	simm.s32 $0x10B80;
	s2 =	sadd.s32 s2, s5;
	s5 =	sadd.s32 $0x18600, s5  }
0xf: {  	[dreg:$0x8] =	wrdreg s0;
	s12 =	sadd.s32 $0x1000, s8;
	s14 =	sadd.s32 $0x2000, s8  }
0x10: {  	s15 =	sadd.s32 $0x3000, s8;
	s0 =	sshrl.u32 s13, $0x3;
	s16 =	sadd.s32 $0x4000, s8  }
0x11: {  	s17 =	sadd.s32 $0x5000, s8;
	s11 =	sshrl.u32 s11, $0x3;
	[dreg:$0x9] =	wrdreg s12  }
0x12: {  	s28 =	sadd.s32 $0x8000, s8;
	s29 =	sadd.s32 $0x9000, s8;
	[dreg:$0xa] =	wrdreg s14  }
0x13: {  	s13 =	simm.s32 $0x7;
	s21 =	sadd.s32 $0x4400, s2;
	[dreg:$0xb] =	wrdreg s15  }
0x14: {  	s2 =	sadd.s32 $0xE400, s2;
	s25 =	sadd.s32 s5, s24;
	[dreg:$0xc] =	wrdreg s16  }
0x15: {  	[dreg:$0xd] =	wrdreg s17;
	s0 =	sadd.s32 s5, s0;
	s12 =	sadd.s32 s6, s19  }
0x16: {  	s6 =	sadd.s32 s6, s10;
	s11 =	sadd.s32 s5, s11;
	[dreg:$0x5] =	wrdreg s21  }
0x17: {  	s24 =	sadd.s32 s10, s3;
	s10 =	simm.s32 $0x1;
	[dreg:$0x6] =	wrdreg s2  }
0x18: {  	s14 =	simm.s32 $0x8;
	s15 =	simm.s32 $0x0;
	[dreg:$0x7] =	wrdreg s25  }
0x19: {  	[dreg:$0xe] =	wrdreg s0;
	s12 =	sshrl.u32 s12, $0x3;
	s6 =	sshrl.u32 s6, $0x3  }
0x1a: {  	[dreg:$0xf] =	wrdreg s11;
	s21 =	sadd.s32 $0x6000, s8;
	s2 =	sadd.s32 s26, s3  }
0x1b: {  	s0 =	sadd.s32 s18, s3;
	s25 =	sshrl.u32 s23, $0x3;
	[dreg:$0x12] =	wrdreg s21  }
0x1c: {  	s26 =	sshrl.u32 s24, $0x3;
	s11 =	simm.s32 $0x3;
	[dreg:$0x16] =	wrdreg s25  }
0x1d: {  	s20 =	sadd.s32 s5, s12;
	s5 =	sadd.s32 s5, s6;
	[dreg:$0x17] =	wrdreg s26  }
.Ltmp0:
0x1e: {  	s2 =	sshrl.u32 s2, $0x3;
	[dreg:$0x10] =	wrdreg s20;
	(pc) =	sbr.rel .LBB2_1-.Ltmp0, $4  }
0x1f: {  	s0 =	sshrl.u32 s0, $0x3;
	s26 =	sadd.s32 $0x7000, s8;
	[dreg:$0x11] =	wrdreg s5  }
0x20: {  	s6 =	simm.s32 $0xCD00;
	s12 =	simm.s32 $0x5;
	[dreg:$0x14] =	wrdreg s2  }
0x21: {  	s5 =	sshrl.u32 s22, $0x3;
	[dreg:$0x15] =	wrdreg s0;
	s2 =	simm.s32 $0x14A00  }
0x22: {  	s0 =	simm.s32 $0x7D;
	[dreg:$0x13] =	wrdreg s5;
	s5 =	simm.s32 $0x8E80  }
.LBB2_4:
0x23: {  	_ =	swait.ge [sflag:s14], $0x1F40  }
0x24: {  	[sflag:s14] =	ssyncset.done $0x0  }
0x25: {  	[sflag:s14] =	ssyncadd.s32 $0xFFFFE0C0  }
0x26: {  	[spmem:s3] =	stream.indirect.scatter.add.f32 [tilespmem:s9], [sflag:$0x9], $0x40, s18, s0, $0xb8;
	[tilespmem:$0x1FA00] =	vst v63  }
0x27: {  	_ =	swait.ge [sflag:s30], $0x1F40  }
0x28: {  	[sflag:s30] =	ssyncset.done $0x0  }
0x29: {  	[sflag:s30] =	ssyncadd.s32 $0xFFFFE0C0  }
0x2a: {  	s16 =	stileid.u32;
	[bflag:$0x0] =	sbarrier.arrive $0xFFFF  }
0x2b: {  	s16 =	sshll.u32 s16, $0x6;
	s17 =	rddreg [dreg:$0x7]  }
0x2c: {  	s16 =	sor.u32 $0x1C09, s16;
	s23 =	rddreg [dreg:$0x13]  }
0x2d: {  	[hbm:s17], [sflag:s16] =	dma.local [spmem:s23], $0x400  }
0x2e: {  	_ =	swait.ge [sflag:s30], $0x400  }
0x2f: {  	[sflag:s30] =	ssyncset.done $0x0;
	s24 =	rddreg [dreg:$0xe]  }
0x30: {  	s25 =	rddreg [dreg:$0x14];
	[sflag:s30] =	ssyncadd.s32 $0xFFFFFC00  }
0x31: {  	[hbm:s24], [sflag:s16] =	dma.local [spmem:s25], $0x400  }
0x32: {  	_ =	swait.ge [sflag:s30], $0x400  }
0x33: {  	[sflag:s30] =	ssyncset.done $0x0;
	s19 =	rddreg [dreg:$0xf]  }
0x34: {  	s20 =	rddreg [dreg:$0x15];
	[sflag:s30] =	ssyncadd.s32 $0xFFFFFC00  }
0x35: {  	[hbm:s19], [sflag:s16] =	dma.local [spmem:s20], $0x400  }
0x36: {  	_ =	swait.ge [sflag:s30], $0x400  }
0x37: {  	[sflag:s30] =	ssyncset.done $0x0;
	s21 =	rddreg [dreg:$0x10]  }
0x38: {  	s22 =	rddreg [dreg:$0x16];
	[sflag:s30] =	ssyncadd.s32 $0xFFFFFC00  }
0x39: {  	[hbm:s21], [sflag:s16] =	dma.local [spmem:s22], $0x400  }
0x3a: {  	_ =	swait.ge [sflag:s30], $0x400  }
0x3b: {  	[sflag:s30] =	ssyncset.done $0x0;
	s23 =	rddreg [dreg:$0x11]  }
0x3c: {  	s24 =	rddreg [dreg:$0x17];
	[sflag:s30] =	ssyncadd.s32 $0xFFFFFC00  }
0x3d: {  	[hbm:s23], [sflag:s16] =	dma.local [spmem:s24], $0x400  }
0x3e: {  	_ =	swait.ge [sflag:s30], $0x400  }
0x3f: {  	s15 =	sadd.s32 $0x1, s15;
	s25 =	rddreg [dreg:$0x8]  }
0x40: {  	p0 =	sne.s32 s15, s25  }
.Ltmp1:
0x41: {  	_ = 	snop;
	(pc) =	sbr.rel @!p0 .LBB2_5-.Ltmp1, $3  }
0x42: {  	_ =	sdelay $0x1  }
0x43: {  	[sflag:s30] =	ssyncset.done $0x0  }
0x44: {  	[sflag:s30] =	ssyncadd.s32 $0xFFFFFC00  }
.LBB2_1:
0x45: {  	s16 =	rddreg [dreg:$0x5]  }
0x46: {  	[tilespmem:s4], [sflag:$0x9] =	stream.linear.gather [hbm4b:s16+s4], $0x2800, $0x38;
	[tilespmem:$0x1FA00] =	vst v63  }
0x47: {  	_ =	swait.ge [sflag:s30], $0x2800  }
0x48: {  	[sflag:s30] =	ssyncset.done $0x0  }
0x49: {  	s17 =	simm.s32 $0x2800;
	s25 =	rddreg [dreg:$0x6];
	[sflag:s30] =	ssyncadd.s32 $0xFFFFD800  }
0x4a: {  	[tilespmem:s17], [sflag:$0x9] =	stream.linear.gather [hbm4b:s25+s4], $0x2800, $0x38;
	[tilespmem:$0x1FA00] =	vst v63  }
0x4b: {  	_ =	swait.ge [sflag:s30], $0x2800  }
0x4c: {  	[sflag:s30] =	ssyncset.done $0x0  }
0x4d: {  	s17 =	rddreg [dreg:$0x4];
	[sflag:s30] =	ssyncadd.s32 $0xFFFFD800  }
0x4e: {  	[tilespmem:s2], [sflag:$0x9] =	stream.linear.gather [hbm4b:s17+s4], $0x1000, $0x38;
	[tilespmem:$0x1FA00] =	vst v63  }
0x4f: {  	_ =	swait.ge [sflag:s30], $0x1000  }
0x50: {  	[sflag:s30] =	ssyncset.done $0x0  }
0x51: {  	[sflag:s30] =	ssyncadd.s32 $0xFFFFF000  }
0x52: {  	[spmem:s8] =	stream.linear.scatter [tilespmem:s2], [sflag:$0x9], $0x1000, $0x38;
	[tilespmem:$0x1FA00] =	vst v63  }
0x53: {  	_ =	swait.ge [sflag:s30], $0x1000  }
0x54: {  	[sflag:s30] =	ssyncset.done $0x0  }
0x55: {  	s18 =	rddreg [dreg:$0x9];
	[sflag:s30] =	ssyncadd.s32 $0xFFFFF000  }
0x56: {  	[spmem:s18] =	stream.linear.scatter [tilespmem:s2], [sflag:$0x9], $0x1000, $0x38;
	[tilespmem:$0x1FA00] =	vst v63  }
0x57: {  	_ =	swait.ge [sflag:s30], $0x1000  }
0x58: {  	[sflag:s30] =	ssyncset.done $0x0  }
0x59: {  	s19 =	rddreg [dreg:$0xa];
	[sflag:s30] =	ssyncadd.s32 $0xFFFFF000  }
0x5a: {  	[spmem:s19] =	stream.linear.scatter [tilespmem:s2], [sflag:$0x9], $0x1000, $0x38;
	[tilespmem:$0x1FA00] =	vst v63  }
0x5b: {  	_ =	swait.ge [sflag:s30], $0x1000  }
0x5c: {  	[sflag:s30] =	ssyncset.done $0x0  }
0x5d: {  	s20 =	rddreg [dreg:$0xb];
	[sflag:s30] =	ssyncadd.s32 $0xFFFFF000  }
0x5e: {  	[spmem:s20] =	stream.linear.scatter [tilespmem:s2], [sflag:$0x9], $0x1000, $0x38;
	[tilespmem:$0x1FA00] =	vst v63  }
0x5f: {  	_ =	swait.ge [sflag:s30], $0x1000  }
0x60: {  	[sflag:s30] =	ssyncset.done $0x0  }
0x61: {  	s21 =	rddreg [dreg:$0xc];
	[sflag:s30] =	ssyncadd.s32 $0xFFFFF000  }
0x62: {  	[spmem:s21] =	stream.linear.scatter [tilespmem:s2], [sflag:$0x9], $0x1000, $0x38;
	[tilespmem:$0x1FA00] =	vst v63  }
0x63: {  	_ =	swait.ge [sflag:s30], $0x1000  }
0x64: {  	[sflag:s30] =	ssyncset.done $0x0  }
0x65: {  	s22 =	rddreg [dreg:$0xd];
	[sflag:s30] =	ssyncadd.s32 $0xFFFFF000  }
0x66: {  	[spmem:s22] =	stream.linear.scatter [tilespmem:s2], [sflag:$0x9], $0x1000, $0x38;
	[tilespmem:$0x1FA00] =	vst v63  }
0x67: {  	_ =	swait.ge [sflag:s30], $0x1000  }
0x68: {  	[sflag:s30] =	ssyncset.done $0x0  }
0x69: {  	s23 =	rddreg [dreg:$0x12];
	[sflag:s30] =	ssyncadd.s32 $0xFFFFF000  }
0x6a: {  	[spmem:s23] =	stream.linear.scatter [tilespmem:s2], [sflag:$0x9], $0x1000, $0x38;
	[tilespmem:$0x1FA00] =	vst v63  }
0x6b: {  	_ =	swait.ge [sflag:s30], $0x1000  }
0x6c: {  	[sflag:s30] =	ssyncset.done $0x0  }
0x6d: {  	[sflag:s30] =	ssyncadd.s32 $0xFFFFF000  }
0x6e: {  	[spmem:s26] =	stream.linear.scatter [tilespmem:s2], [sflag:$0x9], $0x1000, $0x38;
	[tilespmem:$0x1FA00] =	vst v63  }
0x6f: {  	_ =	swait.ge [sflag:s30], $0x1000  }
0x70: {  	[sflag:s30] =	ssyncset.done $0x0  }
0x71: {  	[sflag:s30] =	ssyncadd.s32 $0xFFFFF000  }
0x72: {  	[spmem:s28] =	stream.linear.scatter [tilespmem:s2], [sflag:$0x9], $0x1000, $0x38;
	[tilespmem:$0x1FA00] =	vst v63  }
0x73: {  	_ =	swait.ge [sflag:s30], $0x1000  }
0x74: {  	[sflag:s30] =	ssyncset.done $0x0  }
0x75: {  	[sflag:s30] =	ssyncadd.s32 $0xFFFFF000  }
0x76: {  	[spmem:s29] =	stream.linear.scatter [tilespmem:s2], [sflag:$0x9], $0x1000, $0x38;
	[tilespmem:$0x1FA00] =	vst v63  }
0x77: {  	_ =	swait.ge [sflag:s30], $0x1000  }
0x78: {  	[sflag:s30] =	ssyncset.done $0x0  }
0x79: {  	[sflag:s30] =	ssyncadd.s32 $0xFFFFF000  }
0x7a: {  	[bflag:$0x0] =	sbarrier.arrive $0xFFFF  }
0x7b: {  	[tilespmem:s31], [sflag:$0x1] =	stream.indirect.gather [hbm4b:s1+s0], $0x40, s4, s0, $0xb8;
	[tilespmem:$0x1FA00] =	vst v63  }
0x7c: {  	s24 =	simm.s32 $0x80;
	s25 =	simm.s32 $0x6F40  }
0x7d: {  	[tilespmem:s25], [sflag:$0x2] =	stream.indirect.gather [hbm4b:s1+s0], $0x40, s24, s0, $0xb8;
	[tilespmem:$0x1FA00] =	vst v63  }
0x7e: {  	s18 =	simm.s32 $0x100  }
0x7f: {  	[tilespmem:s5], [sflag:$0x3] =	stream.indirect.gather [hbm4b:s1+s0], $0x40, s18, s0, $0xb8;
	[tilespmem:$0x1FA00] =	vst v63  }
0x80: {  	s19 =	simm.s32 $0x180;
	s20 =	simm.s32 $0xADC0  }
0x81: {  	[tilespmem:s20], [sflag:$0x4] =	stream.indirect.gather [hbm4b:s1+s0], $0x40, s19, s0, $0xb8;
	[tilespmem:$0x1FA00] =	vst v63  }
0x82: {  	s21 =	simm.s32 $0x200  }
0x83: {  	[tilespmem:s6], [sflag:$0x5] =	stream.indirect.gather [hbm4b:s1+s0], $0x40, s21, s0, $0xb8;
	[tilespmem:$0x1FA00] =	vst v63  }
0x84: {  	s22 =	simm.s32 $0x280;
	s23 =	simm.s32 $0xEC40  }
0x85: {  	[tilespmem:s23], [sflag:$0x6] =	stream.indirect.gather [hbm4b:s1+s0], $0x40, s22, s0, $0xb8;
	[tilespmem:$0x1FA00] =	vst v63  }
0x86: {  	s24 =	simm.s32 $0x300  }
0x87: {  	[tilespmem:s7], [sflag:$0x7] =	stream.indirect.gather [hbm4b:s1+s0], $0x40, s24, s0, $0xb8;
	[tilespmem:$0x1FA00] =	vst v63  }
0x88: {  	s16 =	simm.s32 $0x0;
	s25 =	simm.s32 $0x380  }
0x89: {  	[tilespmem:s9], [sflag:$0x8] =	stream.indirect.gather [hbm4b:s1+s0], $0x40, s25, s0, $0xb8;
	[tilespmem:$0x1FA00] =	vst v63  }
.LBB2_2:
0x8a: {  	_ =	swait.ge [sflag:s10], $0x1F40  }
0x8b: {  	s17 =	sshra.s32 s16, $0x2;
	[sflag:s10] =	ssyncset.done $0x0  }
0x8c: {  	s18 =	sadd.s32 $0x2800, s17;
	[sflag:s10] =	ssyncadd.s32 $0xFFFFE0C0  }
0x8d: {  	[spmem:s3] =	stream.indirect.scatter.add.f32 [tilespmem:s31], [sflag:$0x9], $0x40, s18, s0, $0xb8;
	[tilespmem:$0x1FA00] =	vst v63  }
0x8e: {  	_ =	swait.ge [sflag:s30], $0x1F40  }
0x8f: {  	p0 =	seq.s32 s16, $0x9000;
	[sflag:s30] =	ssyncset.done $0x0  }
0x90: {  	s18 =	simm.s32 @p0 $0x2;
	[sflag:s30] =	ssyncadd.s32 $0xFFFFE0C0  }
0x91: {  	s20 =	sshra.s32 @p0 s16, $0x2;
	_ =	swait.ge @p0 [sflag:s18], $0x1F40  }
0x92: {  	s21 =	simm.s32 @p0 $0x7D;
	s19 =	simm.s32 @p0 $0x6F40;
	[sflag:s18] =	ssyncset.done @p0 $0x0  }
0x93: {  	s22 =	simm.s32 @p0 $0x9;
	[sflag:s18] =	ssyncadd.s32 @p0 $0xFFFFE0C0;
	s18 =	sadd.s32 @p0 $0x2880, s20  }
0x94: {  	[spmem:s3] =	stream.indirect.scatter.add.f32 @p0 [tilespmem:s19], [sflag:$0x9], $0x40, s18, s21, $0xb8;
	[tilespmem:$0x1FA00] =	vst v63  }
0x95: {  	_ =	swait.ge @p0 [sflag:s22], $0x1F40  }
0x96: {  	s24 =	simm.s32 @!p0 $0x5000;
	s18 =	sshra.s32 @!p0 s16, $0x2;
	[sflag:s22] =	ssyncset.done @p0 $0x0  }
0x97: {  	s19 =	simm.s32 @!p0 $0x7D;
	s23 =	sadd.s32 @!p0 $0x400, s18;
	[sflag:s22] =	ssyncadd.s32 @p0 $0xFFFFE0C0  }
0x98: {  	[tilespmem:s24], [sflag:$0x1] =	stream.indirect.gather @!p0 [hbm4b:s1+s19], $0x40, s23, s19, $0xb8;
	[tilespmem:$0x1FA00] =	vst v63  }
0x99: {  	s23 =	simm.s32 @!p0 $0x2  }
0x9a: {  	_ =	swait.ge @!p0 [sflag:s23], $0x1F40  }
0x9b: {  	[sflag:s23] =	ssyncset.done @!p0 $0x0  }
0x9c: {  	s24 =	simm.s32 @!p0 $0x6F40;
	[sflag:s23] =	ssyncadd.s32 @!p0 $0xFFFFE0C0;
	s23 =	sadd.s32 @!p0 $0x2880, s18  }
0x9d: {  	[spmem:s3] =	stream.indirect.scatter.add.f32 @!p0 [tilespmem:s24], [sflag:$0x9], $0x40, s23, s19, $0xb8;
	[tilespmem:$0x1FA00] =	vst v63  }
0x9e: {  	s23 =	simm.s32 @!p0 $0x9  }
0x9f: {  	_ =	swait.ge @!p0 [sflag:s23], $0x1F40  }
0xa0: {  	[sflag:s23] =	ssyncset.done @!p0 $0x0  }
0xa1: {  	s25 =	sadd.s32 @!p0 $0x480, s18;
	[sflag:s23] =	ssyncadd.s32 @!p0 $0xFFFFE0C0  }
0xa2: {  	[tilespmem:s24], [sflag:$0x2] =	stream.indirect.gather @!p0 [hbm4b:s1+s19], $0x40, s25, s19, $0xb8;
	[tilespmem:$0x1FA00] =	vst v63  }
0xa3: {  	_ =	swait.ge [sflag:s11], $0x1F40  }
0xa4: {  	[sflag:s11] =	ssyncset.done $0x0  }
0xa5: {  	s25 =	sadd.s32 $0x2900, s17;
	[sflag:s11] =	ssyncadd.s32 $0xFFFFE0C0  }
0xa6: {  	[spmem:s3] =	stream.indirect.scatter.add.f32 [tilespmem:s5], [sflag:$0x9], $0x40, s25, s0, $0xb8;
	[tilespmem:$0x1FA00] =	vst v63  }
0xa7: {  	_ =	swait.ge [sflag:s30], $0x1F40  }
0xa8: {  	[sflag:s30] =	ssyncset.done $0x0  }
0xa9: {  	s24 =	simm.s32 @p0 $0x4;
	[sflag:s30] =	ssyncadd.s32 $0xFFFFE0C0  }
0xaa: {  	_ =	swait.ge @p0 [sflag:s24], $0x1F40  }
0xab: {  	[sflag:s24] =	ssyncset.done @p0 $0x0  }
0xac: {  	s25 =	simm.s32 @p0 $0xADC0;
	[sflag:s24] =	ssyncadd.s32 @p0 $0xFFFFE0C0;
	s24 =	sadd.s32 @p0 $0x2980, s20  }
0xad: {  	[spmem:s3] =	stream.indirect.scatter.add.f32 @p0 [tilespmem:s25], [sflag:$0x9], $0x40, s24, s21, $0xb8;
	[tilespmem:$0x1FA00] =	vst v63  }
0xae: {  	_ =	swait.ge @p0 [sflag:s22], $0x1F40  }
0xaf: {  	[sflag:s22] =	ssyncset.done @p0 $0x0  }
0xb0: {  	s24 =	sadd.s32 @!p0 $0x500, s18;
	s25 =	simm.s32 @!p0 $0x8E80;
	[sflag:s22] =	ssyncadd.s32 @p0 $0xFFFFE0C0  }
0xb1: {  	[tilespmem:s25], [sflag:$0x3] =	stream.indirect.gather @!p0 [hbm4b:s1+s19], $0x40, s24, s19, $0xb8;
	[tilespmem:$0x1FA00] =	vst v63  }
0xb2: {  	s24 =	simm.s32 @!p0 $0x4  }
0xb3: {  	_ =	swait.ge @!p0 [sflag:s24], $0x1F40  }
0xb4: {  	[sflag:s24] =	ssyncset.done @!p0 $0x0  }
0xb5: {  	s25 =	simm.s32 @!p0 $0xADC0;
	[sflag:s24] =	ssyncadd.s32 @!p0 $0xFFFFE0C0;
	s24 =	sadd.s32 @!p0 $0x2980, s18  }
0xb6: {  	[spmem:s3] =	stream.indirect.scatter.add.f32 @!p0 [tilespmem:s25], [sflag:$0x9], $0x40, s24, s19, $0xb8;
	[tilespmem:$0x1FA00] =	vst v63  }
0xb7: {  	_ =	swait.ge @!p0 [sflag:s23], $0x1F40  }
0xb8: {  	[sflag:s23] =	ssyncset.done @!p0 $0x0  }
0xb9: {  	s24 =	sadd.s32 @!p0 $0x580, s18;
	[sflag:s23] =	ssyncadd.s32 @!p0 $0xFFFFE0C0  }
0xba: {  	[tilespmem:s25], [sflag:$0x4] =	stream.indirect.gather @!p0 [hbm4b:s1+s19], $0x40, s24, s19, $0xb8;
	[tilespmem:$0x1FA00] =	vst v63  }
0xbb: {  	_ =	swait.ge [sflag:s12], $0x1F40  }
0xbc: {  	[sflag:s12] =	ssyncset.done $0x0  }
0xbd: {  	s25 =	sadd.s32 $0x2A00, s17;
	[sflag:s12] =	ssyncadd.s32 $0xFFFFE0C0  }
0xbe: {  	[spmem:s3] =	stream.indirect.scatter.add.f32 [tilespmem:s6], [sflag:$0x9], $0x40, s25, s0, $0xb8;
	[tilespmem:$0x1FA00] =	vst v63  }
0xbf: {  	_ =	swait.ge [sflag:s30], $0x1F40  }
0xc0: {  	[sflag:s30] =	ssyncset.done $0x0  }
0xc1: {  	s24 =	simm.s32 @p0 $0x6;
	[sflag:s30] =	ssyncadd.s32 $0xFFFFE0C0  }
0xc2: {  	_ =	swait.ge @p0 [sflag:s24], $0x1F40  }
0xc3: {  	[sflag:s24] =	ssyncset.done @p0 $0x0  }
0xc4: {  	s20 =	sadd.s32 @p0 $0x2A80, s20;
	[sflag:s24] =	ssyncadd.s32 @p0 $0xFFFFE0C0;
	s24 =	simm.s32 @p0 $0xEC40  }
0xc5: {  	[spmem:s3] =	stream.indirect.scatter.add.f32 @p0 [tilespmem:s24], [sflag:$0x9], $0x40, s20, s21, $0xb8;
	[tilespmem:$0x1FA00] =	vst v63  }
0xc6: {  	_ =	swait.ge @p0 [sflag:s22], $0x1F40  }
0xc7: {  	[sflag:s22] =	ssyncset.done @p0 $0x0  }
0xc8: {  	s20 =	sadd.s32 @!p0 $0x600, s18;
	s21 =	simm.s32 @!p0 $0xCD00;
	[sflag:s22] =	ssyncadd.s32 @p0 $0xFFFFE0C0  }
0xc9: {  	[tilespmem:s21], [sflag:$0x5] =	stream.indirect.gather @!p0 [hbm4b:s1+s19], $0x40, s20, s19, $0xb8;
	[tilespmem:$0x1FA00] =	vst v63  }
0xca: {  	s20 =	simm.s32 @!p0 $0x6  }
0xcb: {  	_ =	swait.ge @!p0 [sflag:s20], $0x1F40  }
0xcc: {  	[sflag:s20] =	ssyncset.done @!p0 $0x0  }
0xcd: {  	s21 =	simm.s32 @!p0 $0xEC40;
	[sflag:s20] =	ssyncadd.s32 @!p0 $0xFFFFE0C0;
	s20 =	sadd.s32 @!p0 $0x2A80, s18  }
0xce: {  	[spmem:s3] =	stream.indirect.scatter.add.f32 @!p0 [tilespmem:s21], [sflag:$0x9], $0x40, s20, s19, $0xb8;
	[tilespmem:$0x1FA00] =	vst v63  }
0xcf: {  	_ =	swait.ge @!p0 [sflag:s23], $0x1F40  }
0xd0: {  	[sflag:s23] =	ssyncset.done @!p0 $0x0  }
0xd1: {  	s18 =	sadd.s32 @!p0 $0x680, s18;
	[sflag:s23] =	ssyncadd.s32 @!p0 $0xFFFFE0C0  }
0xd2: {  	[tilespmem:s21], [sflag:$0x6] =	stream.indirect.gather @!p0 [hbm4b:s1+s19], $0x40, s18, s19, $0xb8;
	[tilespmem:$0x1FA00] =	vst v63  }
0xd3: {  	_ =	swait.ge [sflag:s13], $0x1F40  }
0xd4: {  	[sflag:s13] =	ssyncset.done $0x0  }
.Ltmp2:
0xd5: {  	s25 =	sadd.s32 $0x2B00, s17;
	[sflag:s13] =	ssyncadd.s32 $0xFFFFE0C0;
	(pc) =	sbr.rel @p0 .LBB2_4-.Ltmp2, $4  }
0xd6: {  	[spmem:s3] =	stream.indirect.scatter.add.f32 [tilespmem:s7], [sflag:$0x9], $0x40, s25, s0, $0xb8;
	[tilespmem:$0x1FA00] =	vst v63  }
0xd7: {  	_ =	swait.ge [sflag:s30], $0x1F40  }
0xd8: {  	[sflag:s30] =	ssyncset.done $0x0  }
0xd9: {  	s18 =	sadd.s32 $0x2B80, s17;
	[sflag:s30] =	ssyncadd.s32 $0xFFFFE0C0  }
0xda: {  	s19 =	sadd.s32 $0x700, s17  }
0xdb: {  	[tilespmem:s7], [sflag:$0x7] =	stream.indirect.gather [hbm4b:s1+s0], $0x40, s19, s0, $0xb8;
	[tilespmem:$0x1FA00] =	vst v63  }
0xdc: {  	_ =	swait.ge [sflag:s14], $0x1F40  }
0xdd: {  	[sflag:s14] =	ssyncset.done $0x0  }
0xde: {  	[sflag:s14] =	ssyncadd.s32 $0xFFFFE0C0  }
0xdf: {  	[spmem:s3] =	stream.indirect.scatter.add.f32 [tilespmem:s9], [sflag:$0x9], $0x40, s18, s0, $0xb8;
	[tilespmem:$0x1FA00] =	vst v63  }
.Ltmp3:
0xe0: {  	_ = 	snop;
	(pc) =	sbr.rel .LBB2_2-.Ltmp3, $4  }
0xe1: {  	_ =	swait.ge [sflag:s30], $0x1F40  }
0xe2: {  	[sflag:s30] =	ssyncset.done $0x0  }
0xe3: {  	s25 =	sadd.s32 $0x780, s17;
	s16 =	sadd.s32 $0x1000, s16;
	[sflag:s30] =	ssyncadd.s32 $0xFFFFE0C0  }
0xe4: {  	[tilespmem:s9], [sflag:$0x8] =	stream.indirect.gather [hbm4b:s1+s0], $0x40, s25, s0, $0xb8;
	[tilespmem:$0x1FA00] =	vst v63  }
.LBB2_5:
0xe5: {  	_ =	sfence.sel $0x180000  }
0xe6: {  	[bflag:$0x0] =	sbarrier.arrive $0xFFFF  }
0xe7: {  	_ =	strace $0x9000004D  }
0xe8: {  	s0 =	stileid.u32;
	[bflag:$0x2] =	sbarrier.arrive $0xFFFF  }
0xe9: {  	p0 =	sne.s32 s0, $0x0;
	s0 =	rddreg [dreg:$0x3]  }
0xea: {  	s0 =	sadd.s32 @!p0 $0x100000, s0  }
0xeb: {  	[sflag:s0] =	ssyncadd.tile.s32 @!p0 $0x1;
	_ =	shalt  }
.Lfunc_end2:
_tile_overlayer_lowered:
.L_overlay_start_2:
0xec: {  	(tag) =	ssettag $0x2  }
0xed: {  	s0 =	rddreg [dreg:$0x0];
	s2 =	stileid.u32  }
0xee: {  	s1 =	rddreg [dreg:$0x1];
	p0 =	sne.s32 s2, $0x0  }
0xef: {  	s3 =	rddreg [dreg:$0x2];
	[bflag:$0x3] =	sbarrier.arrive $0xFFFF;
	s2 =	simm.s32 @!p0 $0x1C09  }
0xf0: {  	[timem:s3], [sflag:s2] =	dma.local @!p0 [hbm:s0], s1  }
0xf1: {  	s0 =	simm.s32 @!p0 $0x9  }
0xf2: {  	_ =	swait.ge @!p0 [sflag:s0], s1  }
0xf3: {  	s1 =	ssub.s32 @!p0 $0x0, s1;
	[sflag:s0] =	ssyncset.done @!p0 $0x0  }
0xf4: {  	[sflag:s0] =	ssyncadd.s32 @!p0 s1  }
0xf5: {  	[bflag:$0x3] =	sbarrier.arrive $0xFFFF  }
0xf6: {  	_ =	shalt  }

// kernel: kernel.9.cloned.1.call-start
scs
__scs_entry_jumppad:
0x0: {  	(pc) =	sbr.rel $0x88, $3  }
0x1: {  	(tag) =	ssettag $0x0;
	lr =	simm.s32 $0x1  }
0x2: {  	[smem:$0x3F94] =	sst lr;
	_ =	strace $0xD0000000  }
0x3: {  	_ = 	snop  }
0x4: {  	_ = 	snop  }
0x5: {  	_ = 	snop  }
0x6: {  	_ = 	snop  }
0x7: {  	_ = 	snop  }
__scs_overlays_trampoline_lowered:
0x8: {  	[smem:$0x3FA3] =	sst s0  }
0x9: {  	[smem:$0x3FA4] =	sst s1  }
0xa: {  	[smem:$0x3FA5] =	sst s2  }
0xb: {  	[smem:$0x3FA6] =	sst s3  }
0xc: {  	[smem:$0x3FA7] =	sst s4  }
0xd: {  	[smem:$0x3FA8] =	sst s5  }
0xe: {  	[smem:$0x3FA9] =	sst s6  }
0xf: {  	[smem:$0x3FAA] =	sst s7  }
0x10: {  	[smem:$0x3FAB] =	sst s8  }
0x11: {  	[smem:$0x3FAC] =	sst s9;
	s0 =	simm.s32 @!p0 $0x0  }
0x12: {  	s1 =	sld [smem:$0x3F92];
	s0 =	simm.s32 @p0 $0x1  }
0x13: {  	[smem:$0x3FAD] =	sst s0;
	s0 =	simm.s32 @!p1 $0x0  }
0x14: {  	s2 =	sld [smem:$0x3F91];
	s0 =	simm.s32 @p1 $0x1  }
0x15: {  	[smem:$0x3FAE] =	sst s0;
	s0 =	simm.s32 @!p2 $0x0  }
0x16: {  	s3 =	sld [smem:$0x3FDB];
	s0 =	simm.s32 @p2 $0x1  }
0x17: {  	s4 =	simm.s32 $0x1BF5;
	[smem:$0x3FB0] =	sst s0  }
0x18: {  	s0 =	sld [smem:$0x3F93];
	_ =	swait.ge [sflag:s4], $0x0  }
0x19: {  	s7 =	sld [smem:$0x3F94]  }
0x1a: {  	s8 =	sadd.s32 $0xFFFFE003, lr  }
0x1b: {  	s9 =	sadd.s32 $0xFFFFFEF7, lr;
	s5 =	simm.s32 $0xFFFFFFFF;
	p2 =	slt.u32 s8, $0xFFFFF086  }
0x1c: {  	p1 =	slt.u32 s9, $0xF7A;
	s5 =	simm.s32 @!p2 $0x0  }
0x1d: {  	s5 =	simm.s32 @p1 $0x1;
	p0 =	seq.s32 s7, s2  }
0x1e: {  	s7 =	smul.u32 @!p0 $0xF7A, s2;
	p2 =	seq.s32 @!p0 s5, $0x0  }
0x1f: {  	s9 =	smul.u32 $0xF7A, s1;
	s8 =	simm.s32 @!p0 $0x1BF5;
	p2 =	por !p2, p0  }
0x20: {  	[sflag:s8] =	ssyncset.s32 @!p0 $0xFFFFF086;
	s6 =	sadd.s32 @!p0 s3, s7;
	s7 =	simm.s32 @!p0 $0x108  }
0x21: {  	s3 =	sadd.s32 s3, s9;
	s6 =	sadd.s32 @!p0 $0x88, s6;
	s7 =	simm.s32 @p2 $0x1082  }
0x22: {  	[simem:s7], [sflag:s8] =	dma.local @!p0 [hbm:s6], $0xF7A  }
0x23: {  	s9 =	sor.u32 $0xD0000000, s2;
	s6 =	simm.s32 $0x108;
	_ =	swait.ge @!p0 [sflag:s8], $0x0  }
0x24: {  	s3 =	sadd.s32 $0x88, s3;
	s6 =	simm.s32 @!p1 $0x1082;
	[sflag:s4] =	ssyncset.s32 $0xFFFFF086  }
0x25: {  	[simem:s6], [sflag:s4] =	dma.local [hbm:s3], $0xF7A  }
0x26: {  	[smem:$0x3F94] =	sst s1;
	(tag) =	ssettag s2;
	_ =	strace s9  }
0x27: {  	s1 =	sld [smem:$0x3FA4]  }
0x28: {  	s2 =	sld [smem:$0x3FA5]  }
0x29: {  	s4 =	sld [smem:$0x3FA7]  }
0x2a: {  	p0 =	seq.s32 s5, $0x0;
	s5 =	sld [smem:$0x3FA8]  }
0x2b: {  	s6 =	sld [smem:$0x3FA9]  }
0x2c: {  	s7 =	sld [smem:$0x3FAA]  }
0x2d: {  	s3 =	simm.s32 $0x108;
	s8 =	sld [smem:$0x3FAB]  }
0x2e: {  	s3 =	simm.s32 @!p0 $0x1082;
	s9 =	sld [smem:$0x3FAC]  }
0x2f: {  	lr =	sadd.s32 s0, s3;
	s0 =	sld [smem:$0x3FA3]  }
0x30: {  	s3 =	sld [smem:$0x3FA6]  }
0x31: {  	[smem:$0x3FAF] =	sst s10  }
0x32: {  	s10 =	sld [smem:$0x3FAD];
	_ =	sdelay $0x3  }
0x33: {  	p0 =	seq.s32 s10, $0x1;
	s10 =	sld [smem:$0x3FAF];
	_ =	sdelay $0x3  }
0x34: {  	[smem:$0x3FAF] =	sst s10  }
0x35: {  	s10 =	sld [smem:$0x3FAE];
	_ =	sdelay $0x3  }
0x36: {  	p1 =	seq.s32 s10, $0x1;
	s10 =	sld [smem:$0x3FAF];
	_ =	sdelay $0x3  }
0x37: {  	[smem:$0x3FAF] =	sst s10  }
0x38: {  	s10 =	sld [smem:$0x3FB0]  }
0x39: {  	_ = 	snop;
	(pc) =	sbr.ind lr, $3  }
0x3a: {  	_ = 	snop  }
0x3b: {  	_ = 	snop  }
0x3c: {  	p2 =	seq.s32 s10, $0x1;
	s10 =	sld [smem:$0x3FAF]  }
0x3d: {  	_ =	shalt  }
0x3e: {  	_ =	shalt  }
0x3f: {  	_ =	shalt  }
0x40: {  	_ =	shalt  }
0x41: {  	_ =	shalt  }
0x42: {  	_ =	shalt  }
0x43: {  	_ =	shalt  }
0x44: {  	_ =	shalt  }
0x45: {  	_ =	shalt  }
0x46: {  	_ =	shalt  }
0x47: {  	_ =	shalt  }
0x48: {  	_ =	shalt  }
0x49: {  	_ =	shalt  }
0x4a: {  	_ =	shalt  }
0x4b: {  	_ =	shalt  }
0x4c: {  	_ =	shalt  }
0x4d: {  	_ =	shalt  }
0x4e: {  	_ =	shalt  }
0x4f: {  	_ =	shalt  }
0x50: {  	_ =	shalt  }
0x51: {  	_ =	shalt  }
0x52: {  	_ =	shalt  }
0x53: {  	_ =	shalt  }
0x54: {  	_ =	shalt  }
0x55: {  	_ =	shalt  }
0x56: {  	_ =	shalt  }
0x57: {  	_ =	shalt  }
0x58: {  	_ =	shalt  }
0x59: {  	_ =	shalt  }
0x5a: {  	_ =	shalt  }
0x5b: {  	_ =	shalt  }
0x5c: {  	_ =	shalt  }
0x5d: {  	_ =	shalt  }
0x5e: {  	_ =	shalt  }
0x5f: {  	_ =	shalt  }
0x60: {  	_ =	shalt  }
0x61: {  	_ =	shalt  }
0x62: {  	_ =	shalt  }
0x63: {  	_ =	shalt  }
0x64: {  	_ =	shalt  }
0x65: {  	_ =	shalt  }
0x66: {  	_ =	shalt  }
0x67: {  	_ =	shalt  }
0x68: {  	_ =	shalt  }
0x69: {  	_ =	shalt  }
0x6a: {  	_ =	shalt  }
0x6b: {  	_ =	shalt  }
0x6c: {  	_ =	shalt  }
0x6d: {  	_ =	shalt  }
0x6e: {  	_ =	shalt  }
0x6f: {  	_ =	shalt  }
0x70: {  	_ =	shalt  }
0x71: {  	_ =	shalt  }
0x72: {  	_ =	shalt  }
0x73: {  	_ =	shalt  }
0x74: {  	_ =	shalt  }
0x75: {  	_ =	shalt  }
0x76: {  	_ =	shalt  }
0x77: {  	_ =	shalt  }
0x78: {  	_ =	shalt  }
0x79: {  	_ =	shalt  }
0x7a: {  	_ =	shalt  }
0x7b: {  	_ =	shalt  }
0x7c: {  	_ =	shalt  }
0x7d: {  	_ =	shalt  }
0x7e: {  	_ =	shalt  }
0x7f: {  	_ =	shalt  }
0x80: {  	_ =	shalt  }
0x81: {  	_ =	shalt  }
0x82: {  	_ =	shalt  }
0x83: {  	_ =	shalt  }
0x84: {  	_ =	shalt  }
0x85: {  	_ =	shalt  }
0x86: {  	_ =	shalt  }
0x87: {  	_ =	shalt  }
.Lfunc_end0:
.L_simem_size_0:
called_computation_lowered:
.L_overlay_start_0:
0x88: {  	s2 =	sld [smem:$0x3FD9]  }
0x89: {  	s3 =	sld [smem:$0x3FFE];
	_ =	sdelay $0x1  }
0x8a: {  	s1 =	srdreg.scid  }
0x8b: {  	s0 =	sand.u32 $0x1, s1  }
0x8c: {  	s17 =	sshll.u32 s0, $0xA;
	s2 =	sadd.s32 s3, s2  }
0x8d: {  	s2 =	sadd.s32 s2, s17  }
0x8e: {  	[smem:$0x3FBB] =	sst s2  }
0x8f: {  	_ = 	snop  }
0x90: {  	s2 =	sld [smem:$0x3FD0];
	(tm) =	ssettm $0x1  }
0x91: {  	s18 =	sld [smem:$0x3FFB];
	_ =	sdelay $0x3  }
0x92: {  	_ =	strace s18  }
0x93: {  	s3 =	sld [smem:$0x3FFC];
	_ =	sdelay $0x3  }
0x94: {  	_ =	strace s3  }
0x95: {  	s3 =	sld [smem:$0x3FFD];
	_ =	sdelay $0x3  }
0x96: {  	_ =	strace s3  }
0x97: {  	_ =	strace $0x8FFFFFFF  }
0x98: {  	s19 =	sld [smem:$0x3FDB];
	_ =	sdelay $0x1  }
0x99: {  	s4 =	simm.s32 $_scs_section_size  }
0x9a: {  	s5 =	simm.s32 $_size__tile_overlayer_lowered;
	s6 =	simm.s32 $_tile_overlayer_lowered  }
0x9b: {  	s22 =	simm.s32 $0x1BFF;
	s21 =	sshll.u32 s6, $0x1;
	s3 =	sadd.s32 s4, s19  }
0x9c: {  	s7 =	simm.s32 $0x0;
	s20 =	sshll.u32 s5, $0x1;
	s5 =	sadd.s32 s21, s3  }
0x9d: {  	[timem:s7], [sflag:s22] =	dma.local [hbm:s5], s20  }
0x9e: {  	_ =	swait.ge [sflag:s22], s20  }
0x9f: {  	s4 =	ssub.s32 $0x0, s20;
	[sflag:s22] =	ssyncset.done $0x0  }
0xa0: {  	[sflag:s22] =	ssyncadd.s32 s4;
	_ =	sdelay $0x1  }
0xa1: {  	s23 =	simm.s32 $0x1B8B  }
0xa2: {  	_ =	swait.ge [sflag:s23], $0x1  }
0xa3: {  	[sflag:s23] =	ssyncset.done $0x0  }
0xa4: {  	s25 =	simm.s32 $0x1B8E;
	s24 =	sld [smem:$0x3FFE];
	[sflag:s23] =	ssyncadd.s32 $0xFFFFFFFF  }
0xa5: {  	s26 =	simm.s32 $execute0_lowered;
	[smem:$0x3FD2] =	sst s25  }
0xa6: {  	s5 =	sshll.u32 s26, $0x1;
	_ =	strace $0x80000046;
	[dreg:$0x1] =	wrdreg $0xFFFFFFFF  }
0xa7: {  	s28 =	simm.s32 $_size_execute0_lowered;
	s3 =	sadd.s32 s3, s5;
	[dreg:$0x0] =	wrdreg $0x0  }
0xa8: {  	s5 =	sshll.u32 s28, $0x1;
	[dreg:$0x2] =	wrdreg s3  }
0xa9: {  	[dreg:$0x3] =	wrdreg s5  }
0xaa: {  	[dreg:$0x4] =	wrdreg $0xC0  }
0xab: {  	_ =	task [dreg:s7], $0x5FFFF  }
0xac: {  	[dreg:$0x1] =	wrdreg $0xFFFFFFFF  }
0xad: {  	[dreg:$0x0] =	wrdreg $0x60  }
0xae: {  	[dreg:$0x2] =	wrdreg s24  }
0xaf: {  	[dreg:$0x3] =	wrdreg s2  }
0xb0: {  	[dreg:$0x4] =	wrdreg $0x37D00  }
0xb1: {  	[dreg:$0x5] =	wrdreg $0x9  }
0xb2: {  	_ =	task.clear_ibuf [dreg:s7], $0x6FFFF;
	_ =	strace $0x90000046  }
0xb3: {  	s29 =	simm.s32 $0x9;
	_ =	strace $0x80000048  }
0xb4: {  	_ =	swait.ge [sflag:s29], $0x1  }
0xb5: {  	[sflag:s29] =	ssyncadd.s32 $0xFFFFFFFF  }
0xb6: {  	_ =	strace $0x90000048  }
0xb7: {  	_ =	sfence  }
0xb8: {  	s30 =	sld [smem:$0x0];
	_ =	sdelay $0x2  }
0xb9: {  	s31 =	sshll.u32 s1, $0xD;
	s1 =	sshrl.u32 s1, $0x2  }
0xba: {  	s3 =	sand.u32 $0x4000, s31;
	s1 =	sadd.s32 s1, s30  }
0xbb: {  	s0 =	sor.u32 s3, s0;
	s1 =	sshll.u32 s1, $0x11  }
0xbc: {  	s0 =	sor.u32 s1, s0  }
0xbd: {  	s0 =	sadd.s32 $0x8F2B, s0  }
0xbe: {  	[sflag:s0] =	ssyncadd.remote.s32 $0x1  }
0xbf: {  	_ =	sfence.sel $0xFFFF  }
0xc0: {  	[dreg:$0x0] =	wrdreg $0xFFFFFFFF;
	(pc) =	sbr.abs _section_cstart, $3  }
0xc1: {  	[dreg:$0x1] =	wrdreg $0xFFFFFFFF  }
0xc2: {  	_ =	task.clear_ibuf [dreg:s7], $0x2FFFF;
	_ =	strace $0x9FFFFFFF  }
0xc3: {  	(tm) =	ssettm $0x7FFFFFFF  }
tec
execute0_lowered:
.L_overlay_start_1:
0x0: {  	(tag) =	ssettag $0x1  }
0x1: {  	s0 =	rddreg [dreg:$0x0]  }
0x2: {  	s2 =	srdreg.scid;
	s1 =	simm.s32 $0x0;
	s6 =	stileid.u32  }
0x3: {  	s2 =	sand.u32 $0x1, s2;
	[smem:$0x7FF] =	sst s1;
	s4 =	smul.u32 $0xA000, s6  }
0x4: {  	s6 =	sshll.u32 s6, $0x1;
	s8 =	sadd.s32 $0x18600, s0;
	s7 =	smul.u32 $0xA0000, s2  }
0x5: {  	s9 =	sadd.s32 $0x18604, s0;
	s11 =	sadd.s32 $0x18606, s0;
	s3 =	ssub.s32 $0x2, s2  }
0x6: {  	s2 =	sor.u32 s2, s6;
	s5 =	sshrl.u32 s3, $0x1;
	s15 =	sadd.s32 s7, s4  }
0x7: {  	s2 =	smul.u32 $0x2800, s2;
	s10 =	sadd.s32 $0x2000, s4;
	s6 =	sshrl.u32 s15, $0x3  }
0x8: {  	s3 =	ssub.s32 s3, s5;
	s5 =	sadd.s32 $0x18602, s0;
	s12 =	sadd.s32 s8, s6  }
0x9: {  	s16 =	sadd.s32 s7, s10;
	s13 =	sadd.s32 s6, s5;
	[dreg:$0x4] =	wrdreg s12  }
0xa: {  	s2 =	sshrl.u32 s2, $0x3;
	s17 =	sadd.s32 s6, s9;
	[dreg:$0x5] =	wrdreg s13  }
0xb: {  	s6 =	sadd.s32 s6, s11;
	[dreg:$0x6] =	wrdreg s17;
	s12 =	sshrl.u32 s16, $0x3  }
0xc: {  	s29 =	smax.u32 s3, $0x1;
	[dreg:$0x7] =	wrdreg s6;
	s18 =	sadd.s32 s8, s12  }
0xd: {  	s2 =	sadd.s32 s0, s2;
	s19 =	sadd.s32 s12, s5;
	[dreg:$0x8] =	wrdreg s18  }
0xe: {  	s6 =	sadd.s32 $0x4000, s4;
	s20 =	sadd.s32 s12, s9;
	[dreg:$0x9] =	wrdreg s19  }
0xf: {  	s21 =	sadd.s32 s7, s6;
	s12 =	sadd.s32 s12, s11;
	[dreg:$0xa] =	wrdreg s20  }
0x10: {  	[dreg:$0xb] =	wrdreg s12;
	s22 =	sshrl.u32 s21, $0x3;
	s19 =	sadd.s32 $0x6000, s4  }
0x11: {  	s20 =	sadd.s32 $0x8000, s4;
	s13 =	sadd.s32 s8, s22;
	s14 =	sadd.s32 s7, s19  }
0x12: {  	s7 =	sadd.s32 s7, s20;
	s23 =	sadd.s32 s22, s5;
	[dreg:$0xc] =	wrdreg s13  }
0x13: {  	s24 =	sadd.s32 s22, s9;
	s12 =	sadd.s32 s22, s11;
	[dreg:$0xd] =	wrdreg s23  }
0x14: {  	s19 =	sshrl.u32 s19, $0x2;
	s20 =	sshrl.u32 s20, $0x2;
	[dreg:$0xe] =	wrdreg s24  }
0x15: {  	[dreg:$0xf] =	wrdreg s12;
	s25 =	sshrl.u32 s14, $0x3;
	s7 =	sshrl.u32 s7, $0x3  }
0x16: {  	s23 =	rddreg [dreg:$0x2];
	s12 =	sshrl.u32 s10, $0x2;
	s14 =	sshrl.u32 s6, $0x2  }
0x17: {  	s6 =	simm.s32 $0x2800;
	s10 =	simm.s32 $0x2;
	s26 =	sadd.s32 s8, s25  }
0x18: {  	s15 =	sadd.s32 s25, s5;
	s16 =	sadd.s32 s25, s9;
	s17 =	sadd.s32 s25, s11  }
0x19: {  	s18 =	sadd.s32 s8, s7;
	s21 =	sadd.s32 s7, s5;
	s22 =	sadd.s32 s7, s9  }
0x1a: {  	s24 =	sadd.s32 s7, s11;
	s25 =	sadd.s32 $0x18400, s0;
	s11 =	sshrl.u32 s4, $0x2  }
0x1b: {  	s13 =	sadd.s32 s12, s23;
	s3 =	sadd.s32 s19, s23;
	s4 =	sadd.s32 s20, s23  }
0x1c: {  	s5 =	simm.s32 $0x1;
	s7 =	simm.s32 $0x2FD0;
	s8 =	simm.s32 $0x7D  }
0x1d: {  	s9 =	simm.s32 $0x8;
	[dreg:$0x10] =	wrdreg s26;
	s26 =	sadd.s32 $0xE400, s2  }
0x1e: {  	s28 =	sadd.s32 s11, s23;
	s2 =	sadd.s32 s14, s23;
	s30 =	sshrl.u32 s13, $0x3  }
0x1f: {  	s19 =	sshrl.u32 s3, $0x3;
	s0 =	sshrl.u32 s4, $0x3;
	s11 =	simm.s32 $0x0  }
0x20: {  	_ =	strace $0x80000047;
	s31 =	sshrl.u32 s2, $0x3;
	s20 =	sadd.s32 $0x800, s28  }
0x21: {  	s2 =	sadd.s32 $0x1000, s28;
	s3 =	sadd.s32 $0x1800, s28;
	s4 =	sadd.s32 $0x2000, s28  }
.LBB2_1:
0x22: {  	[tilespmem:s1], [sflag:$0x1] =	stream.linear.gather [hbm4b:s26+s1], $0x2800, $0x38;
	[tilespmem:$0x5FD0] =	vst v63  }
0x23: {  	_ =	swait.ge [sflag:s5], $0x2800  }
0x24: {  	[sflag:s5] =	ssyncset.done $0x0  }
0x25: {  	[sflag:s5] =	ssyncadd.s32 $0xFFFFD800  }
0x26: {  	s12 =	rddreg [dreg:$0x1]  }
0x27: {  	[tilespmem:s6], [sflag:$0x1] =	stream.linear.gather [hbm4b:s12+s1], $0x7D0, $0x38;
	[tilespmem:$0x5FD0] =	vst v63  }
0x28: {  	_ =	swait.ge [sflag:s5], $0x7D0  }
0x29: {  	[sflag:s5] =	ssyncset.done $0x0  }
0x2a: {  	[sflag:s5] =	ssyncadd.s32 $0xFFFFF830  }
0x2b: {  	[tilespmem:s7], [sflag:$0x1] =	stream.linear.gather [hbm4b:s25+s1], $0x800, $0x38;
	[tilespmem:$0x5FD0] =	vst v63  }
0x2c: {  	_ =	swait.ge [sflag:s5], $0x800  }
0x2d: {  	[sflag:s5] =	ssyncset.done $0x0  }
0x2e: {  	[sflag:s5] =	ssyncadd.s32 $0xFFFFF800  }
0x2f: {  	[spmem:s28] =	stream.linear.scatter [tilespmem:s7], [sflag:$0x1], $0x800, $0x38;
	[tilespmem:$0x5FD0] =	vst v63  }
0x30: {  	_ =	swait.ge [sflag:s5], $0x800  }
0x31: {  	[sflag:s5] =	ssyncset.done $0x0  }
0x32: {  	[sflag:s5] =	ssyncadd.s32 $0xFFFFF800  }
0x33: {  	[spmem:s20] =	stream.linear.scatter [tilespmem:s7], [sflag:$0x1], $0x800, $0x38;
	[tilespmem:$0x5FD0] =	vst v63  }
0x34: {  	_ =	swait.ge [sflag:s5], $0x800  }
0x35: {  	[sflag:s5] =	ssyncset.done $0x0  }
0x36: {  	[sflag:s5] =	ssyncadd.s32 $0xFFFFF800  }
0x37: {  	[spmem:s2] =	stream.linear.scatter [tilespmem:s7], [sflag:$0x1], $0x800, $0x38;
	[tilespmem:$0x5FD0] =	vst v63  }
0x38: {  	_ =	swait.ge [sflag:s5], $0x800  }
0x39: {  	[sflag:s5] =	ssyncset.done $0x0  }
0x3a: {  	[sflag:s5] =	ssyncadd.s32 $0xFFFFF800  }
0x3b: {  	[spmem:s3] =	stream.linear.scatter [tilespmem:s7], [sflag:$0x1], $0x800, $0x38;
	[tilespmem:$0x5FD0] =	vst v63  }
0x3c: {  	_ =	swait.ge [sflag:s5], $0x800  }
0x3d: {  	[sflag:s5] =	ssyncset.done $0x0  }
0x3e: {  	[sflag:s5] =	ssyncadd.s32 $0xFFFFF800  }
0x3f: {  	[spmem:s4] =	stream.linear.scatter [tilespmem:s7], [sflag:$0x1], $0x800, $0x38;
	[tilespmem:$0x5FD0] =	vst v63  }
0x40: {  	_ =	swait.ge [sflag:s5], $0x800  }
0x41: {  	[sflag:s5] =	ssyncset.done $0x0  }
0x42: {  	[sflag:s5] =	ssyncadd.s32 $0xFFFFF800  }
0x43: {  	s14 =	simm.s32 $0x0;
	[bflag:$0x0] =	sbarrier.arrive $0xFFFF  }
0x44: {  	[spmem:s23] =	stream.indirect.scatter.add.f32 [tilespmem:s6], [sflag:$0x1], $0x10, s14, s8, $0xb8;
	[tilespmem:$0x5FD0] =	vst v63  }
0x45: {  	_ =	swait.ge [sflag:s5], $0x7D0  }
0x46: {  	s12 =	simm.s32 $0x200;
	[sflag:s5] =	ssyncset.done $0x0  }
.LBB2_2:
0x47: {  	s13 =	sshra.s32 s12, $0x2;
	[sflag:s5] =	ssyncadd.s32 $0xFFFFF830;
	p0 =	sne.s32 s12, $0x9E00  }
0x48: {  	[spmem:s23] =	stream.indirect.scatter.add.f32 [tilespmem:s6], [sflag:$0x1], $0x10, s13, s8, $0xb8;
	[tilespmem:$0x5FD0] =	vst v63  }
.Ltmp0:
0x49: {  	_ = 	snop;
	(pc) =	sbr.rel @p0 .LBB2_2-.Ltmp0, $4  }
0x4a: {  	_ = 	snop  }
0x4b: {  	s12 =	sadd.s32 $0x200, s12  }
0x4c: {  	_ =	swait.ge [sflag:s5], $0x7D0  }
0x4d: {  	[sflag:s5] =	ssyncset.done $0x0  }
0x4e: {  	[sflag:s5] =	ssyncadd.s32 $0xFFFFF830;
	s12 =	stileid.u32  }
0x4f: {  	s12 =	sshll.u32 s12, $0x6;
	[bflag:$0x0] =	sbarrier.arrive $0xFFFF  }
0x50: {  	s13 =	sshrl.u32 s28, $0x3;
	s12 =	sor.u32 $0x1C01, s12;
	s14 =	rddreg [dreg:$0x4]  }
0x51: {  	[hbm:s14@s9], [sflag:s12] =	dma.strided [spmem:s13@s10], $0x100, s5, $0x2   }
0x52: {  	_ =	swait.ge [sflag:s5], $0x100  }
0x53: {  	[sflag:s5] =	ssyncset.done $0x0  }
0x54: {  	s14 =	rddreg [dreg:$0x5];
	[sflag:s5] =	ssyncadd.s32 $0xFFFFFF00  }
0x55: {  	[hbm:s14@s9], [sflag:s12] =	dma.strided [spmem:s13@s10], $0x100, s5, $0x2   }
0x56: {  	_ =	swait.ge [sflag:s5], $0x100  }
0x57: {  	[sflag:s5] =	ssyncset.done $0x0  }
0x58: {  	s14 =	rddreg [dreg:$0x6];
	[sflag:s5] =	ssyncadd.s32 $0xFFFFFF00  }
0x59: {  	[hbm:s14@s9], [sflag:s12] =	dma.strided [spmem:s13@s10], $0x100, s5, $0x2   }
0x5a: {  	_ =	swait.ge [sflag:s5], $0x100  }
0x5b: {  	[sflag:s5] =	ssyncset.done $0x0  }
0x5c: {  	s14 =	rddreg [dreg:$0x7];
	[sflag:s5] =	ssyncadd.s32 $0xFFFFFF00  }
0x5d: {  	[hbm:s14@s9], [sflag:s12] =	dma.strided [spmem:s13@s10], $0x100, s5, $0x2   }
0x5e: {  	_ =	swait.ge [sflag:s5], $0x100  }
0x5f: {  	[sflag:s5] =	ssyncset.done $0x0  }
0x60: {  	s14 =	rddreg [dreg:$0x8];
	[sflag:s5] =	ssyncadd.s32 $0xFFFFFF00  }
0x61: {  	[hbm:s14@s9], [sflag:s12] =	dma.strided [spmem:s30@s10], $0x100, s5, $0x2   }
0x62: {  	_ =	swait.ge [sflag:s5], $0x100  }
0x63: {  	[sflag:s5] =	ssyncset.done $0x0  }
0x64: {  	s14 =	rddreg [dreg:$0x9];
	[sflag:s5] =	ssyncadd.s32 $0xFFFFFF00  }
0x65: {  	[hbm:s14@s9], [sflag:s12] =	dma.strided [spmem:s30@s10], $0x100, s5, $0x2   }
0x66: {  	_ =	swait.ge [sflag:s5], $0x100  }
0x67: {  	[sflag:s5] =	ssyncset.done $0x0  }
0x68: {  	s14 =	rddreg [dreg:$0xa];
	[sflag:s5] =	ssyncadd.s32 $0xFFFFFF00  }
0x69: {  	[hbm:s14@s9], [sflag:s12] =	dma.strided [spmem:s30@s10], $0x100, s5, $0x2   }
0x6a: {  	_ =	swait.ge [sflag:s5], $0x100  }
0x6b: {  	[sflag:s5] =	ssyncset.done $0x0  }
0x6c: {  	s14 =	rddreg [dreg:$0xb];
	[sflag:s5] =	ssyncadd.s32 $0xFFFFFF00  }
0x6d: {  	[hbm:s14@s9], [sflag:s12] =	dma.strided [spmem:s30@s10], $0x100, s5, $0x2   }
0x6e: {  	_ =	swait.ge [sflag:s5], $0x100  }
0x6f: {  	[sflag:s5] =	ssyncset.done $0x0  }
0x70: {  	s14 =	rddreg [dreg:$0xc];
	[sflag:s5] =	ssyncadd.s32 $0xFFFFFF00  }
0x71: {  	[hbm:s14@s9], [sflag:s12] =	dma.strided [spmem:s31@s10], $0x100, s5, $0x2   }
0x72: {  	_ =	swait.ge [sflag:s5], $0x100  }
0x73: {  	[sflag:s5] =	ssyncset.done $0x0  }
0x74: {  	s14 =	rddreg [dreg:$0xd];
	[sflag:s5] =	ssyncadd.s32 $0xFFFFFF00  }
0x75: {  	[hbm:s14@s9], [sflag:s12] =	dma.strided [spmem:s31@s10], $0x100, s5, $0x2   }
0x76: {  	_ =	swait.ge [sflag:s5], $0x100  }
0x77: {  	[sflag:s5] =	ssyncset.done $0x0  }
0x78: {  	s14 =	rddreg [dreg:$0xe];
	[sflag:s5] =	ssyncadd.s32 $0xFFFFFF00  }
0x79: {  	[hbm:s14@s9], [sflag:s12] =	dma.strided [spmem:s31@s10], $0x100, s5, $0x2   }
0x7a: {  	_ =	swait.ge [sflag:s5], $0x100  }
0x7b: {  	[sflag:s5] =	ssyncset.done $0x0  }
0x7c: {  	s14 =	rddreg [dreg:$0xf];
	[sflag:s5] =	ssyncadd.s32 $0xFFFFFF00  }
0x7d: {  	[hbm:s14@s9], [sflag:s12] =	dma.strided [spmem:s31@s10], $0x100, s5, $0x2   }
0x7e: {  	_ =	swait.ge [sflag:s5], $0x100  }
0x7f: {  	[sflag:s5] =	ssyncset.done $0x0  }
0x80: {  	s14 =	rddreg [dreg:$0x10];
	[sflag:s5] =	ssyncadd.s32 $0xFFFFFF00  }
0x81: {  	[hbm:s14@s9], [sflag:s12] =	dma.strided [spmem:s19@s10], $0x100, s5, $0x2   }
0x82: {  	_ =	swait.ge [sflag:s5], $0x100  }
0x83: {  	[sflag:s5] =	ssyncset.done $0x0  }
0x84: {  	[sflag:s5] =	ssyncadd.s32 $0xFFFFFF00  }
0x85: {  	[hbm:s15@s9], [sflag:s12] =	dma.strided [spmem:s19@s10], $0x100, s5, $0x2   }
0x86: {  	_ =	swait.ge [sflag:s5], $0x100  }
0x87: {  	[sflag:s5] =	ssyncset.done $0x0  }
0x88: {  	[sflag:s5] =	ssyncadd.s32 $0xFFFFFF00  }
0x89: {  	[hbm:s16@s9], [sflag:s12] =	dma.strided [spmem:s19@s10], $0x100, s5, $0x2   }
0x8a: {  	_ =	swait.ge [sflag:s5], $0x100  }
0x8b: {  	[sflag:s5] =	ssyncset.done $0x0  }
0x8c: {  	[sflag:s5] =	ssyncadd.s32 $0xFFFFFF00  }
0x8d: {  	[hbm:s17@s9], [sflag:s12] =	dma.strided [spmem:s19@s10], $0x100, s5, $0x2   }
0x8e: {  	_ =	swait.ge [sflag:s5], $0x100  }
0x8f: {  	[sflag:s5] =	ssyncset.done $0x0  }
0x90: {  	[sflag:s5] =	ssyncadd.s32 $0xFFFFFF00  }
0x91: {  	[hbm:s18@s9], [sflag:s12] =	dma.strided [spmem:s0@s10], $0x100, s5, $0x2   }
0x92: {  	_ =	swait.ge [sflag:s5], $0x100  }
0x93: {  	[sflag:s5] =	ssyncset.done $0x0  }
0x94: {  	[sflag:s5] =	ssyncadd.s32 $0xFFFFFF00  }
0x95: {  	[hbm:s21@s9], [sflag:s12] =	dma.strided [spmem:s0@s10], $0x100, s5, $0x2   }
0x96: {  	_ =	swait.ge [sflag:s5], $0x100  }
0x97: {  	[sflag:s5] =	ssyncset.done $0x0  }
0x98: {  	[sflag:s5] =	ssyncadd.s32 $0xFFFFFF00  }
0x99: {  	[hbm:s22@s9], [sflag:s12] =	dma.strided [spmem:s0@s10], $0x100, s5, $0x2   }
0x9a: {  	s11 =	sadd.s32 $0x1, s11;
	_ =	swait.ge [sflag:s5], $0x100  }
0x9b: {  	p0 =	sne.s32 s11, s29;
	[sflag:s5] =	ssyncset.done $0x0  }
.Ltmp1:
0x9c: {  	[sflag:s5] =	ssyncadd.s32 $0xFFFFFF00;
	(pc) =	sbr.rel @p0 .LBB2_1-.Ltmp1, $4  }
0x9d: {  	[hbm:s24@s9], [sflag:s12] =	dma.strided [spmem:s0@s10], $0x100, s5, $0x2   }
0x9e: {  	_ =	swait.ge [sflag:s5], $0x100  }
0x9f: {  	[sflag:s5] =	ssyncset.done $0x0  }
0xa0: {  	[sflag:s5] =	ssyncadd.s32 $0xFFFFFF00  }
0xa1: {  	_ =	sfence.sel $0x180000  }
0xa2: {  	[bflag:$0x0] =	sbarrier.arrive $0xFFFF  }
0xa3: {  	_ =	strace $0x90000047  }
0xa4: {  	s0 =	stileid.u32;
	[bflag:$0x2] =	sbarrier.arrive $0xFFFF  }
0xa5: {  	p0 =	sne.s32 s0, $0x0;
	s0 =	rddreg [dreg:$0x3]  }
0xa6: {  	s0 =	sadd.s32 @!p0 $0x100000, s0  }
0xa7: {  	[sflag:s0] =	ssyncadd.tile.s32 @!p0 $0x1;
	_ =	shalt  }
.Lfunc_end2:
_tile_overlayer_lowered:
.L_overlay_start_2:
0xa8: {  	(tag) =	ssettag $0x2  }
0xa9: {  	s0 =	rddreg [dreg:$0x0];
	s2 =	stileid.u32  }
0xaa: {  	s1 =	rddreg [dreg:$0x1];
	p0 =	sne.s32 s2, $0x0  }
0xab: {  	s3 =	rddreg [dreg:$0x2];
	[bflag:$0x3] =	sbarrier.arrive $0xFFFF;
	s2 =	simm.s32 @!p0 $0x1C01  }
0xac: {  	[timem:s3], [sflag:s2] =	dma.local @!p0 [hbm:s0], s1  }
0xad: {  	s0 =	simm.s32 @!p0 $0x1  }
0xae: {  	_ =	swait.ge @!p0 [sflag:s0], s1  }
0xaf: {  	s1 =	ssub.s32 @!p0 $0x0, s1;
	[sflag:s0] =	ssyncset.done @!p0 $0x0  }
0xb0: {  	[sflag:s0] =	ssyncadd.s32 @!p0 s1  }
0xb1: {  	[bflag:$0x3] =	sbarrier.arrive $0xFFFF  }
0xb2: {  	_ =	shalt  }

</sc_bundles>
